<compile_context>
chip_gen: v7x
topology: tpu7x:2x2x1
jax: 0.10.2.dev20260603
libtpu: 0.0.44.dev20260713+nightly
codegen_flags: <defaults>
</compile_context>

<pallas_src>
import functools

import jax
import jax.numpy as jnp
from jax import lax
from jax.experimental import pallas as pl
from jax.experimental.pallas import tpu as pltpu
from jax.experimental.pallas import tpu_sc as plsc

CW = 64
NCH = 4
ROW = 2 * CW
BATCH = 128
NSUB = 16
NWORK = 32


def _pre_node_body(node_ref, wt_ref, wq_ref, lw_ref, elw_ref,
                   src_ref, dstq_ref, c_ref, la_ref, lb_ref):
    d = node_ref.shape[1]
    nb = node_ref[...]
    wq = wq_ref[...]
    a = jnp.dot(nb, wt_ref[0:d, :], preferred_element_type=jnp.float32)
    c = jnp.dot(nb, wt_ref[2 * d:3 * d, :], preferred_element_type=jnp.float32)
    aq = jnp.dot(a, wq, preferred_element_type=jnp.float32)
    cq = jnp.dot(c, wq, preferred_element_type=jnp.float32)
    c_ref[...] = c
    la_ref[...] = jnp.dot(nb, lw_ref[...], preferred_element_type=jnp.float32)
    lb_ref[...] = jnp.dot(nb, elw_ref[...], preferred_element_type=jnp.float32)
    for ch in range(NCH):
        sl = slice(ch * CW, (ch + 1) * CW)
        src_ref[ch] = jnp.concatenate([a[:, sl], aq[:, sl]], axis=1)
        dstq_ref[ch] = jnp.concatenate([c[:, sl], cq[:, sl]], axis=1)


def _pre_rel_body(rel_ref, wt_ref, wq_ref, rel_out_ref):
    d = rel_ref.shape[1]
    rb = rel_ref[...]
    b = jnp.dot(rb, wt_ref[d:2 * d, :], preferred_element_type=jnp.float32)
    bq = jnp.dot(b, wq_ref[...], preferred_element_type=jnp.float32)
    for ch in range(NCH):
        sl = slice(ch * CW, (ch + 1) * CW)
        rel_out_ref[ch] = jnp.concatenate([b[:, sl], bq[:, sl]], axis=1)


def _combine_body(p_ref, c_ref, la_ref, lb_ref, norm_ref, out_ref):
    p = p_ref[...]
    denom = jnp.concatenate([p[ch, :, 0:CW] for ch in range(NCH)], axis=1)
    sab = jnp.concatenate([p[ch, :, CW:ROW] for ch in range(NCH)], axis=1)
    c = c_ref[...]
    s = sab + c * denom
    h = s / (denom + 1e-16) * norm_ref[...]
    loop = jnp.where(denom[:, 0:1] > 0.0, la_ref[...], lb_ref[...])
    out_ref[...] = h + loop


def _make_sc_kernel(n, e, r, nhalf):
    nbatch = e // BATCH
    nb_per = nbatch // NSUB
    accrows = nhalf + 128
    stripe = accrows // NSUB
    mesh = plsc.VectorSubcoreMesh(core_axis_name="c", subcore_axis_name="s")

    @functools.partial(
        pl.kernel,
        out_type=jax.ShapeDtypeStruct((2, NCH, accrows, ROW), jnp.float32),
        mesh=mesh,
        scratch_types=[
            pltpu.VMEM((BATCH,), jnp.int32),
            pltpu.VMEM((BATCH,), jnp.int32),
            pltpu.VMEM((BATCH,), jnp.int32),
            pltpu.VMEM((BATCH,), jnp.int32),
            pltpu.VMEM((BATCH, ROW), jnp.float32),
            pltpu.VMEM((BATCH, ROW), jnp.float32),
            pltpu.VMEM((BATCH, ROW), jnp.float32),
            pltpu.VMEM((BATCH, ROW), jnp.float32),
            pltpu.VMEM_SHARED((nhalf + 128, ROW), jnp.float32),
            pltpu.SemaphoreType.DMA,
            pltpu.SemaphoreType.DMA,
            pltpu.SemaphoreType.DMA,
        ],
    )
    def sc_edge(src_tab, dstq_tab, rel_tab, src4, dstq4, et4, dsth, zeros,
                out, sidx, dqidx, eidx, didx, srcbuf, dstbuf, relbuf,
                compbuf, acc, sem0, sem1, sem2):
        cid = lax.axis_index("c")
        sid = lax.axis_index("s")

        for ch in range(NCH):
            pltpu.sync_copy(zeros, acc.at[pl.ds(sid * stripe, stripe)])
            plsc.subcore_barrier()

            @pl.loop(0, nb_per)
            def batch_a(i):
                base = (sid + i * NSUB) * BATCH
                pltpu.sync_copy(src4.at[pl.ds(ch * e + base, BATCH)], sidx)
                pltpu.sync_copy(dstq4.at[pl.ds(ch * e + base, BATCH)], dqidx)
                pltpu.sync_copy(et4.at[pl.ds(ch * e + base, BATCH)], eidx)
                pltpu.sync_copy(dsth.at[cid, pl.ds(base, BATCH)], didx)
                cp0 = pltpu.async_copy(src_tab.at[sidx], srcbuf, sem0)
                cp1 = pltpu.async_copy(dstq_tab.at[dqidx], dstbuf, sem1)
                cp2 = pltpu.async_copy(rel_tab.at[eidx], relbuf, sem2)
                cp0.wait()
                cp1.wait()
                cp2.wait()

                @pl.loop(0, BATCH)
                def edge_body(j):
                    for g in range(CW // 16):
                        lo = pl.ds(g * 16, 16)
                        hi = pl.ds(CW + g * 16, 16)
                        aq = srcbuf[j, hi] + relbuf[j, hi] + dstbuf[j, hi]
                        ex = jnp.exp(jnp.maximum(aq, aq * 0.01))
                        t = srcbuf[j, lo] + relbuf[j, lo]
                        compbuf[j, lo] = ex
                        compbuf[j, hi] = ex * t

                pltpu.sync_copy(compbuf, acc.at[didx], add=True)

            plsc.subcore_barrier()
            pltpu.sync_copy(acc.at[pl.ds(sid * stripe, stripe)],
                            out.at[cid, ch, pl.ds(sid * stripe, stripe)])
            plsc.subcore_barrier()

    return sc_edge


def kernel(node, rel, edge_index, edge_type, norm, loop_weight,
           evolve_loop_weight, w_triplet, w_quad):
    n, d = node.shape
    r = rel.shape[0]
    e = edge_type.shape[0]
    src = edge_index[0]
    dst = edge_index[1]

    npad = ((n + 255) // 256) * 256
    nhalf = npad // 2
    step = NSUB * BATCH
    epad = ((e + step - 1) // step) * step
    pad = epad - e
    zpad = jnp.zeros((pad,), jnp.int32)
    srcp = jnp.concatenate([src, zpad])
    dstg = jnp.concatenate([dst, zpad])
    dstp = jnp.concatenate([dst, jnp.full((pad,), 2 * nhalf, jnp.int32)])
    etp = jnp.concatenate([edge_type, zpad])

    offs_n = (jnp.arange(NCH, dtype=jnp.int32) * n)[:, None]
    offs_r = (jnp.arange(NCH, dtype=jnp.int32) * r)[:, None]
    src4 = (srcp[None, :] + offs_n).reshape(-1)
    dstq4 = (dstg[None, :] + offs_n).reshape(-1)
    et4 = (etp[None, :] + offs_r).reshape(-1)
    dsth = jnp.stack([
        jnp.where(dstp < nhalf, dstp, nhalf),
        jnp.where((dstp >= nhalf) & (dstp < 2 * nhalf), dstp - nhalf, nhalf),
    ])

    bn = n // 10
    pre = pl.pallas_call(
        _pre_node_body,
        grid=(n // bn,),
        in_specs=[
            pl.BlockSpec((bn, d), lambda i: (i, 0)),
            pl.BlockSpec((3 * d, d), lambda i: (0, 0)),
            pl.BlockSpec((d, d), lambda i: (0, 0)),
            pl.BlockSpec((d, d), lambda i: (0, 0)),
            pl.BlockSpec((d, d), lambda i: (0, 0)),
        ],
        out_specs=[
            pl.BlockSpec((NCH, bn, ROW), lambda i: (0, i, 0)),
            pl.BlockSpec((NCH, bn, ROW), lambda i: (0, i, 0)),
            pl.BlockSpec((bn, d), lambda i: (i, 0)),
            pl.BlockSpec((bn, d), lambda i: (i, 0)),
            pl.BlockSpec((bn, d), lambda i: (i, 0)),
        ],
        out_shape=[
            jax.ShapeDtypeStruct((NCH, n, ROW), jnp.float32),
            jax.ShapeDtypeStruct((NCH, n, ROW), jnp.float32),
            jax.ShapeDtypeStruct((n, d), jnp.float32),
            jax.ShapeDtypeStruct((n, d), jnp.float32),
            jax.ShapeDtypeStruct((n, d), jnp.float32),
        ],
    )
    src_tab, dstq_tab, c_tab, la_tab, lb_tab = pre(
        node, w_triplet, w_quad, loop_weight, evolve_loop_weight)

    rel_pre = pl.pallas_call(
        _pre_rel_body,
        out_shape=jax.ShapeDtypeStruct((NCH, r, ROW), jnp.float32),
    )
    rel_tab = rel_pre(rel, w_triplet, w_quad)

    sc_edge = _make_sc_kernel(n, epad, r, nhalf)
    accrows = nhalf + 128
    zeros = jnp.zeros((accrows // NSUB, ROW), jnp.float32)
    partial = sc_edge(
        src_tab.reshape(NCH * n, ROW),
        dstq_tab.reshape(NCH * n, ROW),
        rel_tab.reshape(NCH * r, ROW),
        src4, dstq4, et4, dsth, zeros)

    parts = jnp.concatenate(
        [partial[0, :, :nhalf], partial[1, :, :n - nhalf]], axis=1)

    combine = pl.pallas_call(
        _combine_body,
        grid=(n // bn,),
        in_specs=[
            pl.BlockSpec((NCH, bn, ROW), lambda i: (0, i, 0)),
            pl.BlockSpec((bn, d), lambda i: (i, 0)),
            pl.BlockSpec((bn, d), lambda i: (i, 0)),
            pl.BlockSpec((bn, d), lambda i: (i, 0)),
            pl.BlockSpec((bn, 1), lambda i: (i, 0)),
        ],
        out_specs=pl.BlockSpec((bn, d), lambda i: (i, 0)),
        out_shape=jax.ShapeDtypeStruct((n, d), jnp.float32),
    )
    return combine(parts, c_tab, la_tab, lb_tab, norm)

# --- scband reference (transcript-rebuilt; emitter-appended) ---
"""Pipeline reference for scband-rgat-74431783240014 (READ-ONLY COPY).

The authoritative reference and input builder live on the scoring server;
editing this copy changes nothing except your own understanding.
"""

import jax, jax.numpy as jnp
import numpy as np

N = 10000
E = 160000
D = 256
R = 200


def setup_inputs(seed: int = 0) -> dict:
    key = jax.random.key(seed)
    ks = jax.random.split(key, 10)
    node = jax.random.normal(ks[0], (N, D), dtype=jnp.float32)
    rel = jax.random.normal(ks[1], (R, D), dtype=jnp.float32)
    edge_index = jax.random.randint(ks[2], (2, E), 0, N, dtype=jnp.int32)
    edge_type = jax.random.randint(ks[3], (E,), 0, R, dtype=jnp.int32)
    norm = jax.random.uniform(ks[4], (N, 1), dtype=jnp.float32)
    s = 0.05
    loop_weight = jax.random.normal(ks[5], (D, D), dtype=jnp.float32) * s
    evolve_loop_weight = jax.random.normal(ks[6], (D, D), dtype=jnp.float32) * s
    w_triplet = jax.random.normal(ks[7], (3 * D, D), dtype=jnp.float32) * s
    w_quad = jax.random.normal(ks[8], (D, D), dtype=jnp.float32) * s
    return {"node": node, "rel": rel, "edge_index": edge_index, "edge_type": edge_type,
            "norm": norm, "loop_weight": loop_weight, "evolve_loop_weight": evolve_loop_weight,
            "w_triplet": w_triplet, "w_quad": w_quad}


def reference(node, rel, edge_index, edge_type, norm, loop_weight, evolve_loop_weight, w_triplet, w_quad):
    src = edge_index[0]
    dst = edge_index[1]
    # rel_emb = rel[edge_type]
    rel_emb = jnp.take(rel, edge_type, axis=0)
    h_src = jnp.take(node, src, axis=0)
    h_dst = jnp.take(node, dst, axis=0)
    # quads_msg_func: triplet = cat([src_h, rel_emb, dst_h]) @ w_triplet
    triplet = jnp.concatenate([h_src, rel_emb, h_dst], axis=1) @ w_triplet
    # no 'fre' in edata -> sro_fre = 0
    a = triplet @ w_quad
    # leaky_relu (default negative_slope=0.01)
    a = jnp.where(a > 0, a, 0.01 * a)
    # edge_softmax over incoming edges per dst node (per feature dim)
    a_max = jax.ops.segment_max(a, dst, num_segments=N)
    a_max = jnp.where(jnp.isfinite(a_max), a_max, 0.0)
    ex = jnp.exp(a - jnp.take(a_max, dst, axis=0))
    denom = jax.ops.segment_sum(ex, dst, num_segments=N)
    att = ex / (jnp.take(denom, dst, axis=0) + 1e-16)
    # msg_func + fn.sum
    h = jax.ops.segment_sum(att * triplet, dst, num_segments=N)
    # apply_func: h * norm
    h = h * norm
    # self loop: nodes with in_degree>0 use loop_weight, others evolve_loop_weight
    deg = jax.ops.segment_sum(jnp.ones((E,), jnp.float32), dst, num_segments=N)
    loop_msg = jnp.where((deg > 0)[:, None], node @ loop_weight, node @ evolve_loop_weight)
    # dropout=0, no layer_norm, no activation, no bias
    return h + loop_msg

if __name__ == "__main__":
    import jax
    _d = setup_inputs()
    print(jax.jit(kernel)(*tuple(_d.values())))

</pallas_src>

<mosaic_0001>
#map = affine_map<(d0, d1) -> (0, 0)>
#map1 = affine_map<(d0, d1) -> (0)>
#map2 = affine_map<(d0, d1) -> (0, 0, 0, 0)>
module attributes {stable_mosaic.version = 14 : i64} {
  func.func @sc_edge(%arg0: i32, %arg1: i32, %arg2: memref<40000x128xf32, #tpu.memory_space<hbm>>, %arg3: memref<40000x128xf32, #tpu.memory_space<hbm>>, %arg4: memref<800x128xf32, #tpu.memory_space<hbm>>, %arg5: memref<647168xi32, #tpu.memory_space<hbm>>, %arg6: memref<647168xi32, #tpu.memory_space<hbm>>, %arg7: memref<647168xi32, #tpu.memory_space<hbm>>, %arg8: memref<2x161792xi32, #tpu.memory_space<hbm>>, %arg9: memref<328x128xf32, #tpu.memory_space<hbm>>, %arg10: memref<2x4x5248x128xf32, #tpu.memory_space<hbm>>, %arg11: memref<128xi32, #tpu.memory_space<vmem>>, %arg12: memref<128xi32, #tpu.memory_space<vmem>>, %arg13: memref<128xi32, #tpu.memory_space<vmem>>, %arg14: memref<128xi32, #tpu.memory_space<vmem>>, %arg15: memref<128x128xf32, #tpu.memory_space<vmem>>, %arg16: memref<128x128xf32, #tpu.memory_space<vmem>>, %arg17: memref<128x128xf32, #tpu.memory_space<vmem>>, %arg18: memref<128x128xf32, #tpu.memory_space<vmem>>, %arg19: memref<5248x128xf32, #tpu.memory_space<vmem_shared>>, %arg20: memref<!tpu.dma_semaphore, #tpu.memory_space<semaphore_mem>>, %arg21: memref<!tpu.dma_semaphore, #tpu.memory_space<semaphore_mem>>, %arg22: memref<!tpu.dma_semaphore, #tpu.memory_space<semaphore_mem>>) attributes {dimension_semantics = [#tpu.dimension_semantics<core_parallel>, #tpu.dimension_semantics<subcore_parallel>], iteration_bounds = array<i64: 2, 16>, scalar_prefetch = 0 : i64, scratch_operands = 12 : i64, tpu.core_type = #tpu.core_type<sc_vector_subcore>, window_params = [{transform_indices = #map}, {transform_indices = #map}, {transform_indices = #map}, {transform_indices = #map1}, {transform_indices = #map1}, {transform_indices = #map1}, {transform_indices = #map}, {transform_indices = #map}, {transform_indices = #map2}]} {
    %mul3A = arith.constant 328 : i32
    %mul3A_0 = arith.muli %arg1, %mul3A : i32
    "tpu.region"() ({
      %run_scoped3A_56 = tpu.sem_alloc : memref<!tpu.dma_semaphore, #tpu.memory_space<semaphore_mem>>
      %dma_start3A = arith.constant 0 : i32
      %dma_start3A_57 = tpu.memref_slice %arg19[%mul3A_0, %dma_start3A] : memref<5248x128xf32, #tpu.memory_space<vmem_shared>> -> memref<328x128xf32, #tpu.memory_space<vmem_shared>>
      tpu.enqueue_dma source(%arg9 : memref<328x128xf32, #tpu.memory_space<hbm>>) target(%dma_start3A_57 : memref<328x128xf32, #tpu.memory_space<vmem_shared>>) target_semaphore(%run_scoped3A_56 : memref<!tpu.dma_semaphore, #tpu.memory_space<semaphore_mem>>)
      %dma_wait3A = arith.constant 0 : i32
      %dma_wait3A_58 = tpu.memref_slice %arg19[%mul3A_0, %dma_wait3A] : memref<5248x128xf32, #tpu.memory_space<vmem_shared>> -> memref<328x128xf32, #tpu.memory_space<vmem_shared>>
      tpu.wait_dma2 semaphore(%run_scoped3A_56 : memref<!tpu.dma_semaphore, #tpu.memory_space<semaphore_mem>>) src(%arg9 : memref<328x128xf32, #tpu.memory_space<hbm>>) dst(%dma_wait3A_58 : memref<328x128xf32, #tpu.memory_space<vmem_shared>>)
      tpu.yield
    }) : () -> ()
    %barrier3A = arith.constant 0 : index
    tpu.barrier barrier_id(%barrier3A)
    %scan3A = arith.constant 0 : i32
    %scan3A_1 = arith.constant 79 : i32
    %scan3A_2 = arith.addi %scan3A, %scan3A_1 : i32
    %scan3A_3 = arith.constant 1 : i32
    scf.for %scan3A_56 = %scan3A to %scan3A_2 step %scan3A_3  : i32 {
      %mul3A_57 = arith.constant 1 : i32
      %mul3A_58 = arith.muli %scan3A_56, %mul3A_57 : i32
      %add3A = arith.constant 0 : i32
      %add3A_59 = arith.addi %add3A, %mul3A_58 : i32
      %mul3A_60 = arith.constant 16 : i32
      %mul3A_61 = arith.muli %add3A_59, %mul3A_60 : i32
      %add3A_62 = arith.addi %arg1, %mul3A_61 : i32
      %mul3A_63 = arith.constant 128 : i32
      %mul3A_64 = arith.muli %add3A_62, %mul3A_63 : i32
      %add3A_65 = arith.constant 0 : i32
      %add3A_66 = arith.addi %add3A_65, %mul3A_64 : i32
      "tpu.region"() ({
        %run_scoped3A_92 = tpu.sem_alloc : memref<!tpu.dma_semaphore, #tpu.memory_space<semaphore_mem>>
        %dma_start3A_93 = tpu.memref_slice %arg5[%add3A_66] : memref<647168xi32, #tpu.memory_space<hbm>> -> memref<128xi32, #tpu.memory_space<hbm>>
        %dma_start3A_94 = tpu.memref_slice %arg5[%add3A_66] : memref<647168xi32, #tpu.memory_space<hbm>> -> memref<128xi32, #tpu.memory_space<hbm>>
        tpu.enqueue_dma source(%dma_start3A_94 : memref<128xi32, #tpu.memory_space<hbm>>) target(%arg11 : memref<128xi32, #tpu.memory_space<vmem>>) target_semaphore(%run_scoped3A_92 : memref<!tpu.dma_semaphore, #tpu.memory_space<semaphore_mem>>)
        %dma_wait3A_95 = tpu.memref_slice %arg5[%add3A_66] : memref<647168xi32, #tpu.memory_space<hbm>> -> memref<128xi32, #tpu.memory_space<hbm>>
        %dma_wait3A_96 = tpu.memref_slice %arg5[%add3A_66] : memref<647168xi32, #tpu.memory_space<hbm>> -> memref<128xi32, #tpu.memory_space<hbm>>
        tpu.wait_dma2 semaphore(%run_scoped3A_92 : memref<!tpu.dma_semaphore, #tpu.memory_space<semaphore_mem>>) src(%dma_wait3A_96 : memref<128xi32, #tpu.memory_space<hbm>>) dst(%arg11 : memref<128xi32, #tpu.memory_space<vmem>>)
        tpu.yield
      }) : () -> ()
      %add3A_67 = arith.constant 0 : i32
      %add3A_68 = arith.addi %add3A_67, %mul3A_64 : i32
      "tpu.region"() ({
        %run_scoped3A_92 = tpu.sem_alloc : memref<!tpu.dma_semaphore, #tpu.memory_space<semaphore_mem>>
        %dma_start3A_93 = tpu.memref_slice %arg6[%add3A_68] : memref<647168xi32, #tpu.memory_space<hbm>> -> memref<128xi32, #tpu.memory_space<hbm>>
        %dma_start3A_94 = tpu.memref_slice %arg6[%add3A_68] : memref<647168xi32, #tpu.memory_space<hbm>> -> memref<128xi32, #tpu.memory_space<hbm>>
        tpu.enqueue_dma source(%dma_start3A_94 : memref<128xi32, #tpu.memory_space<hbm>>) target(%arg12 : memref<128xi32, #tpu.memory_space<vmem>>) target_semaphore(%run_scoped3A_92 : memref<!tpu.dma_semaphore, #tpu.memory_space<semaphore_mem>>)
        %dma_wait3A_95 = tpu.memref_slice %arg6[%add3A_68] : memref<647168xi32, #tpu.memory_space<hbm>> -> memref<128xi32, #tpu.memory_space<hbm>>
        %dma_wait3A_96 = tpu.memref_slice %arg6[%add3A_68] : memref<647168xi32, #tpu.memory_space<hbm>> -> memref<128xi32, #tpu.memory_space<hbm>>
        tpu.wait_dma2 semaphore(%run_scoped3A_92 : memref<!tpu.dma_semaphore, #tpu.memory_space<semaphore_mem>>) src(%dma_wait3A_96 : memref<128xi32, #tpu.memory_space<hbm>>) dst(%arg12 : memref<128xi32, #tpu.memory_space<vmem>>)
        tpu.yield
      }) : () -> ()
      %add3A_69 = arith.constant 0 : i32
      %add3A_70 = arith.addi %add3A_69, %mul3A_64 : i32
      "tpu.region"() ({
        %run_scoped3A_92 = tpu.sem_alloc : memref<!tpu.dma_semaphore, #tpu.memory_space<semaphore_mem>>
        %dma_start3A_93 = tpu.memref_slice %arg7[%add3A_70] : memref<647168xi32, #tpu.memory_space<hbm>> -> memref<128xi32, #tpu.memory_space<hbm>>
        %dma_start3A_94 = tpu.memref_slice %arg7[%add3A_70] : memref<647168xi32, #tpu.memory_space<hbm>> -> memref<128xi32, #tpu.memory_space<hbm>>
        tpu.enqueue_dma source(%dma_start3A_94 : memref<128xi32, #tpu.memory_space<hbm>>) target(%arg13 : memref<128xi32, #tpu.memory_space<vmem>>) target_semaphore(%run_scoped3A_92 : memref<!tpu.dma_semaphore, #tpu.memory_space<semaphore_mem>>)
        %dma_wait3A_95 = tpu.memref_slice %arg7[%add3A_70] : memref<647168xi32, #tpu.memory_space<hbm>> -> memref<128xi32, #tpu.memory_space<hbm>>
        %dma_wait3A_96 = tpu.memref_slice %arg7[%add3A_70] : memref<647168xi32, #tpu.memory_space<hbm>> -> memref<128xi32, #tpu.memory_space<hbm>>
        tpu.wait_dma2 semaphore(%run_scoped3A_92 : memref<!tpu.dma_semaphore, #tpu.memory_space<semaphore_mem>>) src(%dma_wait3A_96 : memref<128xi32, #tpu.memory_space<hbm>>) dst(%arg13 : memref<128xi32, #tpu.memory_space<vmem>>)
        tpu.yield
      }) : () -> ()
      "tpu.region"() ({
        %run_scoped3A_92 = tpu.sem_alloc : memref<!tpu.dma_semaphore, #tpu.memory_space<semaphore_mem>>
        %dma_start3A_93 = tpu.memref_slice %arg8[%arg0, %mul3A_64] : memref<2x161792xi32, #tpu.memory_space<hbm>> -> memref<1x128xi32, #tpu.memory_space<hbm>>
        %dma_start3A_94 = tpu.memref_squeeze %dma_start3A_93 : memref<1x128xi32, #tpu.memory_space<hbm>> -> memref<128xi32, #tpu.memory_space<hbm>>
        %dma_start3A_95 = tpu.memref_slice %arg8[%arg0, %mul3A_64] : memref<2x161792xi32, #tpu.memory_space<hbm>> -> memref<1x128xi32, #tpu.memory_space<hbm>>
        %dma_start3A_96 = tpu.memref_squeeze %dma_start3A_95 : memref<1x128xi32, #tpu.memory_space<hbm>> -> memref<128xi32, #tpu.memory_space<hbm>>
        tpu.enqueue_dma source(%dma_start3A_96 : memref<128xi32, #tpu.memory_space<hbm>>) target(%arg14 : memref<128xi32, #tpu.memory_space<vmem>>) target_semaphore(%run_scoped3A_92 : memref<!tpu.dma_semaphore, #tpu.memory_space<semaphore_mem>>)
        %dma_wait3A_97 = tpu.memref_slice %arg8[%arg0, %mul3A_64] : memref<2x161792xi32, #tpu.memory_space<hbm>> -> memref<1x128xi32, #tpu.memory_space<hbm>>
        %dma_wait3A_98 = tpu.memref_squeeze %dma_wait3A_97 : memref<1x128xi32, #tpu.memory_space<hbm>> -> memref<128xi32, #tpu.memory_space<hbm>>
        %dma_wait3A_99 = tpu.memref_slice %arg8[%arg0, %mul3A_64] : memref<2x161792xi32, #tpu.memory_space<hbm>> -> memref<1x128xi32, #tpu.memory_space<hbm>>
        %dma_wait3A_100 = tpu.memref_squeeze %dma_wait3A_99 : memref<1x128xi32, #tpu.memory_space<hbm>> -> memref<128xi32, #tpu.memory_space<hbm>>
        tpu.wait_dma2 semaphore(%run_scoped3A_92 : memref<!tpu.dma_semaphore, #tpu.memory_space<semaphore_mem>>) src(%dma_wait3A_100 : memref<128xi32, #tpu.memory_space<hbm>>) dst(%arg14 : memref<128xi32, #tpu.memory_space<vmem>>)
        tpu.yield
      }) : () -> ()
      %dma_start3A = arith.constant 0 : i32
      %dma_start3A_71 = arith.constant 0 : i32
      %dma_start3A_72 = tpu.memref_slice %arg2[%dma_start3A, %dma_start3A_71] : memref<40000x128xf32, #tpu.memory_space<hbm>> -> memref<40000x128xf32, #tpu.memory_space<hbm>>
      tpu.enqueue_indirect_dma source(%dma_start3A_72 : memref<40000x128xf32, #tpu.memory_space<hbm>>) target(%arg15 : memref<128x128xf32, #tpu.memory_space<vmem>>) offsets(%arg11 : memref<128xi32, #tpu.memory_space<vmem>>) semaphore(%arg20 : memref<!tpu.dma_semaphore, #tpu.memory_space<semaphore_mem>>)
      %dma_start3A_73 = arith.constant 0 : i32
      %dma_start3A_74 = arith.constant 0 : i32
      %dma_start3A_75 = tpu.memref_slice %arg3[%dma_start3A_73, %dma_start3A_74] : memref<40000x128xf32, #tpu.memory_space<hbm>> -> memref<40000x128xf32, #tpu.memory_space<hbm>>
      tpu.enqueue_indirect_dma source(%dma_start3A_75 : memref<40000x128xf32, #tpu.memory_space<hbm>>) target(%arg16 : memref<128x128xf32, #tpu.memory_space<vmem>>) offsets(%arg12 : memref<128xi32, #tpu.memory_space<vmem>>) semaphore(%arg21 : memref<!tpu.dma_semaphore, #tpu.memory_space<semaphore_mem>>)
      %dma_start3A_76 = arith.constant 0 : i32
      %dma_start3A_77 = arith.constant 0 : i32
      %dma_start3A_78 = tpu.memref_slice %arg4[%dma_start3A_76, %dma_start3A_77] : memref<800x128xf32, #tpu.memory_space<hbm>> -> memref<800x128xf32, #tpu.memory_space<hbm>>
      tpu.enqueue_indirect_dma source(%dma_start3A_78 : memref<800x128xf32, #tpu.memory_space<hbm>>) target(%arg17 : memref<128x128xf32, #tpu.memory_space<vmem>>) offsets(%arg13 : memref<128xi32, #tpu.memory_space<vmem>>) semaphore(%arg22 : memref<!tpu.dma_semaphore, #tpu.memory_space<semaphore_mem>>)
      %dma_wait3A = arith.constant 0 : i32
      %dma_wait3A_79 = arith.constant 0 : i32
      %dma_wait3A_80 = tpu.memref_slice %arg2[%dma_wait3A, %dma_wait3A_79] : memref<40000x128xf32, #tpu.memory_space<hbm>> -> memref<40000x128xf32, #tpu.memory_space<hbm>>
      tpu.wait_indirect_dma semaphore(%arg20 : memref<!tpu.dma_semaphore, #tpu.memory_space<semaphore_mem>>) src(%dma_wait3A_80 : memref<40000x128xf32, #tpu.memory_space<hbm>>) dst(%arg15 : memref<128x128xf32, #tpu.memory_space<vmem>>)
      %dma_wait3A_81 = arith.constant 0 : i32
      %dma_wait3A_82 = arith.constant 0 : i32
      %dma_wait3A_83 = tpu.memref_slice %arg3[%dma_wait3A_81, %dma_wait3A_82] : memref<40000x128xf32, #tpu.memory_space<hbm>> -> memref<40000x128xf32, #tpu.memory_space<hbm>>
      tpu.wait_indirect_dma semaphore(%arg21 : memref<!tpu.dma_semaphore, #tpu.memory_space<semaphore_mem>>) src(%dma_wait3A_83 : memref<40000x128xf32, #tpu.memory_space<hbm>>) dst(%arg16 : memref<128x128xf32, #tpu.memory_space<vmem>>)
      %dma_wait3A_84 = arith.constant 0 : i32
      %dma_wait3A_85 = arith.constant 0 : i32
      %dma_wait3A_86 = tpu.memref_slice %arg4[%dma_wait3A_84, %dma_wait3A_85] : memref<800x128xf32, #tpu.memory_space<hbm>> -> memref<800x128xf32, #tpu.memory_space<hbm>>
      tpu.wait_indirect_dma semaphore(%arg22 : memref<!tpu.dma_semaphore, #tpu.memory_space<semaphore_mem>>) src(%dma_wait3A_86 : memref<800x128xf32, #tpu.memory_space<hbm>>) dst(%arg17 : memref<128x128xf32, #tpu.memory_space<vmem>>)
      %scan3A_87 = arith.constant 0 : i32
      %scan3A_88 = arith.constant 128 : i32
      %scan3A_89 = arith.addi %scan3A_87, %scan3A_88 : i32
      %scan3A_90 = arith.constant 1 : i32
      scf.for %scan3A_92 = %scan3A_87 to %scan3A_89 step %scan3A_90  : i32 {
        %mul3A_93 = arith.constant 1 : i32
        %mul3A_94 = arith.muli %scan3A_92, %mul3A_93 : i32
        %add3A_95 = arith.constant 0 : i32
        %add3A_96 = arith.addi %add3A_95, %mul3A_94 : i32
        %get3A = arith.index_cast %add3A_96 : i32 to index
        %get3A_97 = arith.constant 64 : index
        %get3A_98 = tpu.vector_load %arg15[%get3A, %get3A_97] {strides = array<i32>} : memref<128x128xf32, #tpu.memory_space<vmem>>, vector<1x16xf32>,
        %get3A_99 = vector.shape_cast %get3A_98 : vector<1x16xf32> to vector<16xf32>
        %get3A_100 = arith.index_cast %add3A_96 : i32 to index
        %get3A_101 = arith.constant 64 : index
        %get3A_102 = tpu.vector_load %arg17[%get3A_100, %get3A_101] {strides = array<i32>} : memref<128x128xf32, #tpu.memory_space<vmem>>, vector<1x16xf32>,
        %get3A_103 = vector.shape_cast %get3A_102 : vector<1x16xf32> to vector<16xf32>
        %add3A_104 = arith.addf %get3A_99, %get3A_103 : vector<16xf32>
        %get3A_105 = arith.index_cast %add3A_96 : i32 to index
        %get3A_106 = arith.constant 64 : index
        %get3A_107 = tpu.vector_load %arg16[%get3A_105, %get3A_106] {strides = array<i32>} : memref<128x128xf32, #tpu.memory_space<vmem>>, vector<1x16xf32>,
        %get3A_108 = vector.shape_cast %get3A_107 : vector<1x16xf32> to vector<16xf32>
        %add3A_109 = arith.addf %add3A_104, %get3A_108 : vector<16xf32>
        %mul3A_110 = arith.constant 0.00999999977 : f32
        %mul3A_111 = vector.broadcast %mul3A_110 : f32 to vector<16xf32>
        %mul3A_112 = arith.mulf %add3A_109, %mul3A_111 : vector<16xf32>
        %max3A = arith.maximumf %add3A_109, %mul3A_112 : vector<16xf32>
        %exp3A = math.exp %max3A : vector<16xf32>
        %get3A_113 = arith.index_cast %add3A_96 : i32 to index
        %get3A_114 = arith.constant 0 : index
        %get3A_115 = tpu.vector_load %arg15[%get3A_113, %get3A_114] {strides = array<i32>} : memref<128x128xf32, #tpu.memory_space<vmem>>, vector<1x16xf32>,
        %get3A_116 = vector.shape_cast %get3A_115 : vector<1x16xf32> to vector<16xf32>
        %get3A_117 = arith.index_cast %add3A_96 : i32 to index
        %get3A_118 = arith.constant 0 : index
        %get3A_119 = tpu.vector_load %arg17[%get3A_117, %get3A_118] {strides = array<i32>} : memref<128x128xf32, #tpu.memory_space<vmem>>, vector<1x16xf32>,
        %get3A_120 = vector.shape_cast %get3A_119 : vector<1x16xf32> to vector<16xf32>
        %add3A_121 = arith.addf %get3A_116, %get3A_120 : vector<16xf32>
        %swap3A = arith.index_cast %add3A_96 : i32 to index
        %swap3A_122 = arith.constant 0 : index
        %swap3A_123 = tpu.vector_load %arg18[%swap3A, %swap3A_122] {strides = array<i32>} : memref<128x128xf32, #tpu.memory_space<vmem>>, vector<1x16xf32>,
        %swap3A_124 = vector.shape_cast %swap3A_123 : vector<1x16xf32> to vector<16xf32>
        %swap3A_125 = vector.shape_cast %exp3A : vector<16xf32> to vector<1x16xf32>
        tpu.vector_store %arg18[%swap3A, %swap3A_122], %swap3A_125 {strides = array<i32>} : memref<128x128xf32, #tpu.memory_space<vmem>>, vector<1x16xf32>,
        %mul3A_126 = arith.mulf %exp3A, %add3A_121 : vector<16xf32>
        %swap3A_127 = arith.index_cast %add3A_96 : i32 to index
        %swap3A_128 = arith.constant 64 : index
        %swap3A_129 = tpu.vector_load %arg18[%swap3A_127, %swap3A_128] {strides = array<i32>} : memref<128x128xf32, #tpu.memory_space<vmem>>, vector<1x16xf32>,
        %swap3A_130 = vector.shape_cast %swap3A_129 : vector<1x16xf32> to vector<16xf32>
        %swap3A_131 = vector.shape_cast %mul3A_126 : vector<16xf32> to vector<1x16xf32>
        tpu.vector_store %arg18[%swap3A_127, %swap3A_128], %swap3A_131 {strides = array<i32>} : memref<128x128xf32, #tpu.memory_space<vmem>>, vector<1x16xf32>,
        %get3A_132 = arith.index_cast %add3A_96 : i32 to index
        %get3A_133 = arith.constant 80 : index
        %get3A_134 = tpu.vector_load %arg15[%get3A_132, %get3A_133] {strides = array<i32>} : memref<128x128xf32, #tpu.memory_space<vmem>>, vector<1x16xf32>,
        %get3A_135 = vector.shape_cast %get3A_134 : vector<1x16xf32> to vector<16xf32>
        %get3A_136 = arith.index_cast %add3A_96 : i32 to index
        %get3A_137 = arith.constant 80 : index
        %get3A_138 = tpu.vector_load %arg17[%get3A_136, %get3A_137] {strides = array<i32>} : memref<128x128xf32, #tpu.memory_space<vmem>>, vector<1x16xf32>,
        %get3A_139 = vector.shape_cast %get3A_138 : vector<1x16xf32> to vector<16xf32>
        %add3A_140 = arith.addf %get3A_135, %get3A_139 : vector<16xf32>
        %get3A_141 = arith.index_cast %add3A_96 : i32 to index
        %get3A_142 = arith.constant 80 : index
        %get3A_143 = tpu.vector_load %arg16[%get3A_141, %get3A_142] {strides = array<i32>} : memref<128x128xf32, #tpu.memory_space<vmem>>, vector<1x16xf32>,
        %get3A_144 = vector.shape_cast %get3A_143 : vector<1x16xf32> to vector<16xf32>
        %add3A_145 = arith.addf %add3A_140, %get3A_144 : vector<16xf32>
        %mul3A_146 = arith.constant 0.00999999977 : f32
        %mul3A_147 = vector.broadcast %mul3A_146 : f32 to vector<16xf32>
        %mul3A_148 = arith.mulf %add3A_145, %mul3A_147 : vector<16xf32>
        %max3A_149 = arith.maximumf %add3A_145, %mul3A_148 : vector<16xf32>
        %exp3A_150 = math.exp %max3A_149 : vector<16xf32>
        %get3A_151 = arith.index_cast %add3A_96 : i32 to index
        %get3A_152 = arith.constant 16 : index
        %get3A_153 = tpu.vector_load %arg15[%get3A_151, %get3A_152] {strides = array<i32>} : memref<128x128xf32, #tpu.memory_space<vmem>>, vector<1x16xf32>,
        %get3A_154 = vector.shape_cast %get3A_153 : vector<1x16xf32> to vector<16xf32>
        %get3A_155 = arith.index_cast %add3A_96 : i32 to index
        %get3A_156 = arith.constant 16 : index
        %get3A_157 = tpu.vector_load %arg17[%get3A_155, %get3A_156] {strides = array<i32>} : memref<128x128xf32, #tpu.memory_space<vmem>>, vector<1x16xf32>,
        %get3A_158 = vector.shape_cast %get3A_157 : vector<1x16xf32> to vector<16xf32>
        %add3A_159 = arith.addf %get3A_154, %get3A_158 : vector<16xf32>
        %swap3A_160 = arith.index_cast %add3A_96 : i32 to index
        %swap3A_161 = arith.constant 16 : index
        %swap3A_162 = tpu.vector_load %arg18[%swap3A_160, %swap3A_161] {strides = array<i32>} : memref<128x128xf32, #tpu.memory_space<vmem>>, vector<1x16xf32>,
        %swap3A_163 = vector.shape_cast %swap3A_162 : vector<1x16xf32> to vector<16xf32>
        %swap3A_164 = vector.shape_cast %exp3A_150 : vector<16xf32> to vector<1x16xf32>
        tpu.vector_store %arg18[%swap3A_160, %swap3A_161], %swap3A_164 {strides = array<i32>} : memref<128x128xf32, #tpu.memory_space<vmem>>, vector<1x16xf32>,
        %mul3A_165 = arith.mulf %exp3A_150, %add3A_159 : vector<16xf32>
        %swap3A_166 = arith.index_cast %add3A_96 : i32 to index
        %swap3A_167 = arith.constant 80 : index
        %swap3A_168 = tpu.vector_load %arg18[%swap3A_166, %swap3A_167] {strides = array<i32>} : memref<128x128xf32, #tpu.memory_space<vmem>>, vector<1x16xf32>,
        %swap3A_169 = vector.shape_cast %swap3A_168 : vector<1x16xf32> to vector<16xf32>
        %swap3A_170 = vector.shape_cast %mul3A_165 : vector<16xf32> to vector<1x16xf32>
        tpu.vector_store %arg18[%swap3A_166, %swap3A_167], %swap3A_170 {strides = array<i32>} : memref<128x128xf32, #tpu.memory_space<vmem>>, vector<1x16xf32>,
        %get3A_171 = arith.index_cast %add3A_96 : i32 to index
        %get3A_172 = arith.constant 96 : index
        %get3A_173 = tpu.vector_load %arg15[%get3A_171, %get3A_172] {strides = array<i32>} : memref<128x128xf32, #tpu.memory_space<vmem>>, vector<1x16xf32>,
        %get3A_174 = vector.shape_cast %get3A_173 : vector<1x16xf32> to vector<16xf32>
        %get3A_175 = arith.index_cast %add3A_96 : i32 to index
        %get3A_176 = arith.constant 96 : index
        %get3A_177 = tpu.vector_load %arg17[%get3A_175, %get3A_176] {strides = array<i32>} : memref<128x128xf32, #tpu.memory_space<vmem>>, vector<1x16xf32>,
        %get3A_178 = vector.shape_cast %get3A_177 : vector<1x16xf32> to vector<16xf32>
        %add3A_179 = arith.addf %get3A_174, %get3A_178 : vector<16xf32>
        %get3A_180 = arith.index_cast %add3A_96 : i32 to index
        %get3A_181 = arith.constant 96 : index
        %get3A_182 = tpu.vector_load %arg16[%get3A_180, %get3A_181] {strides = array<i32>} : memref<128x128xf32, #tpu.memory_space<vmem>>, vector<1x16xf32>,
        %get3A_183 = vector.shape_cast %get3A_182 : vector<1x16xf32> to vector<16xf32>
        %add3A_184 = arith.addf %add3A_179, %get3A_183 : vector<16xf32>
        %mul3A_185 = arith.constant 0.00999999977 : f32
        %mul3A_186 = vector.broadcast %mul3A_185 : f32 to vector<16xf32>
        %mul3A_187 = arith.mulf %add3A_184, %mul3A_186 : vector<16xf32>
        %max3A_188 = arith.maximumf %add3A_184, %mul3A_187 : vector<16xf32>
        %exp3A_189 = math.exp %max3A_188 : vector<16xf32>
        %get3A_190 = arith.index_cast %add3A_96 : i32 to index
        %get3A_191 = arith.constant 32 : index
        %get3A_192 = tpu.vector_load %arg15[%get3A_190, %get3A_191] {strides = array<i32>} : memref<128x128xf32, #tpu.memory_space<vmem>>, vector<1x16xf32>,
        %get3A_193 = vector.shape_cast %get3A_192 : vector<1x16xf32> to vector<16xf32>
        %get3A_194 = arith.index_cast %add3A_96 : i32 to index
        %get3A_195 = arith.constant 32 : index
        %get3A_196 = tpu.vector_load %arg17[%get3A_194, %get3A_195] {strides = array<i32>} : memref<128x128xf32, #tpu.memory_space<vmem>>, vector<1x16xf32>,
        %get3A_197 = vector.shape_cast %get3A_196 : vector<1x16xf32> to vector<16xf32>
        %add3A_198 = arith.addf %get3A_193, %get3A_197 : vector<16xf32>
        %swap3A_199 = arith.index_cast %add3A_96 : i32 to index
        %swap3A_200 = arith.constant 32 : index
        %swap3A_201 = tpu.vector_load %arg18[%swap3A_199, %swap3A_200] {strides = array<i32>} : memref<128x128xf32, #tpu.memory_space<vmem>>, vector<1x16xf32>,
        %swap3A_202 = vector.shape_cast %swap3A_201 : vector<1x16xf32> to vector<16xf32>
        %swap3A_203 = vector.shape_cast %exp3A_189 : vector<16xf32> to vector<1x16xf32>
        tpu.vector_store %arg18[%swap3A_199, %swap3A_200], %swap3A_203 {strides = array<i32>} : memref<128x128xf32, #tpu.memory_space<vmem>>, vector<1x16xf32>,
        %mul3A_204 = arith.mulf %exp3A_189, %add3A_198 : vector<16xf32>
        %swap3A_205 = arith.index_cast %add3A_96 : i32 to index
        %swap3A_206 = arith.constant 96 : index
        %swap3A_207 = tpu.vector_load %arg18[%swap3A_205, %swap3A_206] {strides = array<i32>} : memref<128x128xf32, #tpu.memory_space<vmem>>, vector<1x16xf32>,
        %swap3A_208 = vector.shape_cast %swap3A_207 : vector<1x16xf32> to vector<16xf32>
        %swap3A_209 = vector.shape_cast %mul3A_204 : vector<16xf32> to vector<1x16xf32>
        tpu.vector_store %arg18[%swap3A_205, %swap3A_206], %swap3A_209 {strides = array<i32>} : memref<128x128xf32, #tpu.memory_space<vmem>>, vector<1x16xf32>,
        %get3A_210 = arith.index_cast %add3A_96 : i32 to index
        %get3A_211 = arith.constant 112 : index
        %get3A_212 = tpu.vector_load %arg15[%get3A_210, %get3A_211] {strides = array<i32>} : memref<128x128xf32, #tpu.memory_space<vmem>>, vector<1x16xf32>,
        %get3A_213 = vector.shape_cast %get3A_212 : vector<1x16xf32> to vector<16xf32>
        %get3A_214 = arith.index_cast %add3A_96 : i32 to index
        %get3A_215 = arith.constant 112 : index
        %get3A_216 = tpu.vector_load %arg17[%get3A_214, %get3A_215] {strides = array<i32>} : memref<128x128xf32, #tpu.memory_space<vmem>>, vector<1x16xf32>,
        %get3A_217 = vector.shape_cast %get3A_216 : vector<1x16xf32> to vector<16xf32>
        %add3A_218 = arith.addf %get3A_213, %get3A_217 : vector<16xf32>
        %get3A_219 = arith.index_cast %add3A_96 : i32 to index
        %get3A_220 = arith.constant 112 : index
        %get3A_221 = tpu.vector_load %arg16[%get3A_219, %get3A_220] {strides = array<i32>} : memref<128x128xf32, #tpu.memory_space<vmem>>, vector<1x16xf32>,
        %get3A_222 = vector.shape_cast %get3A_221 : vector<1x16xf32> to vector<16xf32>
        %add3A_223 = arith.addf %add3A_218, %get3A_222 : vector<16xf32>
        %mul3A_224 = arith.constant 0.00999999977 : f32
        %mul3A_225 = vector.broadcast %mul3A_224 : f32 to vector<16xf32>
        %mul3A_226 = arith.mulf %add3A_223, %mul3A_225 : vector<16xf32>
        %max3A_227 = arith.maximumf %add3A_223, %mul3A_226 : vector<16xf32>
        %exp3A_228 = math.exp %max3A_227 : vector<16xf32>
        %get3A_229 = arith.index_cast %add3A_96 : i32 to index
        %get3A_230 = arith.constant 48 : index
        %get3A_231 = tpu.vector_load %arg15[%get3A_229, %get3A_230] {strides = array<i32>} : memref<128x128xf32, #tpu.memory_space<vmem>>, vector<1x16xf32>,
        %get3A_232 = vector.shape_cast %get3A_231 : vector<1x16xf32> to vector<16xf32>
        %get3A_233 = arith.index_cast %add3A_96 : i32 to index
        %get3A_234 = arith.constant 48 : index
        %get3A_235 = tpu.vector_load %arg17[%get3A_233, %get3A_234] {strides = array<i32>} : memref<128x128xf32, #tpu.memory_space<vmem>>, vector<1x16xf32>,
        %get3A_236 = vector.shape_cast %get3A_235 : vector<1x16xf32> to vector<16xf32>
        %add3A_237 = arith.addf %get3A_232, %get3A_236 : vector<16xf32>
        %swap3A_238 = arith.index_cast %add3A_96 : i32 to index
        %swap3A_239 = arith.constant 48 : index
        %swap3A_240 = tpu.vector_load %arg18[%swap3A_238, %swap3A_239] {strides = array<i32>} : memref<128x128xf32, #tpu.memory_space<vmem>>, vector<1x16xf32>,
        %swap3A_241 = vector.shape_cast %swap3A_240 : vector<1x16xf32> to vector<16xf32>
        %swap3A_242 = vector.shape_cast %exp3A_228 : vector<16xf32> to vector<1x16xf32>
        tpu.vector_store %arg18[%swap3A_238, %swap3A_239], %swap3A_242 {strides = array<i32>} : memref<128x128xf32, #tpu.memory_space<vmem>>, vector<1x16xf32>,
        %mul3A_243 = arith.mulf %exp3A_228, %add3A_237 : vector<16xf32>
        %swap3A_244 = arith.index_cast %add3A_96 : i32 to index
        %swap3A_245 = arith.constant 112 : index
        %swap3A_246 = tpu.vector_load %arg18[%swap3A_244, %swap3A_245] {strides = array<i32>} : memref<128x128xf32, #tpu.memory_space<vmem>>, vector<1x16xf32>,
        %swap3A_247 = vector.shape_cast %swap3A_246 : vector<1x16xf32> to vector<16xf32>
        %swap3A_248 = vector.shape_cast %mul3A_243 : vector<16xf32> to vector<1x16xf32>
        tpu.vector_store %arg18[%swap3A_244, %swap3A_245], %swap3A_248 {strides = array<i32>} : memref<128x128xf32, #tpu.memory_space<vmem>>, vector<1x16xf32>,
      }
      %scan3A_91 = arith.constant 128 : i32
      "tpu.region"() ({
        %run_scoped3A_92 = tpu.sem_alloc : memref<!tpu.dma_semaphore, #tpu.memory_space<semaphore_mem>>
        %dma_start3A_93 = arith.constant 0 : i32
        %dma_start3A_94 = arith.constant 0 : i32
        %dma_start3A_95 = tpu.memref_slice %arg19[%dma_start3A_93, %dma_start3A_94] : memref<5248x128xf32, #tpu.memory_space<vmem_shared>> -> memref<5248x128xf32, #tpu.memory_space<vmem_shared>>
        tpu.enqueue_indirect_dma source(%arg18 : memref<128x128xf32, #tpu.memory_space<vmem>>) target(%dma_start3A_95 : memref<5248x128xf32, #tpu.memory_space<vmem_shared>>) offsets(%arg14 : memref<128xi32, #tpu.memory_space<vmem>>) semaphore(%run_scoped3A_92 : memref<!tpu.dma_semaphore, #tpu.memory_space<semaphore_mem>>) {add = true}
        %dma_wait3A_96 = arith.constant 0 : i32
        %dma_wait3A_97 = arith.constant 0 : i32
        %dma_wait3A_98 = tpu.memref_slice %arg19[%dma_wait3A_96, %dma_wait3A_97] : memref<5248x128xf32, #tpu.memory_space<vmem_shared>> -> memref<5248x128xf32, #tpu.memory_space<vmem_shared>>
        tpu.wait_indirect_dma semaphore(%run_scoped3A_92 : memref<!tpu.dma_semaphore, #tpu.memory_space<semaphore_mem>>) src(%arg18 : memref<128x128xf32, #tpu.memory_space<vmem>>) dst(%dma_wait3A_98 : memref<5248x128xf32, #tpu.memory_space<vmem_shared>>)
        tpu.yield
      }) : () -> ()
    }
    %scan3A_4 = arith.constant 79 : i32
    %barrier3A_5 = arith.constant 0 : index
    tpu.barrier barrier_id(%barrier3A_5)
    %mul3A_6 = arith.constant 328 : i32
    %mul3A_7 = arith.muli %arg1, %mul3A_6 : i32
    %mul3A_8 = arith.constant 328 : i32
    %mul3A_9 = arith.muli %arg1, %mul3A_8 : i32
    %run_scoped3A = arith.constant 0 : i32
    "tpu.region"() ({
      %run_scoped3A_56 = tpu.sem_alloc : memref<!tpu.dma_semaphore, #tpu.memory_space<semaphore_mem>>
      %dma_start3A = arith.constant 0 : i32
      %dma_start3A_57 = tpu.memref_slice %arg10[%arg0, %run_scoped3A, %mul3A_9, %dma_start3A] : memref<2x4x5248x128xf32, #tpu.memory_space<hbm>> -> memref<1x1x328x128xf32, #tpu.memory_space<hbm>>
      %dma_start3A_58 = tpu.memref_squeeze %dma_start3A_57 : memref<1x1x328x128xf32, #tpu.memory_space<hbm>> -> memref<328x128xf32, #tpu.memory_space<hbm>>
      %dma_start3A_59 = arith.constant 0 : i32
      %dma_start3A_60 = tpu.memref_slice %arg19[%mul3A_7, %dma_start3A_59] : memref<5248x128xf32, #tpu.memory_space<vmem_shared>> -> memref<328x128xf32, #tpu.memory_space<vmem_shared>>
      tpu.enqueue_dma source(%dma_start3A_60 : memref<328x128xf32, #tpu.memory_space<vmem_shared>>) target(%dma_start3A_58 : memref<328x128xf32, #tpu.memory_space<hbm>>) target_semaphore(%run_scoped3A_56 : memref<!tpu.dma_semaphore, #tpu.memory_space<semaphore_mem>>)
      %dma_wait3A = arith.constant 0 : i32
      %dma_wait3A_61 = tpu.memref_slice %arg10[%arg0, %run_scoped3A, %mul3A_9, %dma_wait3A] : memref<2x4x5248x128xf32, #tpu.memory_space<hbm>> -> memref<1x1x328x128xf32, #tpu.memory_space<hbm>>
      %dma_wait3A_62 = tpu.memref_squeeze %dma_wait3A_61 : memref<1x1x328x128xf32, #tpu.memory_space<hbm>> -> memref<328x128xf32, #tpu.memory_space<hbm>>
      %dma_wait3A_63 = arith.constant 0 : i32
      %dma_wait3A_64 = tpu.memref_slice %arg19[%mul3A_7, %dma_wait3A_63] : memref<5248x128xf32, #tpu.memory_space<vmem_shared>> -> memref<328x128xf32, #tpu.memory_space<vmem_shared>>
      tpu.wait_dma2 semaphore(%run_scoped3A_56 : memref<!tpu.dma_semaphore, #tpu.memory_space<semaphore_mem>>) src(%dma_wait3A_64 : memref<328x128xf32, #tpu.memory_space<vmem_shared>>) dst(%dma_wait3A_62 : memref<328x128xf32, #tpu.memory_space<hbm>>)
      tpu.yield
    }) : () -> ()
    %barrier3A_10 = arith.constant 0 : index
    tpu.barrier barrier_id(%barrier3A_10)
    %mul3A_11 = arith.constant 328 : i32
    %mul3A_12 = arith.muli %arg1, %mul3A_11 : i32
    "tpu.region"() ({
      %run_scoped3A_56 = tpu.sem_alloc : memref<!tpu.dma_semaphore, #tpu.memory_space<semaphore_mem>>
      %dma_start3A = arith.constant 0 : i32
      %dma_start3A_57 = tpu.memref_slice %arg19[%mul3A_12, %dma_start3A] : memref<5248x128xf32, #tpu.memory_space<vmem_shared>> -> memref<328x128xf32, #tpu.memory_space<vmem_shared>>
      tpu.enqueue_dma source(%arg9 : memref<328x128xf32, #tpu.memory_space<hbm>>) target(%dma_start3A_57 : memref<328x128xf32, #tpu.memory_space<vmem_shared>>) target_semaphore(%run_scoped3A_56 : memref<!tpu.dma_semaphore, #tpu.memory_space<semaphore_mem>>)
      %dma_wait3A = arith.constant 0 : i32
      %dma_wait3A_58 = tpu.memref_slice %arg19[%mul3A_12, %dma_wait3A] : memref<5248x128xf32, #tpu.memory_space<vmem_shared>> -> memref<328x128xf32, #tpu.memory_space<vmem_shared>>
      tpu.wait_dma2 semaphore(%run_scoped3A_56 : memref<!tpu.dma_semaphore, #tpu.memory_space<semaphore_mem>>) src(%arg9 : memref<328x128xf32, #tpu.memory_space<hbm>>) dst(%dma_wait3A_58 : memref<328x128xf32, #tpu.memory_space<vmem_shared>>)
      tpu.yield
    }) : () -> ()
    %barrier3A_13 = arith.constant 0 : index
    tpu.barrier barrier_id(%barrier3A_13)
    %scan3A_14 = arith.constant 0 : i32
    %scan3A_15 = arith.constant 79 : i32
    %scan3A_16 = arith.addi %scan3A_14, %scan3A_15 : i32
    %scan3A_17 = arith.constant 1 : i32
    scf.for %scan3A_56 = %scan3A_14 to %scan3A_16 step %scan3A_17  : i32 {
      %mul3A_57 = arith.constant 1 : i32
      %mul3A_58 = arith.muli %scan3A_56, %mul3A_57 : i32
      %add3A = arith.constant 0 : i32
      %add3A_59 = arith.addi %add3A, %mul3A_58 : i32
      %mul3A_60 = arith.constant 16 : i32
      %mul3A_61 = arith.muli %add3A_59, %mul3A_60 : i32
      %add3A_62 = arith.addi %arg1, %mul3A_61 : i32
      %mul3A_63 = arith.constant 128 : i32
      %mul3A_64 = arith.muli %add3A_62, %mul3A_63 : i32
      %add3A_65 = arith.constant 161792 : i32
      %add3A_66 = arith.addi %add3A_65, %mul3A_64 : i32
      "tpu.region"() ({
        %run_scoped3A_92 = tpu.sem_alloc : memref<!tpu.dma_semaphore, #tpu.memory_space<semaphore_mem>>
        %dma_start3A_93 = tpu.memref_slice %arg5[%add3A_66] : memref<647168xi32, #tpu.memory_space<hbm>> -> memref<128xi32, #tpu.memory_space<hbm>>
        %dma_start3A_94 = tpu.memref_slice %arg5[%add3A_66] : memref<647168xi32, #tpu.memory_space<hbm>> -> memref<128xi32, #tpu.memory_space<hbm>>
        tpu.enqueue_dma source(%dma_start3A_94 : memref<128xi32, #tpu.memory_space<hbm>>) target(%arg11 : memref<128xi32, #tpu.memory_space<vmem>>) target_semaphore(%run_scoped3A_92 : memref<!tpu.dma_semaphore, #tpu.memory_space<semaphore_mem>>)
        %dma_wait3A_95 = tpu.memref_slice %arg5[%add3A_66] : memref<647168xi32, #tpu.memory_space<hbm>> -> memref<128xi32, #tpu.memory_space<hbm>>
        %dma_wait3A_96 = tpu.memref_slice %arg5[%add3A_66] : memref<647168xi32, #tpu.memory_space<hbm>> -> memref<128xi32, #tpu.memory_space<hbm>>
        tpu.wait_dma2 semaphore(%run_scoped3A_92 : memref<!tpu.dma_semaphore, #tpu.memory_space<semaphore_mem>>) src(%dma_wait3A_96 : memref<128xi32, #tpu.memory_space<hbm>>) dst(%arg11 : memref<128xi32, #tpu.memory_space<vmem>>)
        tpu.yield
      }) : () -> ()
      %add3A_67 = arith.constant 161792 : i32
      %add3A_68 = arith.addi %add3A_67, %mul3A_64 : i32
      "tpu.region"() ({
        %run_scoped3A_92 = tpu.sem_alloc : memref<!tpu.dma_semaphore, #tpu.memory_space<semaphore_mem>>
        %dma_start3A_93 = tpu.memref_slice %arg6[%add3A_68] : memref<647168xi32, #tpu.memory_space<hbm>> -> memref<128xi32, #tpu.memory_space<hbm>>
        %dma_start3A_94 = tpu.memref_slice %arg6[%add3A_68] : memref<647168xi32, #tpu.memory_space<hbm>> -> memref<128xi32, #tpu.memory_space<hbm>>
        tpu.enqueue_dma source(%dma_start3A_94 : memref<128xi32, #tpu.memory_space<hbm>>) target(%arg12 : memref<128xi32, #tpu.memory_space<vmem>>) target_semaphore(%run_scoped3A_92 : memref<!tpu.dma_semaphore, #tpu.memory_space<semaphore_mem>>)
        %dma_wait3A_95 = tpu.memref_slice %arg6[%add3A_68] : memref<647168xi32, #tpu.memory_space<hbm>> -> memref<128xi32, #tpu.memory_space<hbm>>
        %dma_wait3A_96 = tpu.memref_slice %arg6[%add3A_68] : memref<647168xi32, #tpu.memory_space<hbm>> -> memref<128xi32, #tpu.memory_space<hbm>>
        tpu.wait_dma2 semaphore(%run_scoped3A_92 : memref<!tpu.dma_semaphore, #tpu.memory_space<semaphore_mem>>) src(%dma_wait3A_96 : memref<128xi32, #tpu.memory_space<hbm>>) dst(%arg12 : memref<128xi32, #tpu.memory_space<vmem>>)
        tpu.yield
      }) : () -> ()
      %add3A_69 = arith.constant 161792 : i32
      %add3A_70 = arith.addi %add3A_69, %mul3A_64 : i32
      "tpu.region"() ({
        %run_scoped3A_92 = tpu.sem_alloc : memref<!tpu.dma_semaphore, #tpu.memory_space<semaphore_mem>>
        %dma_start3A_93 = tpu.memref_slice %arg7[%add3A_70] : memref<647168xi32, #tpu.memory_space<hbm>> -> memref<128xi32, #tpu.memory_space<hbm>>
        %dma_start3A_94 = tpu.memref_slice %arg7[%add3A_70] : memref<647168xi32, #tpu.memory_space<hbm>> -> memref<128xi32, #tpu.memory_space<hbm>>
        tpu.enqueue_dma source(%dma_start3A_94 : memref<128xi32, #tpu.memory_space<hbm>>) target(%arg13 : memref<128xi32, #tpu.memory_space<vmem>>) target_semaphore(%run_scoped3A_92 : memref<!tpu.dma_semaphore, #tpu.memory_space<semaphore_mem>>)
        %dma_wait3A_95 = tpu.memref_slice %arg7[%add3A_70] : memref<647168xi32, #tpu.memory_space<hbm>> -> memref<128xi32, #tpu.memory_space<hbm>>
        %dma_wait3A_96 = tpu.memref_slice %arg7[%add3A_70] : memref<647168xi32, #tpu.memory_space<hbm>> -> memref<128xi32, #tpu.memory_space<hbm>>
        tpu.wait_dma2 semaphore(%run_scoped3A_92 : memref<!tpu.dma_semaphore, #tpu.memory_space<semaphore_mem>>) src(%dma_wait3A_96 : memref<128xi32, #tpu.memory_space<hbm>>) dst(%arg13 : memref<128xi32, #tpu.memory_space<vmem>>)
        tpu.yield
      }) : () -> ()
      "tpu.region"() ({
        %run_scoped3A_92 = tpu.sem_alloc : memref<!tpu.dma_semaphore, #tpu.memory_space<semaphore_mem>>
        %dma_start3A_93 = tpu.memref_slice %arg8[%arg0, %mul3A_64] : memref<2x161792xi32, #tpu.memory_space<hbm>> -> memref<1x128xi32, #tpu.memory_space<hbm>>
        %dma_start3A_94 = tpu.memref_squeeze %dma_start3A_93 : memref<1x128xi32, #tpu.memory_space<hbm>> -> memref<128xi32, #tpu.memory_space<hbm>>
        %dma_start3A_95 = tpu.memref_slice %arg8[%arg0, %mul3A_64] : memref<2x161792xi32, #tpu.memory_space<hbm>> -> memref<1x128xi32, #tpu.memory_space<hbm>>
        %dma_start3A_96 = tpu.memref_squeeze %dma_start3A_95 : memref<1x128xi32, #tpu.memory_space<hbm>> -> memref<128xi32, #tpu.memory_space<hbm>>
        tpu.enqueue_dma source(%dma_start3A_96 : memref<128xi32, #tpu.memory_space<hbm>>) target(%arg14 : memref<128xi32, #tpu.memory_space<vmem>>) target_semaphore(%run_scoped3A_92 : memref<!tpu.dma_semaphore, #tpu.memory_space<semaphore_mem>>)
        %dma_wait3A_97 = tpu.memref_slice %arg8[%arg0, %mul3A_64] : memref<2x161792xi32, #tpu.memory_space<hbm>> -> memref<1x128xi32, #tpu.memory_space<hbm>>
        %dma_wait3A_98 = tpu.memref_squeeze %dma_wait3A_97 : memref<1x128xi32, #tpu.memory_space<hbm>> -> memref<128xi32, #tpu.memory_space<hbm>>
        %dma_wait3A_99 = tpu.memref_slice %arg8[%arg0, %mul3A_64] : memref<2x161792xi32, #tpu.memory_space<hbm>> -> memref<1x128xi32, #tpu.memory_space<hbm>>
        %dma_wait3A_100 = tpu.memref_squeeze %dma_wait3A_99 : memref<1x128xi32, #tpu.memory_space<hbm>> -> memref<128xi32, #tpu.memory_space<hbm>>
        tpu.wait_dma2 semaphore(%run_scoped3A_92 : memref<!tpu.dma_semaphore, #tpu.memory_space<semaphore_mem>>) src(%dma_wait3A_100 : memref<128xi32, #tpu.memory_space<hbm>>) dst(%arg14 : memref<128xi32, #tpu.memory_space<vmem>>)
        tpu.yield
      }) : () -> ()
      %dma_start3A = arith.constant 0 : i32
      %dma_start3A_71 = arith.constant 0 : i32
      %dma_start3A_72 = tpu.memref_slice %arg2[%dma_start3A, %dma_start3A_71] : memref<40000x128xf32, #tpu.memory_space<hbm>> -> memref<40000x128xf32, #tpu.memory_space<hbm>>
      tpu.enqueue_indirect_dma source(%dma_start3A_72 : memref<40000x128xf32, #tpu.memory_space<hbm>>) target(%arg15 : memref<128x128xf32, #tpu.memory_space<vmem>>) offsets(%arg11 : memref<128xi32, #tpu.memory_space<vmem>>) semaphore(%arg20 : memref<!tpu.dma_semaphore, #tpu.memory_space<semaphore_mem>>)
      %dma_start3A_73 = arith.constant 0 : i32
      %dma_start3A_74 = arith.constant 0 : i32
      %dma_start3A_75 = tpu.memref_slice %arg3[%dma_start3A_73, %dma_start3A_74] : memref<40000x128xf32, #tpu.memory_space<hbm>> -> memref<40000x128xf32, #tpu.memory_space<hbm>>
      tpu.enqueue_indirect_dma source(%dma_start3A_75 : memref<40000x128xf32, #tpu.memory_space<hbm>>) target(%arg16 : memref<128x128xf32, #tpu.memory_space<vmem>>) offsets(%arg12 : memref<128xi32, #tpu.memory_space<vmem>>) semaphore(%arg21 : memref<!tpu.dma_semaphore, #tpu.memory_space<semaphore_mem>>)
      %dma_start3A_76 = arith.constant 0 : i32
      %dma_start3A_77 = arith.constant 0 : i32
      %dma_start3A_78 = tpu.memref_slice %arg4[%dma_start3A_76, %dma_start3A_77] : memref<800x128xf32, #tpu.memory_space<hbm>> -> memref<800x128xf32, #tpu.memory_space<hbm>>
      tpu.enqueue_indirect_dma source(%dma_start3A_78 : memref<800x128xf32, #tpu.memory_space<hbm>>) target(%arg17 : memref<128x128xf32, #tpu.memory_space<vmem>>) offsets(%arg13 : memref<128xi32, #tpu.memory_space<vmem>>) semaphore(%arg22 : memref<!tpu.dma_semaphore, #tpu.memory_space<semaphore_mem>>)
      %dma_wait3A = arith.constant 0 : i32
      %dma_wait3A_79 = arith.constant 0 : i32
      %dma_wait3A_80 = tpu.memref_slice %arg2[%dma_wait3A, %dma_wait3A_79] : memref<40000x128xf32, #tpu.memory_space<hbm>> -> memref<40000x128xf32, #tpu.memory_space<hbm>>
      tpu.wait_indirect_dma semaphore(%arg20 : memref<!tpu.dma_semaphore, #tpu.memory_space<semaphore_mem>>) src(%dma_wait3A_80 : memref<40000x128xf32, #tpu.memory_space<hbm>>) dst(%arg15 : memref<128x128xf32, #tpu.memory_space<vmem>>)
      %dma_wait3A_81 = arith.constant 0 : i32
      %dma_wait3A_82 = arith.constant 0 : i32
      %dma_wait3A_83 = tpu.memref_slice %arg3[%dma_wait3A_81, %dma_wait3A_82] : memref<40000x128xf32, #tpu.memory_space<hbm>> -> memref<40000x128xf32, #tpu.memory_space<hbm>>
      tpu.wait_indirect_dma semaphore(%arg21 : memref<!tpu.dma_semaphore, #tpu.memory_space<semaphore_mem>>) src(%dma_wait3A_83 : memref<40000x128xf32, #tpu.memory_space<hbm>>) dst(%arg16 : memref<128x128xf32, #tpu.memory_space<vmem>>)
      %dma_wait3A_84 = arith.constant 0 : i32
      %dma_wait3A_85 = arith.constant 0 : i32
      %dma_wait3A_86 = tpu.memref_slice %arg4[%dma_wait3A_84, %dma_wait3A_85] : memref<800x128xf32, #tpu.memory_space<hbm>> -> memref<800x128xf32, #tpu.memory_space<hbm>>
      tpu.wait_indirect_dma semaphore(%arg22 : memref<!tpu.dma_semaphore, #tpu.memory_space<semaphore_mem>>) src(%dma_wait3A_86 : memref<800x128xf32, #tpu.memory_space<hbm>>) dst(%arg17 : memref<128x128xf32, #tpu.memory_space<vmem>>)
      %scan3A_87 = arith.constant 0 : i32
      %scan3A_88 = arith.constant 128 : i32
      %scan3A_89 = arith.addi %scan3A_87, %scan3A_88 : i32
      %scan3A_90 = arith.constant 1 : i32
      scf.for %scan3A_92 = %scan3A_87 to %scan3A_89 step %scan3A_90  : i32 {
        %mul3A_93 = arith.constant 1 : i32
        %mul3A_94 = arith.muli %scan3A_92, %mul3A_93 : i32
        %add3A_95 = arith.constant 0 : i32
        %add3A_96 = arith.addi %add3A_95, %mul3A_94 : i32
        %get3A = arith.index_cast %add3A_96 : i32 to index
        %get3A_97 = arith.constant 64 : index
        %get3A_98 = tpu.vector_load %arg15[%get3A, %get3A_97] {strides = array<i32>} : memref<128x128xf32, #tpu.memory_space<vmem>>, vector<1x16xf32>,
        %get3A_99 = vector.shape_cast %get3A_98 : vector<1x16xf32> to vector<16xf32>
        %get3A_100 = arith.index_cast %add3A_96 : i32 to index
        %get3A_101 = arith.constant 64 : index
        %get3A_102 = tpu.vector_load %arg17[%get3A_100, %get3A_101] {strides = array<i32>} : memref<128x128xf32, #tpu.memory_space<vmem>>, vector<1x16xf32>,
        %get3A_103 = vector.shape_cast %get3A_102 : vector<1x16xf32> to vector<16xf32>
        %add3A_104 = arith.addf %get3A_99, %get3A_103 : vector<16xf32>
        %get3A_105 = arith.index_cast %add3A_96 : i32 to index
        %get3A_106 = arith.constant 64 : index
        %get3A_107 = tpu.vector_load %arg16[%get3A_105, %get3A_106] {strides = array<i32>} : memref<128x128xf32, #tpu.memory_space<vmem>>, vector<1x16xf32>,
        %get3A_108 = vector.shape_cast %get3A_107 : vector<1x16xf32> to vector<16xf32>
        %add3A_109 = arith.addf %add3A_104, %get3A_108 : vector<16xf32>
        %mul3A_110 = arith.constant 0.00999999977 : f32
        %mul3A_111 = vector.broadcast %mul3A_110 : f32 to vector<16xf32>
        %mul3A_112 = arith.mulf %add3A_109, %mul3A_111 : vector<16xf32>
        %max3A = arith.maximumf %add3A_109, %mul3A_112 : vector<16xf32>
        %exp3A = math.exp %max3A : vector<16xf32>
        %get3A_113 = arith.index_cast %add3A_96 : i32 to index
        %get3A_114 = arith.constant 0 : index
        %get3A_115 = tpu.vector_load %arg15[%get3A_113, %get3A_114] {strides = array<i32>} : memref<128x128xf32, #tpu.memory_space<vmem>>, vector<1x16xf32>,
        %get3A_116 = vector.shape_cast %get3A_115 : vector<1x16xf32> to vector<16xf32>
        %get3A_117 = arith.index_cast %add3A_96 : i32 to index
        %get3A_118 = arith.constant 0 : index
        %get3A_119 = tpu.vector_load %arg17[%get3A_117, %get3A_118] {strides = array<i32>} : memref<128x128xf32, #tpu.memory_space<vmem>>, vector<1x16xf32>,
        %get3A_120 = vector.shape_cast %get3A_119 : vector<1x16xf32> to vector<16xf32>
        %add3A_121 = arith.addf %get3A_116, %get3A_120 : vector<16xf32>
        %swap3A = arith.index_cast %add3A_96 : i32 to index
        %swap3A_122 = arith.constant 0 : index
        %swap3A_123 = tpu.vector_load %arg18[%swap3A, %swap3A_122] {strides = array<i32>} : memref<128x128xf32, #tpu.memory_space<vmem>>, vector<1x16xf32>,
        %swap3A_124 = vector.shape_cast %swap3A_123 : vector<1x16xf32> to vector<16xf32>
        %swap3A_125 = vector.shape_cast %exp3A : vector<16xf32> to vector<1x16xf32>
        tpu.vector_store %arg18[%swap3A, %swap3A_122], %swap3A_125 {strides = array<i32>} : memref<128x128xf32, #tpu.memory_space<vmem>>, vector<1x16xf32>,
        %mul3A_126 = arith.mulf %exp3A, %add3A_121 : vector<16xf32>
        %swap3A_127 = arith.index_cast %add3A_96 : i32 to index
        %swap3A_128 = arith.constant 64 : index
        %swap3A_129 = tpu.vector_load %arg18[%swap3A_127, %swap3A_128] {strides = array<i32>} : memref<128x128xf32, #tpu.memory_space<vmem>>, vector<1x16xf32>,
        %swap3A_130 = vector.shape_cast %swap3A_129 : vector<1x16xf32> to vector<16xf32>
        %swap3A_131 = vector.shape_cast %mul3A_126 : vector<16xf32> to vector<1x16xf32>
        tpu.vector_store %arg18[%swap3A_127, %swap3A_128], %swap3A_131 {strides = array<i32>} : memref<128x128xf32, #tpu.memory_space<vmem>>, vector<1x16xf32>,
        %get3A_132 = arith.index_cast %add3A_96 : i32 to index
        %get3A_133 = arith.constant 80 : index
        %get3A_134 = tpu.vector_load %arg15[%get3A_132, %get3A_133] {strides = array<i32>} : memref<128x128xf32, #tpu.memory_space<vmem>>, vector<1x16xf32>,
        %get3A_135 = vector.shape_cast %get3A_134 : vector<1x16xf32> to vector<16xf32>
        %get3A_136 = arith.index_cast %add3A_96 : i32 to index
        %get3A_137 = arith.constant 80 : index
        %get3A_138 = tpu.vector_load %arg17[%get3A_136, %get3A_137] {strides = array<i32>} : memref<128x128xf32, #tpu.memory_space<vmem>>, vector<1x16xf32>,
        %get3A_139 = vector.shape_cast %get3A_138 : vector<1x16xf32> to vector<16xf32>
        %add3A_140 = arith.addf %get3A_135, %get3A_139 : vector<16xf32>
        %get3A_141 = arith.index_cast %add3A_96 : i32 to index
        %get3A_142 = arith.constant 80 : index
        %get3A_143 = tpu.vector_load %arg16[%get3A_141, %get3A_142] {strides = array<i32>} : memref<128x128xf32, #tpu.memory_space<vmem>>, vector<1x16xf32>,
        %get3A_144 = vector.shape_cast %get3A_143 : vector<1x16xf32> to vector<16xf32>
        %add3A_145 = arith.addf %add3A_140, %get3A_144 : vector<16xf32>
        %mul3A_146 = arith.constant 0.00999999977 : f32
        %mul3A_147 = vector.broadcast %mul3A_146 : f32 to vector<16xf32>
        %mul3A_148 = arith.mulf %add3A_145, %mul3A_147 : vector<16xf32>
        %max3A_149 = arith.maximumf %add3A_145, %mul3A_148 : vector<16xf32>
        %exp3A_150 = math.exp %max3A_149 : vector<16xf32>
        %get3A_151 = arith.index_cast %add3A_96 : i32 to index
        %get3A_152 = arith.constant 16 : index
        %get3A_153 = tpu.vector_load %arg15[%get3A_151, %get3A_152] {strides = array<i32>} : memref<128x128xf32, #tpu.memory_space<vmem>>, vector<1x16xf32>,
        %get3A_154 = vector.shape_cast %get3A_153 : vector<1x16xf32> to vector<16xf32>
        %get3A_155 = arith.index_cast %add3A_96 : i32 to index
        %get3A_156 = arith.constant 16 : index
        %get3A_157 = tpu.vector_load %arg17[%get3A_155, %get3A_156] {strides = array<i32>} : memref<128x128xf32, #tpu.memory_space<vmem>>, vector<1x16xf32>,
        %get3A_158 = vector.shape_cast %get3A_157 : vector<1x16xf32> to vector<16xf32>
        %add3A_159 = arith.addf %get3A_154, %get3A_158 : vector<16xf32>
        %swap3A_160 = arith.index_cast %add3A_96 : i32 to index
        %swap3A_161 = arith.constant 16 : index
        %swap3A_162 = tpu.vector_load %arg18[%swap3A_160, %swap3A_161] {strides = array<i32>} : memref<128x128xf32, #tpu.memory_space<vmem>>, vector<1x16xf32>,
        %swap3A_163 = vector.shape_cast %swap3A_162 : vector<1x16xf32> to vector<16xf32>
        %swap3A_164 = vector.shape_cast %exp3A_150 : vector<16xf32> to vector<1x16xf32>
        tpu.vector_store %arg18[%swap3A_160, %swap3A_161], %swap3A_164 {strides = array<i32>} : memref<128x128xf32, #tpu.memory_space<vmem>>, vector<1x16xf32>,
        %mul3A_165 = arith.mulf %exp3A_150, %add3A_159 : vector<16xf32>
        %swap3A_166 = arith.index_cast %add3A_96 : i32 to index
        %swap3A_167 = arith.constant 80 : index
        %swap3A_168 = tpu.vector_load %arg18[%swap3A_166, %swap3A_167] {strides = array<i32>} : memref<128x128xf32, #tpu.memory_space<vmem>>, vector<1x16xf32>,
        %swap3A_169 = vector.shape_cast %swap3A_168 : vector<1x16xf32> to vector<16xf32>
        %swap3A_170 = vector.shape_cast %mul3A_165 : vector<16xf32> to vector<1x16xf32>
        tpu.vector_store %arg18[%swap3A_166, %swap3A_167], %swap3A_170 {strides = array<i32>} : memref<128x128xf32, #tpu.memory_space<vmem>>, vector<1x16xf32>,
        %get3A_171 = arith.index_cast %add3A_96 : i32 to index
        %get3A_172 = arith.constant 96 : index
        %get3A_173 = tpu.vector_load %arg15[%get3A_171, %get3A_172] {strides = array<i32>} : memref<128x128xf32, #tpu.memory_space<vmem>>, vector<1x16xf32>,
        %get3A_174 = vector.shape_cast %get3A_173 : vector<1x16xf32> to vector<16xf32>
        %get3A_175 = arith.index_cast %add3A_96 : i32 to index
        %get3A_176 = arith.constant 96 : index
        %get3A_177 = tpu.vector_load %arg17[%get3A_175, %get3A_176] {strides = array<i32>} : memref<128x128xf32, #tpu.memory_space<vmem>>, vector<1x16xf32>,
        %get3A_178 = vector.shape_cast %get3A_177 : vector<1x16xf32> to vector<16xf32>
        %add3A_179 = arith.addf %get3A_174, %get3A_178 : vector<16xf32>
        %get3A_180 = arith.index_cast %add3A_96 : i32 to index
        %get3A_181 = arith.constant 96 : index
        %get3A_182 = tpu.vector_load %arg16[%get3A_180, %get3A_181] {strides = array<i32>} : memref<128x128xf32, #tpu.memory_space<vmem>>, vector<1x16xf32>,
        %get3A_183 = vector.shape_cast %get3A_182 : vector<1x16xf32> to vector<16xf32>
        %add3A_184 = arith.addf %add3A_179, %get3A_183 : vector<16xf32>
        %mul3A_185 = arith.constant 0.00999999977 : f32
        %mul3A_186 = vector.broadcast %mul3A_185 : f32 to vector<16xf32>
        %mul3A_187 = arith.mulf %add3A_184, %mul3A_186 : vector<16xf32>
        %max3A_188 = arith.maximumf %add3A_184, %mul3A_187 : vector<16xf32>
        %exp3A_189 = math.exp %max3A_188 : vector<16xf32>
        %get3A_190 = arith.index_cast %add3A_96 : i32 to index
        %get3A_191 = arith.constant 32 : index
        %get3A_192 = tpu.vector_load %arg15[%get3A_190, %get3A_191] {strides = array<i32>} : memref<128x128xf32, #tpu.memory_space<vmem>>, vector<1x16xf32>,
        %get3A_193 = vector.shape_cast %get3A_192 : vector<1x16xf32> to vector<16xf32>
        %get3A_194 = arith.index_cast %add3A_96 : i32 to index
        %get3A_195 = arith.constant 32 : index
        %get3A_196 = tpu.vector_load %arg17[%get3A_194, %get3A_195] {strides = array<i32>} : memref<128x128xf32, #tpu.memory_space<vmem>>, vector<1x16xf32>,
        %get3A_197 = vector.shape_cast %get3A_196 : vector<1x16xf32> to vector<16xf32>
        %add3A_198 = arith.addf %get3A_193, %get3A_197 : vector<16xf32>
        %swap3A_199 = arith.index_cast %add3A_96 : i32 to index
        %swap3A_200 = arith.constant 32 : index
        %swap3A_201 = tpu.vector_load %arg18[%swap3A_199, %swap3A_200] {strides = array<i32>} : memref<128x128xf32, #tpu.memory_space<vmem>>, vector<1x16xf32>,
        %swap3A_202 = vector.shape_cast %swap3A_201 : vector<1x16xf32> to vector<16xf32>
        %swap3A_203 = vector.shape_cast %exp3A_189 : vector<16xf32> to vector<1x16xf32>
        tpu.vector_store %arg18[%swap3A_199, %swap3A_200], %swap3A_203 {strides = array<i32>} : memref<128x128xf32, #tpu.memory_space<vmem>>, vector<1x16xf32>,
        %mul3A_204 = arith.mulf %exp3A_189, %add3A_198 : vector<16xf32>
        %swap3A_205 = arith.index_cast %add3A_96 : i32 to index
        %swap3A_206 = arith.constant 96 : index
        %swap3A_207 = tpu.vector_load %arg18[%swap3A_205, %swap3A_206] {strides = array<i32>} : memref<128x128xf32, #tpu.memory_space<vmem>>, vector<1x16xf32>,
        %swap3A_208 = vector.shape_cast %swap3A_207 : vector<1x16xf32> to vector<16xf32>
        %swap3A_209 = vector.shape_cast %mul3A_204 : vector<16xf32> to vector<1x16xf32>
        tpu.vector_store %arg18[%swap3A_205, %swap3A_206], %swap3A_209 {strides = array<i32>} : memref<128x128xf32, #tpu.memory_space<vmem>>, vector<1x16xf32>,
        %get3A_210 = arith.index_cast %add3A_96 : i32 to index
        %get3A_211 = arith.constant 112 : index
        %get3A_212 = tpu.vector_load %arg15[%get3A_210, %get3A_211] {strides = array<i32>} : memref<128x128xf32, #tpu.memory_space<vmem>>, vector<1x16xf32>,
        %get3A_213 = vector.shape_cast %get3A_212 : vector<1x16xf32> to vector<16xf32>
        %get3A_214 = arith.index_cast %add3A_96 : i32 to index
        %get3A_215 = arith.constant 112 : index
        %get3A_216 = tpu.vector_load %arg17[%get3A_214, %get3A_215] {strides = array<i32>} : memref<128x128xf32, #tpu.memory_space<vmem>>, vector<1x16xf32>,
        %get3A_217 = vector.shape_cast %get3A_216 : vector<1x16xf32> to vector<16xf32>
        %add3A_218 = arith.addf %get3A_213, %get3A_217 : vector<16xf32>
        %get3A_219 = arith.index_cast %add3A_96 : i32 to index
        %get3A_220 = arith.constant 112 : index
        %get3A_221 = tpu.vector_load %arg16[%get3A_219, %get3A_220] {strides = array<i32>} : memref<128x128xf32, #tpu.memory_space<vmem>>, vector<1x16xf32>,
        %get3A_222 = vector.shape_cast %get3A_221 : vector<1x16xf32> to vector<16xf32>
        %add3A_223 = arith.addf %add3A_218, %get3A_222 : vector<16xf32>
        %mul3A_224 = arith.constant 0.00999999977 : f32
        %mul3A_225 = vector.broadcast %mul3A_224 : f32 to vector<16xf32>
        %mul3A_226 = arith.mulf %add3A_223, %mul3A_225 : vector<16xf32>
        %max3A_227 = arith.maximumf %add3A_223, %mul3A_226 : vector<16xf32>
        %exp3A_228 = math.exp %max3A_227 : vector<16xf32>
        %get3A_229 = arith.index_cast %add3A_96 : i32 to index
        %get3A_230 = arith.constant 48 : index
        %get3A_231 = tpu.vector_load %arg15[%get3A_229, %get3A_230] {strides = array<i32>} : memref<128x128xf32, #tpu.memory_space<vmem>>, vector<1x16xf32>,
        %get3A_232 = vector.shape_cast %get3A_231 : vector<1x16xf32> to vector<16xf32>
        %get3A_233 = arith.index_cast %add3A_96 : i32 to index
        %get3A_234 = arith.constant 48 : index
        %get3A_235 = tpu.vector_load %arg17[%get3A_233, %get3A_234] {strides = array<i32>} : memref<128x128xf32, #tpu.memory_space<vmem>>, vector<1x16xf32>,
        %get3A_236 = vector.shape_cast %get3A_235 : vector<1x16xf32> to vector<16xf32>
        %add3A_237 = arith.addf %get3A_232, %get3A_236 : vector<16xf32>
        %swap3A_238 = arith.index_cast %add3A_96 : i32 to index
        %swap3A_239 = arith.constant 48 : index
        %swap3A_240 = tpu.vector_load %arg18[%swap3A_238, %swap3A_239] {strides = array<i32>} : memref<128x128xf32, #tpu.memory_space<vmem>>, vector<1x16xf32>,
        %swap3A_241 = vector.shape_cast %swap3A_240 : vector<1x16xf32> to vector<16xf32>
        %swap3A_242 = vector.shape_cast %exp3A_228 : vector<16xf32> to vector<1x16xf32>
        tpu.vector_store %arg18[%swap3A_238, %swap3A_239], %swap3A_242 {strides = array<i32>} : memref<128x128xf32, #tpu.memory_space<vmem>>, vector<1x16xf32>,
        %mul3A_243 = arith.mulf %exp3A_228, %add3A_237 : vector<16xf32>
        %swap3A_244 = arith.index_cast %add3A_96 : i32 to index
        %swap3A_245 = arith.constant 112 : index
        %swap3A_246 = tpu.vector_load %arg18[%swap3A_244, %swap3A_245] {strides = array<i32>} : memref<128x128xf32, #tpu.memory_space<vmem>>, vector<1x16xf32>,
        %swap3A_247 = vector.shape_cast %swap3A_246 : vector<1x16xf32> to vector<16xf32>
        %swap3A_248 = vector.shape_cast %mul3A_243 : vector<16xf32> to vector<1x16xf32>
        tpu.vector_store %arg18[%swap3A_244, %swap3A_245], %swap3A_248 {strides = array<i32>} : memref<128x128xf32, #tpu.memory_space<vmem>>, vector<1x16xf32>,
      }
      %scan3A_91 = arith.constant 128 : i32
      "tpu.region"() ({
        %run_scoped3A_92 = tpu.sem_alloc : memref<!tpu.dma_semaphore, #tpu.memory_space<semaphore_mem>>
        %dma_start3A_93 = arith.constant 0 : i32
        %dma_start3A_94 = arith.constant 0 : i32
        %dma_start3A_95 = tpu.memref_slice %arg19[%dma_start3A_93, %dma_start3A_94] : memref<5248x128xf32, #tpu.memory_space<vmem_shared>> -> memref<5248x128xf32, #tpu.memory_space<vmem_shared>>
        tpu.enqueue_indirect_dma source(%arg18 : memref<128x128xf32, #tpu.memory_space<vmem>>) target(%dma_start3A_95 : memref<5248x128xf32, #tpu.memory_space<vmem_shared>>) offsets(%arg14 : memref<128xi32, #tpu.memory_space<vmem>>) semaphore(%run_scoped3A_92 : memref<!tpu.dma_semaphore, #tpu.memory_space<semaphore_mem>>) {add = true}
        %dma_wait3A_96 = arith.constant 0 : i32
        %dma_wait3A_97 = arith.constant 0 : i32
        %dma_wait3A_98 = tpu.memref_slice %arg19[%dma_wait3A_96, %dma_wait3A_97] : memref<5248x128xf32, #tpu.memory_space<vmem_shared>> -> memref<5248x128xf32, #tpu.memory_space<vmem_shared>>
        tpu.wait_indirect_dma semaphore(%run_scoped3A_92 : memref<!tpu.dma_semaphore, #tpu.memory_space<semaphore_mem>>) src(%arg18 : memref<128x128xf32, #tpu.memory_space<vmem>>) dst(%dma_wait3A_98 : memref<5248x128xf32, #tpu.memory_space<vmem_shared>>)
        tpu.yield
      }) : () -> ()
    }
    %scan3A_18 = arith.constant 79 : i32
    %barrier3A_19 = arith.constant 0 : index
    tpu.barrier barrier_id(%barrier3A_19)
    %mul3A_20 = arith.constant 328 : i32
    %mul3A_21 = arith.muli %arg1, %mul3A_20 : i32
    %mul3A_22 = arith.constant 328 : i32
    %mul3A_23 = arith.muli %arg1, %mul3A_22 : i32
    %run_scoped3A_24 = arith.constant 1 : i32
    "tpu.region"() ({
      %run_scoped3A_56 = tpu.sem_alloc : memref<!tpu.dma_semaphore, #tpu.memory_space<semaphore_mem>>
      %dma_start3A = arith.constant 0 : i32
      %dma_start3A_57 = tpu.memref_slice %arg10[%arg0, %run_scoped3A_24, %mul3A_23, %dma_start3A] : memref<2x4x5248x128xf32, #tpu.memory_space<hbm>> -> memref<1x1x328x128xf32, #tpu.memory_space<hbm>>
      %dma_start3A_58 = tpu.memref_squeeze %dma_start3A_57 : memref<1x1x328x128xf32, #tpu.memory_space<hbm>> -> memref<328x128xf32, #tpu.memory_space<hbm>>
      %dma_start3A_59 = arith.constant 0 : i32
      %dma_start3A_60 = tpu.memref_slice %arg19[%mul3A_21, %dma_start3A_59] : memref<5248x128xf32, #tpu.memory_space<vmem_shared>> -> memref<328x128xf32, #tpu.memory_space<vmem_shared>>
      tpu.enqueue_dma source(%dma_start3A_60 : memref<328x128xf32, #tpu.memory_space<vmem_shared>>) target(%dma_start3A_58 : memref<328x128xf32, #tpu.memory_space<hbm>>) target_semaphore(%run_scoped3A_56 : memref<!tpu.dma_semaphore, #tpu.memory_space<semaphore_mem>>)
      %dma_wait3A = arith.constant 0 : i32
      %dma_wait3A_61 = tpu.memref_slice %arg10[%arg0, %run_scoped3A_24, %mul3A_23, %dma_wait3A] : memref<2x4x5248x128xf32, #tpu.memory_space<hbm>> -> memref<1x1x328x128xf32, #tpu.memory_space<hbm>>
      %dma_wait3A_62 = tpu.memref_squeeze %dma_wait3A_61 : memref<1x1x328x128xf32, #tpu.memory_space<hbm>> -> memref<328x128xf32, #tpu.memory_space<hbm>>
      %dma_wait3A_63 = arith.constant 0 : i32
      %dma_wait3A_64 = tpu.memref_slice %arg19[%mul3A_21, %dma_wait3A_63] : memref<5248x128xf32, #tpu.memory_space<vmem_shared>> -> memref<328x128xf32, #tpu.memory_space<vmem_shared>>
      tpu.wait_dma2 semaphore(%run_scoped3A_56 : memref<!tpu.dma_semaphore, #tpu.memory_space<semaphore_mem>>) src(%dma_wait3A_64 : memref<328x128xf32, #tpu.memory_space<vmem_shared>>) dst(%dma_wait3A_62 : memref<328x128xf32, #tpu.memory_space<hbm>>)
      tpu.yield
    }) : () -> ()
    %barrier3A_25 = arith.constant 0 : index
    tpu.barrier barrier_id(%barrier3A_25)
    %mul3A_26 = arith.constant 328 : i32
    %mul3A_27 = arith.muli %arg1, %mul3A_26 : i32
    "tpu.region"() ({
      %run_scoped3A_56 = tpu.sem_alloc : memref<!tpu.dma_semaphore, #tpu.memory_space<semaphore_mem>>
      %dma_start3A = arith.constant 0 : i32
      %dma_start3A_57 = tpu.memref_slice %arg19[%mul3A_27, %dma_start3A] : memref<5248x128xf32, #tpu.memory_space<vmem_shared>> -> memref<328x128xf32, #tpu.memory_space<vmem_shared>>
      tpu.enqueue_dma source(%arg9 : memref<328x128xf32, #tpu.memory_space<hbm>>) target(%dma_start3A_57 : memref<328x128xf32, #tpu.memory_space<vmem_shared>>) target_semaphore(%run_scoped3A_56 : memref<!tpu.dma_semaphore, #tpu.memory_space<semaphore_mem>>)
      %dma_wait3A = arith.constant 0 : i32
      %dma_wait3A_58 = tpu.memref_slice %arg19[%mul3A_27, %dma_wait3A] : memref<5248x128xf32, #tpu.memory_space<vmem_shared>> -> memref<328x128xf32, #tpu.memory_space<vmem_shared>>
      tpu.wait_dma2 semaphore(%run_scoped3A_56 : memref<!tpu.dma_semaphore, #tpu.memory_space<semaphore_mem>>) src(%arg9 : memref<328x128xf32, #tpu.memory_space<hbm>>) dst(%dma_wait3A_58 : memref<328x128xf32, #tpu.memory_space<vmem_shared>>)
      tpu.yield
    }) : () -> ()
    %barrier3A_28 = arith.constant 0 : index
    tpu.barrier barrier_id(%barrier3A_28)
    %scan3A_29 = arith.constant 0 : i32
    %scan3A_30 = arith.constant 79 : i32
    %scan3A_31 = arith.addi %scan3A_29, %scan3A_30 : i32
    %scan3A_32 = arith.constant 1 : i32
    scf.for %scan3A_56 = %scan3A_29 to %scan3A_31 step %scan3A_32  : i32 {
      %mul3A_57 = arith.constant 1 : i32
      %mul3A_58 = arith.muli %scan3A_56, %mul3A_57 : i32
      %add3A = arith.constant 0 : i32
      %add3A_59 = arith.addi %add3A, %mul3A_58 : i32
      %mul3A_60 = arith.constant 16 : i32
      %mul3A_61 = arith.muli %add3A_59, %mul3A_60 : i32
      %add3A_62 = arith.addi %arg1, %mul3A_61 : i32
      %mul3A_63 = arith.constant 128 : i32
      %mul3A_64 = arith.muli %add3A_62, %mul3A_63 : i32
      %add3A_65 = arith.constant 323584 : i32
      %add3A_66 = arith.addi %add3A_65, %mul3A_64 : i32
      "tpu.region"() ({
        %run_scoped3A_92 = tpu.sem_alloc : memref<!tpu.dma_semaphore, #tpu.memory_space<semaphore_mem>>
        %dma_start3A_93 = tpu.memref_slice %arg5[%add3A_66] : memref<647168xi32, #tpu.memory_space<hbm>> -> memref<128xi32, #tpu.memory_space<hbm>>
        %dma_start3A_94 = tpu.memref_slice %arg5[%add3A_66] : memref<647168xi32, #tpu.memory_space<hbm>> -> memref<128xi32, #tpu.memory_space<hbm>>
        tpu.enqueue_dma source(%dma_start3A_94 : memref<128xi32, #tpu.memory_space<hbm>>) target(%arg11 : memref<128xi32, #tpu.memory_space<vmem>>) target_semaphore(%run_scoped3A_92 : memref<!tpu.dma_semaphore, #tpu.memory_space<semaphore_mem>>)
        %dma_wait3A_95 = tpu.memref_slice %arg5[%add3A_66] : memref<647168xi32, #tpu.memory_space<hbm>> -> memref<128xi32, #tpu.memory_space<hbm>>
        %dma_wait3A_96 = tpu.memref_slice %arg5[%add3A_66] : memref<647168xi32, #tpu.memory_space<hbm>> -> memref<128xi32, #tpu.memory_space<hbm>>
        tpu.wait_dma2 semaphore(%run_scoped3A_92 : memref<!tpu.dma_semaphore, #tpu.memory_space<semaphore_mem>>) src(%dma_wait3A_96 : memref<128xi32, #tpu.memory_space<hbm>>) dst(%arg11 : memref<128xi32, #tpu.memory_space<vmem>>)
        tpu.yield
      }) : () -> ()
      %add3A_67 = arith.constant 323584 : i32
      %add3A_68 = arith.addi %add3A_67, %mul3A_64 : i32
      "tpu.region"() ({
        %run_scoped3A_92 = tpu.sem_alloc : memref<!tpu.dma_semaphore, #tpu.memory_space<semaphore_mem>>
        %dma_start3A_93 = tpu.memref_slice %arg6[%add3A_68] : memref<647168xi32, #tpu.memory_space<hbm>> -> memref<128xi32, #tpu.memory_space<hbm>>
        %dma_start3A_94 = tpu.memref_slice %arg6[%add3A_68] : memref<647168xi32, #tpu.memory_space<hbm>> -> memref<128xi32, #tpu.memory_space<hbm>>
        tpu.enqueue_dma source(%dma_start3A_94 : memref<128xi32, #tpu.memory_space<hbm>>) target(%arg12 : memref<128xi32, #tpu.memory_space<vmem>>) target_semaphore(%run_scoped3A_92 : memref<!tpu.dma_semaphore, #tpu.memory_space<semaphore_mem>>)
        %dma_wait3A_95 = tpu.memref_slice %arg6[%add3A_68] : memref<647168xi32, #tpu.memory_space<hbm>> -> memref<128xi32, #tpu.memory_space<hbm>>
        %dma_wait3A_96 = tpu.memref_slice %arg6[%add3A_68] : memref<647168xi32, #tpu.memory_space<hbm>> -> memref<128xi32, #tpu.memory_space<hbm>>
        tpu.wait_dma2 semaphore(%run_scoped3A_92 : memref<!tpu.dma_semaphore, #tpu.memory_space<semaphore_mem>>) src(%dma_wait3A_96 : memref<128xi32, #tpu.memory_space<hbm>>) dst(%arg12 : memref<128xi32, #tpu.memory_space<vmem>>)
        tpu.yield
      }) : () -> ()
      %add3A_69 = arith.constant 323584 : i32
      %add3A_70 = arith.addi %add3A_69, %mul3A_64 : i32
      "tpu.region"() ({
        %run_scoped3A_92 = tpu.sem_alloc : memref<!tpu.dma_semaphore, #tpu.memory_space<semaphore_mem>>
        %dma_start3A_93 = tpu.memref_slice %arg7[%add3A_70] : memref<647168xi32, #tpu.memory_space<hbm>> -> memref<128xi32, #tpu.memory_space<hbm>>
        %dma_start3A_94 = tpu.memref_slice %arg7[%add3A_70] : memref<647168xi32, #tpu.memory_space<hbm>> -> memref<128xi32, #tpu.memory_space<hbm>>
        tpu.enqueue_dma source(%dma_start3A_94 : memref<128xi32, #tpu.memory_space<hbm>>) target(%arg13 : memref<128xi32, #tpu.memory_space<vmem>>) target_semaphore(%run_scoped3A_92 : memref<!tpu.dma_semaphore, #tpu.memory_space<semaphore_mem>>)
        %dma_wait3A_95 = tpu.memref_slice %arg7[%add3A_70] : memref<647168xi32, #tpu.memory_space<hbm>> -> memref<128xi32, #tpu.memory_space<hbm>>
        %dma_wait3A_96 = tpu.memref_slice %arg7[%add3A_70] : memref<647168xi32, #tpu.memory_space<hbm>> -> memref<128xi32, #tpu.memory_space<hbm>>
        tpu.wait_dma2 semaphore(%run_scoped3A_92 : memref<!tpu.dma_semaphore, #tpu.memory_space<semaphore_mem>>) src(%dma_wait3A_96 : memref<128xi32, #tpu.memory_space<hbm>>) dst(%arg13 : memref<128xi32, #tpu.memory_space<vmem>>)
        tpu.yield
      }) : () -> ()
      "tpu.region"() ({
        %run_scoped3A_92 = tpu.sem_alloc : memref<!tpu.dma_semaphore, #tpu.memory_space<semaphore_mem>>
        %dma_start3A_93 = tpu.memref_slice %arg8[%arg0, %mul3A_64] : memref<2x161792xi32, #tpu.memory_space<hbm>> -> memref<1x128xi32, #tpu.memory_space<hbm>>
        %dma_start3A_94 = tpu.memref_squeeze %dma_start3A_93 : memref<1x128xi32, #tpu.memory_space<hbm>> -> memref<128xi32, #tpu.memory_space<hbm>>
        %dma_start3A_95 = tpu.memref_slice %arg8[%arg0, %mul3A_64] : memref<2x161792xi32, #tpu.memory_space<hbm>> -> memref<1x128xi32, #tpu.memory_space<hbm>>
        %dma_start3A_96 = tpu.memref_squeeze %dma_start3A_95 : memref<1x128xi32, #tpu.memory_space<hbm>> -> memref<128xi32, #tpu.memory_space<hbm>>
        tpu.enqueue_dma source(%dma_start3A_96 : memref<128xi32, #tpu.memory_space<hbm>>) target(%arg14 : memref<128xi32, #tpu.memory_space<vmem>>) target_semaphore(%run_scoped3A_92 : memref<!tpu.dma_semaphore, #tpu.memory_space<semaphore_mem>>)
        %dma_wait3A_97 = tpu.memref_slice %arg8[%arg0, %mul3A_64] : memref<2x161792xi32, #tpu.memory_space<hbm>> -> memref<1x128xi32, #tpu.memory_space<hbm>>
        %dma_wait3A_98 = tpu.memref_squeeze %dma_wait3A_97 : memref<1x128xi32, #tpu.memory_space<hbm>> -> memref<128xi32, #tpu.memory_space<hbm>>
        %dma_wait3A_99 = tpu.memref_slice %arg8[%arg0, %mul3A_64] : memref<2x161792xi32, #tpu.memory_space<hbm>> -> memref<1x128xi32, #tpu.memory_space<hbm>>
        %dma_wait3A_100 = tpu.memref_squeeze %dma_wait3A_99 : memref<1x128xi32, #tpu.memory_space<hbm>> -> memref<128xi32, #tpu.memory_space<hbm>>
        tpu.wait_dma2 semaphore(%run_scoped3A_92 : memref<!tpu.dma_semaphore, #tpu.memory_space<semaphore_mem>>) src(%dma_wait3A_100 : memref<128xi32, #tpu.memory_space<hbm>>) dst(%arg14 : memref<128xi32, #tpu.memory_space<vmem>>)
        tpu.yield
      }) : () -> ()
      %dma_start3A = arith.constant 0 : i32
      %dma_start3A_71 = arith.constant 0 : i32
      %dma_start3A_72 = tpu.memref_slice %arg2[%dma_start3A, %dma_start3A_71] : memref<40000x128xf32, #tpu.memory_space<hbm>> -> memref<40000x128xf32, #tpu.memory_space<hbm>>
      tpu.enqueue_indirect_dma source(%dma_start3A_72 : memref<40000x128xf32, #tpu.memory_space<hbm>>) target(%arg15 : memref<128x128xf32, #tpu.memory_space<vmem>>) offsets(%arg11 : memref<128xi32, #tpu.memory_space<vmem>>) semaphore(%arg20 : memref<!tpu.dma_semaphore, #tpu.memory_space<semaphore_mem>>)
      %dma_start3A_73 = arith.constant 0 : i32
      %dma_start3A_74 = arith.constant 0 : i32
      %dma_start3A_75 = tpu.memref_slice %arg3[%dma_start3A_73, %dma_start3A_74] : memref<40000x128xf32, #tpu.memory_space<hbm>> -> memref<40000x128xf32, #tpu.memory_space<hbm>>
      tpu.enqueue_indirect_dma source(%dma_start3A_75 : memref<40000x128xf32, #tpu.memory_space<hbm>>) target(%arg16 : memref<128x128xf32, #tpu.memory_space<vmem>>) offsets(%arg12 : memref<128xi32, #tpu.memory_space<vmem>>) semaphore(%arg21 : memref<!tpu.dma_semaphore, #tpu.memory_space<semaphore_mem>>)
      %dma_start3A_76 = arith.constant 0 : i32
      %dma_start3A_77 = arith.constant 0 : i32
      %dma_start3A_78 = tpu.memref_slice %arg4[%dma_start3A_76, %dma_start3A_77] : memref<800x128xf32, #tpu.memory_space<hbm>> -> memref<800x128xf32, #tpu.memory_space<hbm>>
      tpu.enqueue_indirect_dma source(%dma_start3A_78 : memref<800x128xf32, #tpu.memory_space<hbm>>) target(%arg17 : memref<128x128xf32, #tpu.memory_space<vmem>>) offsets(%arg13 : memref<128xi32, #tpu.memory_space<vmem>>) semaphore(%arg22 : memref<!tpu.dma_semaphore, #tpu.memory_space<semaphore_mem>>)
      %dma_wait3A = arith.constant 0 : i32
      %dma_wait3A_79 = arith.constant 0 : i32
      %dma_wait3A_80 = tpu.memref_slice %arg2[%dma_wait3A, %dma_wait3A_79] : memref<40000x128xf32, #tpu.memory_space<hbm>> -> memref<40000x128xf32, #tpu.memory_space<hbm>>
      tpu.wait_indirect_dma semaphore(%arg20 : memref<!tpu.dma_semaphore, #tpu.memory_space<semaphore_mem>>) src(%dma_wait3A_80 : memref<40000x128xf32, #tpu.memory_space<hbm>>) dst(%arg15 : memref<128x128xf32, #tpu.memory_space<vmem>>)
      %dma_wait3A_81 = arith.constant 0 : i32
      %dma_wait3A_82 = arith.constant 0 : i32
      %dma_wait3A_83 = tpu.memref_slice %arg3[%dma_wait3A_81, %dma_wait3A_82] : memref<40000x128xf32, #tpu.memory_space<hbm>> -> memref<40000x128xf32, #tpu.memory_space<hbm>>
      tpu.wait_indirect_dma semaphore(%arg21 : memref<!tpu.dma_semaphore, #tpu.memory_space<semaphore_mem>>) src(%dma_wait3A_83 : memref<40000x128xf32, #tpu.memory_space<hbm>>) dst(%arg16 : memref<128x128xf32, #tpu.memory_space<vmem>>)
      %dma_wait3A_84 = arith.constant 0 : i32
      %dma_wait3A_85 = arith.constant 0 : i32
      %dma_wait3A_86 = tpu.memref_slice %arg4[%dma_wait3A_84, %dma_wait3A_85] : memref<800x128xf32, #tpu.memory_space<hbm>> -> memref<800x128xf32, #tpu.memory_space<hbm>>
      tpu.wait_indirect_dma semaphore(%arg22 : memref<!tpu.dma_semaphore, #tpu.memory_space<semaphore_mem>>) src(%dma_wait3A_86 : memref<800x128xf32, #tpu.memory_space<hbm>>) dst(%arg17 : memref<128x128xf32, #tpu.memory_space<vmem>>)
      %scan3A_87 = arith.constant 0 : i32
      %scan3A_88 = arith.constant 128 : i32
      %scan3A_89 = arith.addi %scan3A_87, %scan3A_88 : i32
      %scan3A_90 = arith.constant 1 : i32
      scf.for %scan3A_92 = %scan3A_87 to %scan3A_89 step %scan3A_90  : i32 {
        %mul3A_93 = arith.constant 1 : i32
        %mul3A_94 = arith.muli %scan3A_92, %mul3A_93 : i32
        %add3A_95 = arith.constant 0 : i32
        %add3A_96 = arith.addi %add3A_95, %mul3A_94 : i32
        %get3A = arith.index_cast %add3A_96 : i32 to index
        %get3A_97 = arith.constant 64 : index
        %get3A_98 = tpu.vector_load %arg15[%get3A, %get3A_97] {strides = array<i32>} : memref<128x128xf32, #tpu.memory_space<vmem>>, vector<1x16xf32>,
        %get3A_99 = vector.shape_cast %get3A_98 : vector<1x16xf32> to vector<16xf32>
        %get3A_100 = arith.index_cast %add3A_96 : i32 to index
        %get3A_101 = arith.constant 64 : index
        %get3A_102 = tpu.vector_load %arg17[%get3A_100, %get3A_101] {strides = array<i32>} : memref<128x128xf32, #tpu.memory_space<vmem>>, vector<1x16xf32>,
        %get3A_103 = vector.shape_cast %get3A_102 : vector<1x16xf32> to vector<16xf32>
        %add3A_104 = arith.addf %get3A_99, %get3A_103 : vector<16xf32>
        %get3A_105 = arith.index_cast %add3A_96 : i32 to index
        %get3A_106 = arith.constant 64 : index
        %get3A_107 = tpu.vector_load %arg16[%get3A_105, %get3A_106] {strides = array<i32>} : memref<128x128xf32, #tpu.memory_space<vmem>>, vector<1x16xf32>,
        %get3A_108 = vector.shape_cast %get3A_107 : vector<1x16xf32> to vector<16xf32>
        %add3A_109 = arith.addf %add3A_104, %get3A_108 : vector<16xf32>
        %mul3A_110 = arith.constant 0.00999999977 : f32
        %mul3A_111 = vector.broadcast %mul3A_110 : f32 to vector<16xf32>
        %mul3A_112 = arith.mulf %add3A_109, %mul3A_111 : vector<16xf32>
        %max3A = arith.maximumf %add3A_109, %mul3A_112 : vector<16xf32>
        %exp3A = math.exp %max3A : vector<16xf32>
        %get3A_113 = arith.index_cast %add3A_96 : i32 to index
        %get3A_114 = arith.constant 0 : index
        %get3A_115 = tpu.vector_load %arg15[%get3A_113, %get3A_114] {strides = array<i32>} : memref<128x128xf32, #tpu.memory_space<vmem>>, vector<1x16xf32>,
        %get3A_116 = vector.shape_cast %get3A_115 : vector<1x16xf32> to vector<16xf32>
        %get3A_117 = arith.index_cast %add3A_96 : i32 to index
        %get3A_118 = arith.constant 0 : index
        %get3A_119 = tpu.vector_load %arg17[%get3A_117, %get3A_118] {strides = array<i32>} : memref<128x128xf32, #tpu.memory_space<vmem>>, vector<1x16xf32>,
        %get3A_120 = vector.shape_cast %get3A_119 : vector<1x16xf32> to vector<16xf32>
        %add3A_121 = arith.addf %get3A_116, %get3A_120 : vector<16xf32>
        %swap3A = arith.index_cast %add3A_96 : i32 to index
        %swap3A_122 = arith.constant 0 : index
        %swap3A_123 = tpu.vector_load %arg18[%swap3A, %swap3A_122] {strides = array<i32>} : memref<128x128xf32, #tpu.memory_space<vmem>>, vector<1x16xf32>,
        %swap3A_124 = vector.shape_cast %swap3A_123 : vector<1x16xf32> to vector<16xf32>
        %swap3A_125 = vector.shape_cast %exp3A : vector<16xf32> to vector<1x16xf32>
        tpu.vector_store %arg18[%swap3A, %swap3A_122], %swap3A_125 {strides = array<i32>} : memref<128x128xf32, #tpu.memory_space<vmem>>, vector<1x16xf32>,
        %mul3A_126 = arith.mulf %exp3A, %add3A_121 : vector<16xf32>
        %swap3A_127 = arith.index_cast %add3A_96 : i32 to index
        %swap3A_128 = arith.constant 64 : index
        %swap3A_129 = tpu.vector_load %arg18[%swap3A_127, %swap3A_128] {strides = array<i32>} : memref<128x128xf32, #tpu.memory_space<vmem>>, vector<1x16xf32>,
        %swap3A_130 = vector.shape_cast %swap3A_129 : vector<1x16xf32> to vector<16xf32>
        %swap3A_131 = vector.shape_cast %mul3A_126 : vector<16xf32> to vector<1x16xf32>
        tpu.vector_store %arg18[%swap3A_127, %swap3A_128], %swap3A_131 {strides = array<i32>} : memref<128x128xf32, #tpu.memory_space<vmem>>, vector<1x16xf32>,
        %get3A_132 = arith.index_cast %add3A_96 : i32 to index
        %get3A_133 = arith.constant 80 : index
        %get3A_134 = tpu.vector_load %arg15[%get3A_132, %get3A_133] {strides = array<i32>} : memref<128x128xf32, #tpu.memory_space<vmem>>, vector<1x16xf32>,
        %get3A_135 = vector.shape_cast %get3A_134 : vector<1x16xf32> to vector<16xf32>
        %get3A_136 = arith.index_cast %add3A_96 : i32 to index
        %get3A_137 = arith.constant 80 : index
        %get3A_138 = tpu.vector_load %arg17[%get3A_136, %get3A_137] {strides = array<i32>} : memref<128x128xf32, #tpu.memory_space<vmem>>, vector<1x16xf32>,
        %get3A_139 = vector.shape_cast %get3A_138 : vector<1x16xf32> to vector<16xf32>
        %add3A_140 = arith.addf %get3A_135, %get3A_139 : vector<16xf32>
        %get3A_141 = arith.index_cast %add3A_96 : i32 to index
        %get3A_142 = arith.constant 80 : index
        %get3A_143 = tpu.vector_load %arg16[%get3A_141, %get3A_142] {strides = array<i32>} : memref<128x128xf32, #tpu.memory_space<vmem>>, vector<1x16xf32>,
        %get3A_144 = vector.shape_cast %get3A_143 : vector<1x16xf32> to vector<16xf32>
        %add3A_145 = arith.addf %add3A_140, %get3A_144 : vector<16xf32>
        %mul3A_146 = arith.constant 0.00999999977 : f32
        %mul3A_147 = vector.broadcast %mul3A_146 : f32 to vector<16xf32>
        %mul3A_148 = arith.mulf %add3A_145, %mul3A_147 : vector<16xf32>
        %max3A_149 = arith.maximumf %add3A_145, %mul3A_148 : vector<16xf32>
        %exp3A_150 = math.exp %max3A_149 : vector<16xf32>
        %get3A_151 = arith.index_cast %add3A_96 : i32 to index
        %get3A_152 = arith.constant 16 : index
        %get3A_153 = tpu.vector_load %arg15[%get3A_151, %get3A_152] {strides = array<i32>} : memref<128x128xf32, #tpu.memory_space<vmem>>, vector<1x16xf32>,
        %get3A_154 = vector.shape_cast %get3A_153 : vector<1x16xf32> to vector<16xf32>
        %get3A_155 = arith.index_cast %add3A_96 : i32 to index
        %get3A_156 = arith.constant 16 : index
        %get3A_157 = tpu.vector_load %arg17[%get3A_155, %get3A_156] {strides = array<i32>} : memref<128x128xf32, #tpu.memory_space<vmem>>, vector<1x16xf32>,
        %get3A_158 = vector.shape_cast %get3A_157 : vector<1x16xf32> to vector<16xf32>
        %add3A_159 = arith.addf %get3A_154, %get3A_158 : vector<16xf32>
        %swap3A_160 = arith.index_cast %add3A_96 : i32 to index
        %swap3A_161 = arith.constant 16 : index
        %swap3A_162 = tpu.vector_load %arg18[%swap3A_160, %swap3A_161] {strides = array<i32>} : memref<128x128xf32, #tpu.memory_space<vmem>>, vector<1x16xf32>,
        %swap3A_163 = vector.shape_cast %swap3A_162 : vector<1x16xf32> to vector<16xf32>
        %swap3A_164 = vector.shape_cast %exp3A_150 : vector<16xf32> to vector<1x16xf32>
        tpu.vector_store %arg18[%swap3A_160, %swap3A_161], %swap3A_164 {strides = array<i32>} : memref<128x128xf32, #tpu.memory_space<vmem>>, vector<1x16xf32>,
        %mul3A_165 = arith.mulf %exp3A_150, %add3A_159 : vector<16xf32>
        %swap3A_166 = arith.index_cast %add3A_96 : i32 to index
        %swap3A_167 = arith.constant 80 : index
        %swap3A_168 = tpu.vector_load %arg18[%swap3A_166, %swap3A_167] {strides = array<i32>} : memref<128x128xf32, #tpu.memory_space<vmem>>, vector<1x16xf32>,
        %swap3A_169 = vector.shape_cast %swap3A_168 : vector<1x16xf32> to vector<16xf32>
        %swap3A_170 = vector.shape_cast %mul3A_165 : vector<16xf32> to vector<1x16xf32>
        tpu.vector_store %arg18[%swap3A_166, %swap3A_167], %swap3A_170 {strides = array<i32>} : memref<128x128xf32, #tpu.memory_space<vmem>>, vector<1x16xf32>,
        %get3A_171 = arith.index_cast %add3A_96 : i32 to index
        %get3A_172 = arith.constant 96 : index
        %get3A_173 = tpu.vector_load %arg15[%get3A_171, %get3A_172] {strides = array<i32>} : memref<128x128xf32, #tpu.memory_space<vmem>>, vector<1x16xf32>,
        %get3A_174 = vector.shape_cast %get3A_173 : vector<1x16xf32> to vector<16xf32>
        %get3A_175 = arith.index_cast %add3A_96 : i32 to index
        %get3A_176 = arith.constant 96 : index
        %get3A_177 = tpu.vector_load %arg17[%get3A_175, %get3A_176] {strides = array<i32>} : memref<128x128xf32, #tpu.memory_space<vmem>>, vector<1x16xf32>,
        %get3A_178 = vector.shape_cast %get3A_177 : vector<1x16xf32> to vector<16xf32>
        %add3A_179 = arith.addf %get3A_174, %get3A_178 : vector<16xf32>
        %get3A_180 = arith.index_cast %add3A_96 : i32 to index
        %get3A_181 = arith.constant 96 : index
        %get3A_182 = tpu.vector_load %arg16[%get3A_180, %get3A_181] {strides = array<i32>} : memref<128x128xf32, #tpu.memory_space<vmem>>, vector<1x16xf32>,
        %get3A_183 = vector.shape_cast %get3A_182 : vector<1x16xf32> to vector<16xf32>
        %add3A_184 = arith.addf %add3A_179, %get3A_183 : vector<16xf32>
        %mul3A_185 = arith.constant 0.00999999977 : f32
        %mul3A_186 = vector.broadcast %mul3A_185 : f32 to vector<16xf32>
        %mul3A_187 = arith.mulf %add3A_184, %mul3A_186 : vector<16xf32>
        %max3A_188 = arith.maximumf %add3A_184, %mul3A_187 : vector<16xf32>
        %exp3A_189 = math.exp %max3A_188 : vector<16xf32>
        %get3A_190 = arith.index_cast %add3A_96 : i32 to index
        %get3A_191 = arith.constant 32 : index
        %get3A_192 = tpu.vector_load %arg15[%get3A_190, %get3A_191] {strides = array<i32>} : memref<128x128xf32, #tpu.memory_space<vmem>>, vector<1x16xf32>,
        %get3A_193 = vector.shape_cast %get3A_192 : vector<1x16xf32> to vector<16xf32>
        %get3A_194 = arith.index_cast %add3A_96 : i32 to index
        %get3A_195 = arith.constant 32 : index
        %get3A_196 = tpu.vector_load %arg17[%get3A_194, %get3A_195] {strides = array<i32>} : memref<128x128xf32, #tpu.memory_space<vmem>>, vector<1x16xf32>,
        %get3A_197 = vector.shape_cast %get3A_196 : vector<1x16xf32> to vector<16xf32>
        %add3A_198 = arith.addf %get3A_193, %get3A_197 : vector<16xf32>
        %swap3A_199 = arith.index_cast %add3A_96 : i32 to index
        %swap3A_200 = arith.constant 32 : index
        %swap3A_201 = tpu.vector_load %arg18[%swap3A_199, %swap3A_200] {strides = array<i32>} : memref<128x128xf32, #tpu.memory_space<vmem>>, vector<1x16xf32>,
        %swap3A_202 = vector.shape_cast %swap3A_201 : vector<1x16xf32> to vector<16xf32>
        %swap3A_203 = vector.shape_cast %exp3A_189 : vector<16xf32> to vector<1x16xf32>
        tpu.vector_store %arg18[%swap3A_199, %swap3A_200], %swap3A_203 {strides = array<i32>} : memref<128x128xf32, #tpu.memory_space<vmem>>, vector<1x16xf32>,
        %mul3A_204 = arith.mulf %exp3A_189, %add3A_198 : vector<16xf32>
        %swap3A_205 = arith.index_cast %add3A_96 : i32 to index
        %swap3A_206 = arith.constant 96 : index
        %swap3A_207 = tpu.vector_load %arg18[%swap3A_205, %swap3A_206] {strides = array<i32>} : memref<128x128xf32, #tpu.memory_space<vmem>>, vector<1x16xf32>,
        %swap3A_208 = vector.shape_cast %swap3A_207 : vector<1x16xf32> to vector<16xf32>
        %swap3A_209 = vector.shape_cast %mul3A_204 : vector<16xf32> to vector<1x16xf32>
        tpu.vector_store %arg18[%swap3A_205, %swap3A_206], %swap3A_209 {strides = array<i32>} : memref<128x128xf32, #tpu.memory_space<vmem>>, vector<1x16xf32>,
        %get3A_210 = arith.index_cast %add3A_96 : i32 to index
        %get3A_211 = arith.constant 112 : index
        %get3A_212 = tpu.vector_load %arg15[%get3A_210, %get3A_211] {strides = array<i32>} : memref<128x128xf32, #tpu.memory_space<vmem>>, vector<1x16xf32>,
        %get3A_213 = vector.shape_cast %get3A_212 : vector<1x16xf32> to vector<16xf32>
        %get3A_214 = arith.index_cast %add3A_96 : i32 to index
        %get3A_215 = arith.constant 112 : index
        %get3A_216 = tpu.vector_load %arg17[%get3A_214, %get3A_215] {strides = array<i32>} : memref<128x128xf32, #tpu.memory_space<vmem>>, vector<1x16xf32>,
        %get3A_217 = vector.shape_cast %get3A_216 : vector<1x16xf32> to vector<16xf32>
        %add3A_218 = arith.addf %get3A_213, %get3A_217 : vector<16xf32>
        %get3A_219 = arith.index_cast %add3A_96 : i32 to index
        %get3A_220 = arith.constant 112 : index
        %get3A_221 = tpu.vector_load %arg16[%get3A_219, %get3A_220] {strides = array<i32>} : memref<128x128xf32, #tpu.memory_space<vmem>>, vector<1x16xf32>,
        %get3A_222 = vector.shape_cast %get3A_221 : vector<1x16xf32> to vector<16xf32>
        %add3A_223 = arith.addf %add3A_218, %get3A_222 : vector<16xf32>
        %mul3A_224 = arith.constant 0.00999999977 : f32
        %mul3A_225 = vector.broadcast %mul3A_224 : f32 to vector<16xf32>
        %mul3A_226 = arith.mulf %add3A_223, %mul3A_225 : vector<16xf32>
        %max3A_227 = arith.maximumf %add3A_223, %mul3A_226 : vector<16xf32>
        %exp3A_228 = math.exp %max3A_227 : vector<16xf32>
        %get3A_229 = arith.index_cast %add3A_96 : i32 to index
        %get3A_230 = arith.constant 48 : index
        %get3A_231 = tpu.vector_load %arg15[%get3A_229, %get3A_230] {strides = array<i32>} : memref<128x128xf32, #tpu.memory_space<vmem>>, vector<1x16xf32>,
        %get3A_232 = vector.shape_cast %get3A_231 : vector<1x16xf32> to vector<16xf32>
        %get3A_233 = arith.index_cast %add3A_96 : i32 to index
        %get3A_234 = arith.constant 48 : index
        %get3A_235 = tpu.vector_load %arg17[%get3A_233, %get3A_234] {strides = array<i32>} : memref<128x128xf32, #tpu.memory_space<vmem>>, vector<1x16xf32>,
        %get3A_236 = vector.shape_cast %get3A_235 : vector<1x16xf32> to vector<16xf32>
        %add3A_237 = arith.addf %get3A_232, %get3A_236 : vector<16xf32>
        %swap3A_238 = arith.index_cast %add3A_96 : i32 to index
        %swap3A_239 = arith.constant 48 : index
        %swap3A_240 = tpu.vector_load %arg18[%swap3A_238, %swap3A_239] {strides = array<i32>} : memref<128x128xf32, #tpu.memory_space<vmem>>, vector<1x16xf32>,
        %swap3A_241 = vector.shape_cast %swap3A_240 : vector<1x16xf32> to vector<16xf32>
        %swap3A_242 = vector.shape_cast %exp3A_228 : vector<16xf32> to vector<1x16xf32>
        tpu.vector_store %arg18[%swap3A_238, %swap3A_239], %swap3A_242 {strides = array<i32>} : memref<128x128xf32, #tpu.memory_space<vmem>>, vector<1x16xf32>,
        %mul3A_243 = arith.mulf %exp3A_228, %add3A_237 : vector<16xf32>
        %swap3A_244 = arith.index_cast %add3A_96 : i32 to index
        %swap3A_245 = arith.constant 112 : index
        %swap3A_246 = tpu.vector_load %arg18[%swap3A_244, %swap3A_245] {strides = array<i32>} : memref<128x128xf32, #tpu.memory_space<vmem>>, vector<1x16xf32>,
        %swap3A_247 = vector.shape_cast %swap3A_246 : vector<1x16xf32> to vector<16xf32>
        %swap3A_248 = vector.shape_cast %mul3A_243 : vector<16xf32> to vector<1x16xf32>
        tpu.vector_store %arg18[%swap3A_244, %swap3A_245], %swap3A_248 {strides = array<i32>} : memref<128x128xf32, #tpu.memory_space<vmem>>, vector<1x16xf32>,
      }
      %scan3A_91 = arith.constant 128 : i32
      "tpu.region"() ({
        %run_scoped3A_92 = tpu.sem_alloc : memref<!tpu.dma_semaphore, #tpu.memory_space<semaphore_mem>>
        %dma_start3A_93 = arith.constant 0 : i32
        %dma_start3A_94 = arith.constant 0 : i32
        %dma_start3A_95 = tpu.memref_slice %arg19[%dma_start3A_93, %dma_start3A_94] : memref<5248x128xf32, #tpu.memory_space<vmem_shared>> -> memref<5248x128xf32, #tpu.memory_space<vmem_shared>>
        tpu.enqueue_indirect_dma source(%arg18 : memref<128x128xf32, #tpu.memory_space<vmem>>) target(%dma_start3A_95 : memref<5248x128xf32, #tpu.memory_space<vmem_shared>>) offsets(%arg14 : memref<128xi32, #tpu.memory_space<vmem>>) semaphore(%run_scoped3A_92 : memref<!tpu.dma_semaphore, #tpu.memory_space<semaphore_mem>>) {add = true}
        %dma_wait3A_96 = arith.constant 0 : i32
        %dma_wait3A_97 = arith.constant 0 : i32
        %dma_wait3A_98 = tpu.memref_slice %arg19[%dma_wait3A_96, %dma_wait3A_97] : memref<5248x128xf32, #tpu.memory_space<vmem_shared>> -> memref<5248x128xf32, #tpu.memory_space<vmem_shared>>
        tpu.wait_indirect_dma semaphore(%run_scoped3A_92 : memref<!tpu.dma_semaphore, #tpu.memory_space<semaphore_mem>>) src(%arg18 : memref<128x128xf32, #tpu.memory_space<vmem>>) dst(%dma_wait3A_98 : memref<5248x128xf32, #tpu.memory_space<vmem_shared>>)
        tpu.yield
      }) : () -> ()
    }
    %scan3A_33 = arith.constant 79 : i32
    %barrier3A_34 = arith.constant 0 : index
    tpu.barrier barrier_id(%barrier3A_34)
    %mul3A_35 = arith.constant 328 : i32
    %mul3A_36 = arith.muli %arg1, %mul3A_35 : i32
    %mul3A_37 = arith.constant 328 : i32
    %mul3A_38 = arith.muli %arg1, %mul3A_37 : i32
    %run_scoped3A_39 = arith.constant 2 : i32
    "tpu.region"() ({
      %run_scoped3A_56 = tpu.sem_alloc : memref<!tpu.dma_semaphore, #tpu.memory_space<semaphore_mem>>
      %dma_start3A = arith.constant 0 : i32
      %dma_start3A_57 = tpu.memref_slice %arg10[%arg0, %run_scoped3A_39, %mul3A_38, %dma_start3A] : memref<2x4x5248x128xf32, #tpu.memory_space<hbm>> -> memref<1x1x328x128xf32, #tpu.memory_space<hbm>>
      %dma_start3A_58 = tpu.memref_squeeze %dma_start3A_57 : memref<1x1x328x128xf32, #tpu.memory_space<hbm>> -> memref<328x128xf32, #tpu.memory_space<hbm>>
      %dma_start3A_59 = arith.constant 0 : i32
      %dma_start3A_60 = tpu.memref_slice %arg19[%mul3A_36, %dma_start3A_59] : memref<5248x128xf32, #tpu.memory_space<vmem_shared>> -> memref<328x128xf32, #tpu.memory_space<vmem_shared>>
      tpu.enqueue_dma source(%dma_start3A_60 : memref<328x128xf32, #tpu.memory_space<vmem_shared>>) target(%dma_start3A_58 : memref<328x128xf32, #tpu.memory_space<hbm>>) target_semaphore(%run_scoped3A_56 : memref<!tpu.dma_semaphore, #tpu.memory_space<semaphore_mem>>)
      %dma_wait3A = arith.constant 0 : i32
      %dma_wait3A_61 = tpu.memref_slice %arg10[%arg0, %run_scoped3A_39, %mul3A_38, %dma_wait3A] : memref<2x4x5248x128xf32, #tpu.memory_space<hbm>> -> memref<1x1x328x128xf32, #tpu.memory_space<hbm>>
      %dma_wait3A_62 = tpu.memref_squeeze %dma_wait3A_61 : memref<1x1x328x128xf32, #tpu.memory_space<hbm>> -> memref<328x128xf32, #tpu.memory_space<hbm>>
      %dma_wait3A_63 = arith.constant 0 : i32
      %dma_wait3A_64 = tpu.memref_slice %arg19[%mul3A_36, %dma_wait3A_63] : memref<5248x128xf32, #tpu.memory_space<vmem_shared>> -> memref<328x128xf32, #tpu.memory_space<vmem_shared>>
      tpu.wait_dma2 semaphore(%run_scoped3A_56 : memref<!tpu.dma_semaphore, #tpu.memory_space<semaphore_mem>>) src(%dma_wait3A_64 : memref<328x128xf32, #tpu.memory_space<vmem_shared>>) dst(%dma_wait3A_62 : memref<328x128xf32, #tpu.memory_space<hbm>>)
      tpu.yield
    }) : () -> ()
    %barrier3A_40 = arith.constant 0 : index
    tpu.barrier barrier_id(%barrier3A_40)
    %mul3A_41 = arith.constant 328 : i32
    %mul3A_42 = arith.muli %arg1, %mul3A_41 : i32
    "tpu.region"() ({
      %run_scoped3A_56 = tpu.sem_alloc : memref<!tpu.dma_semaphore, #tpu.memory_space<semaphore_mem>>
      %dma_start3A = arith.constant 0 : i32
      %dma_start3A_57 = tpu.memref_slice %arg19[%mul3A_42, %dma_start3A] : memref<5248x128xf32, #tpu.memory_space<vmem_shared>> -> memref<328x128xf32, #tpu.memory_space<vmem_shared>>
      tpu.enqueue_dma source(%arg9 : memref<328x128xf32, #tpu.memory_space<hbm>>) target(%dma_start3A_57 : memref<328x128xf32, #tpu.memory_space<vmem_shared>>) target_semaphore(%run_scoped3A_56 : memref<!tpu.dma_semaphore, #tpu.memory_space<semaphore_mem>>)
      %dma_wait3A = arith.constant 0 : i32
      %dma_wait3A_58 = tpu.memref_slice %arg19[%mul3A_42, %dma_wait3A] : memref<5248x128xf32, #tpu.memory_space<vmem_shared>> -> memref<328x128xf32, #tpu.memory_space<vmem_shared>>
      tpu.wait_dma2 semaphore(%run_scoped3A_56 : memref<!tpu.dma_semaphore, #tpu.memory_space<semaphore_mem>>) src(%arg9 : memref<328x128xf32, #tpu.memory_space<hbm>>) dst(%dma_wait3A_58 : memref<328x128xf32, #tpu.memory_space<vmem_shared>>)
      tpu.yield
    }) : () -> ()
    %barrier3A_43 = arith.constant 0 : index
    tpu.barrier barrier_id(%barrier3A_43)
    %scan3A_44 = arith.constant 0 : i32
    %scan3A_45 = arith.constant 79 : i32
    %scan3A_46 = arith.addi %scan3A_44, %scan3A_45 : i32
    %scan3A_47 = arith.constant 1 : i32
    scf.for %scan3A_56 = %scan3A_44 to %scan3A_46 step %scan3A_47  : i32 {
      %mul3A_57 = arith.constant 1 : i32
      %mul3A_58 = arith.muli %scan3A_56, %mul3A_57 : i32
      %add3A = arith.constant 0 : i32
      %add3A_59 = arith.addi %add3A, %mul3A_58 : i32
      %mul3A_60 = arith.constant 16 : i32
      %mul3A_61 = arith.muli %add3A_59, %mul3A_60 : i32
      %add3A_62 = arith.addi %arg1, %mul3A_61 : i32
      %mul3A_63 = arith.constant 128 : i32
      %mul3A_64 = arith.muli %add3A_62, %mul3A_63 : i32
      %add3A_65 = arith.constant 485376 : i32
      %add3A_66 = arith.addi %add3A_65, %mul3A_64 : i32
      "tpu.region"() ({
        %run_scoped3A_92 = tpu.sem_alloc : memref<!tpu.dma_semaphore, #tpu.memory_space<semaphore_mem>>
        %dma_start3A_93 = tpu.memref_slice %arg5[%add3A_66] : memref<647168xi32, #tpu.memory_space<hbm>> -> memref<128xi32, #tpu.memory_space<hbm>>
        %dma_start3A_94 = tpu.memref_slice %arg5[%add3A_66] : memref<647168xi32, #tpu.memory_space<hbm>> -> memref<128xi32, #tpu.memory_space<hbm>>
        tpu.enqueue_dma source(%dma_start3A_94 : memref<128xi32, #tpu.memory_space<hbm>>) target(%arg11 : memref<128xi32, #tpu.memory_space<vmem>>) target_semaphore(%run_scoped3A_92 : memref<!tpu.dma_semaphore, #tpu.memory_space<semaphore_mem>>)
        %dma_wait3A_95 = tpu.memref_slice %arg5[%add3A_66] : memref<647168xi32, #tpu.memory_space<hbm>> -> memref<128xi32, #tpu.memory_space<hbm>>
        %dma_wait3A_96 = tpu.memref_slice %arg5[%add3A_66] : memref<647168xi32, #tpu.memory_space<hbm>> -> memref<128xi32, #tpu.memory_space<hbm>>
        tpu.wait_dma2 semaphore(%run_scoped3A_92 : memref<!tpu.dma_semaphore, #tpu.memory_space<semaphore_mem>>) src(%dma_wait3A_96 : memref<128xi32, #tpu.memory_space<hbm>>) dst(%arg11 : memref<128xi32, #tpu.memory_space<vmem>>)
        tpu.yield
      }) : () -> ()
      %add3A_67 = arith.constant 485376 : i32
      %add3A_68 = arith.addi %add3A_67, %mul3A_64 : i32
      "tpu.region"() ({
        %run_scoped3A_92 = tpu.sem_alloc : memref<!tpu.dma_semaphore, #tpu.memory_space<semaphore_mem>>
        %dma_start3A_93 = tpu.memref_slice %arg6[%add3A_68] : memref<647168xi32, #tpu.memory_space<hbm>> -> memref<128xi32, #tpu.memory_space<hbm>>
        %dma_start3A_94 = tpu.memref_slice %arg6[%add3A_68] : memref<647168xi32, #tpu.memory_space<hbm>> -> memref<128xi32, #tpu.memory_space<hbm>>
        tpu.enqueue_dma source(%dma_start3A_94 : memref<128xi32, #tpu.memory_space<hbm>>) target(%arg12 : memref<128xi32, #tpu.memory_space<vmem>>) target_semaphore(%run_scoped3A_92 : memref<!tpu.dma_semaphore, #tpu.memory_space<semaphore_mem>>)
        %dma_wait3A_95 = tpu.memref_slice %arg6[%add3A_68] : memref<647168xi32, #tpu.memory_space<hbm>> -> memref<128xi32, #tpu.memory_space<hbm>>
        %dma_wait3A_96 = tpu.memref_slice %arg6[%add3A_68] : memref<647168xi32, #tpu.memory_space<hbm>> -> memref<128xi32, #tpu.memory_space<hbm>>
        tpu.wait_dma2 semaphore(%run_scoped3A_92 : memref<!tpu.dma_semaphore, #tpu.memory_space<semaphore_mem>>) src(%dma_wait3A_96 : memref<128xi32, #tpu.memory_space<hbm>>) dst(%arg12 : memref<128xi32, #tpu.memory_space<vmem>>)
        tpu.yield
      }) : () -> ()
      %add3A_69 = arith.constant 485376 : i32
      %add3A_70 = arith.addi %add3A_69, %mul3A_64 : i32
      "tpu.region"() ({
        %run_scoped3A_92 = tpu.sem_alloc : memref<!tpu.dma_semaphore, #tpu.memory_space<semaphore_mem>>
        %dma_start3A_93 = tpu.memref_slice %arg7[%add3A_70] : memref<647168xi32, #tpu.memory_space<hbm>> -> memref<128xi32, #tpu.memory_space<hbm>>
        %dma_start3A_94 = tpu.memref_slice %arg7[%add3A_70] : memref<647168xi32, #tpu.memory_space<hbm>> -> memref<128xi32, #tpu.memory_space<hbm>>
        tpu.enqueue_dma source(%dma_start3A_94 : memref<128xi32, #tpu.memory_space<hbm>>) target(%arg13 : memref<128xi32, #tpu.memory_space<vmem>>) target_semaphore(%run_scoped3A_92 : memref<!tpu.dma_semaphore, #tpu.memory_space<semaphore_mem>>)
        %dma_wait3A_95 = tpu.memref_slice %arg7[%add3A_70] : memref<647168xi32, #tpu.memory_space<hbm>> -> memref<128xi32, #tpu.memory_space<hbm>>
        %dma_wait3A_96 = tpu.memref_slice %arg7[%add3A_70] : memref<647168xi32, #tpu.memory_space<hbm>> -> memref<128xi32, #tpu.memory_space<hbm>>
        tpu.wait_dma2 semaphore(%run_scoped3A_92 : memref<!tpu.dma_semaphore, #tpu.memory_space<semaphore_mem>>) src(%dma_wait3A_96 : memref<128xi32, #tpu.memory_space<hbm>>) dst(%arg13 : memref<128xi32, #tpu.memory_space<vmem>>)
        tpu.yield
      }) : () -> ()
      "tpu.region"() ({
        %run_scoped3A_92 = tpu.sem_alloc : memref<!tpu.dma_semaphore, #tpu.memory_space<semaphore_mem>>
        %dma_start3A_93 = tpu.memref_slice %arg8[%arg0, %mul3A_64] : memref<2x161792xi32, #tpu.memory_space<hbm>> -> memref<1x128xi32, #tpu.memory_space<hbm>>
        %dma_start3A_94 = tpu.memref_squeeze %dma_start3A_93 : memref<1x128xi32, #tpu.memory_space<hbm>> -> memref<128xi32, #tpu.memory_space<hbm>>
        %dma_start3A_95 = tpu.memref_slice %arg8[%arg0, %mul3A_64] : memref<2x161792xi32, #tpu.memory_space<hbm>> -> memref<1x128xi32, #tpu.memory_space<hbm>>
        %dma_start3A_96 = tpu.memref_squeeze %dma_start3A_95 : memref<1x128xi32, #tpu.memory_space<hbm>> -> memref<128xi32, #tpu.memory_space<hbm>>
        tpu.enqueue_dma source(%dma_start3A_96 : memref<128xi32, #tpu.memory_space<hbm>>) target(%arg14 : memref<128xi32, #tpu.memory_space<vmem>>) target_semaphore(%run_scoped3A_92 : memref<!tpu.dma_semaphore, #tpu.memory_space<semaphore_mem>>)
        %dma_wait3A_97 = tpu.memref_slice %arg8[%arg0, %mul3A_64] : memref<2x161792xi32, #tpu.memory_space<hbm>> -> memref<1x128xi32, #tpu.memory_space<hbm>>
        %dma_wait3A_98 = tpu.memref_squeeze %dma_wait3A_97 : memref<1x128xi32, #tpu.memory_space<hbm>> -> memref<128xi32, #tpu.memory_space<hbm>>
        %dma_wait3A_99 = tpu.memref_slice %arg8[%arg0, %mul3A_64] : memref<2x161792xi32, #tpu.memory_space<hbm>> -> memref<1x128xi32, #tpu.memory_space<hbm>>
        %dma_wait3A_100 = tpu.memref_squeeze %dma_wait3A_99 : memref<1x128xi32, #tpu.memory_space<hbm>> -> memref<128xi32, #tpu.memory_space<hbm>>
        tpu.wait_dma2 semaphore(%run_scoped3A_92 : memref<!tpu.dma_semaphore, #tpu.memory_space<semaphore_mem>>) src(%dma_wait3A_100 : memref<128xi32, #tpu.memory_space<hbm>>) dst(%arg14 : memref<128xi32, #tpu.memory_space<vmem>>)
        tpu.yield
      }) : () -> ()
      %dma_start3A = arith.constant 0 : i32
      %dma_start3A_71 = arith.constant 0 : i32
      %dma_start3A_72 = tpu.memref_slice %arg2[%dma_start3A, %dma_start3A_71] : memref<40000x128xf32, #tpu.memory_space<hbm>> -> memref<40000x128xf32, #tpu.memory_space<hbm>>
      tpu.enqueue_indirect_dma source(%dma_start3A_72 : memref<40000x128xf32, #tpu.memory_space<hbm>>) target(%arg15 : memref<128x128xf32, #tpu.memory_space<vmem>>) offsets(%arg11 : memref<128xi32, #tpu.memory_space<vmem>>) semaphore(%arg20 : memref<!tpu.dma_semaphore, #tpu.memory_space<semaphore_mem>>)
      %dma_start3A_73 = arith.constant 0 : i32
      %dma_start3A_74 = arith.constant 0 : i32
      %dma_start3A_75 = tpu.memref_slice %arg3[%dma_start3A_73, %dma_start3A_74] : memref<40000x128xf32, #tpu.memory_space<hbm>> -> memref<40000x128xf32, #tpu.memory_space<hbm>>
      tpu.enqueue_indirect_dma source(%dma_start3A_75 : memref<40000x128xf32, #tpu.memory_space<hbm>>) target(%arg16 : memref<128x128xf32, #tpu.memory_space<vmem>>) offsets(%arg12 : memref<128xi32, #tpu.memory_space<vmem>>) semaphore(%arg21 : memref<!tpu.dma_semaphore, #tpu.memory_space<semaphore_mem>>)
      %dma_start3A_76 = arith.constant 0 : i32
      %dma_start3A_77 = arith.constant 0 : i32
      %dma_start3A_78 = tpu.memref_slice %arg4[%dma_start3A_76, %dma_start3A_77] : memref<800x128xf32, #tpu.memory_space<hbm>> -> memref<800x128xf32, #tpu.memory_space<hbm>>
      tpu.enqueue_indirect_dma source(%dma_start3A_78 : memref<800x128xf32, #tpu.memory_space<hbm>>) target(%arg17 : memref<128x128xf32, #tpu.memory_space<vmem>>) offsets(%arg13 : memref<128xi32, #tpu.memory_space<vmem>>) semaphore(%arg22 : memref<!tpu.dma_semaphore, #tpu.memory_space<semaphore_mem>>)
      %dma_wait3A = arith.constant 0 : i32
      %dma_wait3A_79 = arith.constant 0 : i32
      %dma_wait3A_80 = tpu.memref_slice %arg2[%dma_wait3A, %dma_wait3A_79] : memref<40000x128xf32, #tpu.memory_space<hbm>> -> memref<40000x128xf32, #tpu.memory_space<hbm>>
      tpu.wait_indirect_dma semaphore(%arg20 : memref<!tpu.dma_semaphore, #tpu.memory_space<semaphore_mem>>) src(%dma_wait3A_80 : memref<40000x128xf32, #tpu.memory_space<hbm>>) dst(%arg15 : memref<128x128xf32, #tpu.memory_space<vmem>>)
      %dma_wait3A_81 = arith.constant 0 : i32
      %dma_wait3A_82 = arith.constant 0 : i32
      %dma_wait3A_83 = tpu.memref_slice %arg3[%dma_wait3A_81, %dma_wait3A_82] : memref<40000x128xf32, #tpu.memory_space<hbm>> -> memref<40000x128xf32, #tpu.memory_space<hbm>>
      tpu.wait_indirect_dma semaphore(%arg21 : memref<!tpu.dma_semaphore, #tpu.memory_space<semaphore_mem>>) src(%dma_wait3A_83 : memref<40000x128xf32, #tpu.memory_space<hbm>>) dst(%arg16 : memref<128x128xf32, #tpu.memory_space<vmem>>)
      %dma_wait3A_84 = arith.constant 0 : i32
      %dma_wait3A_85 = arith.constant 0 : i32
      %dma_wait3A_86 = tpu.memref_slice %arg4[%dma_wait3A_84, %dma_wait3A_85] : memref<800x128xf32, #tpu.memory_space<hbm>> -> memref<800x128xf32, #tpu.memory_space<hbm>>
      tpu.wait_indirect_dma semaphore(%arg22 : memref<!tpu.dma_semaphore, #tpu.memory_space<semaphore_mem>>) src(%dma_wait3A_86 : memref<800x128xf32, #tpu.memory_space<hbm>>) dst(%arg17 : memref<128x128xf32, #tpu.memory_space<vmem>>)
      %scan3A_87 = arith.constant 0 : i32
      %scan3A_88 = arith.constant 128 : i32
      %scan3A_89 = arith.addi %scan3A_87, %scan3A_88 : i32
      %scan3A_90 = arith.constant 1 : i32
      scf.for %scan3A_92 = %scan3A_87 to %scan3A_89 step %scan3A_90  : i32 {
        %mul3A_93 = arith.constant 1 : i32
        %mul3A_94 = arith.muli %scan3A_92, %mul3A_93 : i32
        %add3A_95 = arith.constant 0 : i32
        %add3A_96 = arith.addi %add3A_95, %mul3A_94 : i32
        %get3A = arith.index_cast %add3A_96 : i32 to index
        %get3A_97 = arith.constant 64 : index
        %get3A_98 = tpu.vector_load %arg15[%get3A, %get3A_97] {strides = array<i32>} : memref<128x128xf32, #tpu.memory_space<vmem>>, vector<1x16xf32>,
        %get3A_99 = vector.shape_cast %get3A_98 : vector<1x16xf32> to vector<16xf32>
        %get3A_100 = arith.index_cast %add3A_96 : i32 to index
        %get3A_101 = arith.constant 64 : index
        %get3A_102 = tpu.vector_load %arg17[%get3A_100, %get3A_101] {strides = array<i32>} : memref<128x128xf32, #tpu.memory_space<vmem>>, vector<1x16xf32>,
        %get3A_103 = vector.shape_cast %get3A_102 : vector<1x16xf32> to vector<16xf32>
        %add3A_104 = arith.addf %get3A_99, %get3A_103 : vector<16xf32>
        %get3A_105 = arith.index_cast %add3A_96 : i32 to index
        %get3A_106 = arith.constant 64 : index
        %get3A_107 = tpu.vector_load %arg16[%get3A_105, %get3A_106] {strides = array<i32>} : memref<128x128xf32, #tpu.memory_space<vmem>>, vector<1x16xf32>,
        %get3A_108 = vector.shape_cast %get3A_107 : vector<1x16xf32> to vector<16xf32>
        %add3A_109 = arith.addf %add3A_104, %get3A_108 : vector<16xf32>
        %mul3A_110 = arith.constant 0.00999999977 : f32
        %mul3A_111 = vector.broadcast %mul3A_110 : f32 to vector<16xf32>
        %mul3A_112 = arith.mulf %add3A_109, %mul3A_111 : vector<16xf32>
        %max3A = arith.maximumf %add3A_109, %mul3A_112 : vector<16xf32>
        %exp3A = math.exp %max3A : vector<16xf32>
        %get3A_113 = arith.index_cast %add3A_96 : i32 to index
        %get3A_114 = arith.constant 0 : index
        %get3A_115 = tpu.vector_load %arg15[%get3A_113, %get3A_114] {strides = array<i32>} : memref<128x128xf32, #tpu.memory_space<vmem>>, vector<1x16xf32>,
        %get3A_116 = vector.shape_cast %get3A_115 : vector<1x16xf32> to vector<16xf32>
        %get3A_117 = arith.index_cast %add3A_96 : i32 to index
        %get3A_118 = arith.constant 0 : index
        %get3A_119 = tpu.vector_load %arg17[%get3A_117, %get3A_118] {strides = array<i32>} : memref<128x128xf32, #tpu.memory_space<vmem>>, vector<1x16xf32>,
        %get3A_120 = vector.shape_cast %get3A_119 : vector<1x16xf32> to vector<16xf32>
        %add3A_121 = arith.addf %get3A_116, %get3A_120 : vector<16xf32>
        %swap3A = arith.index_cast %add3A_96 : i32 to index
        %swap3A_122 = arith.constant 0 : index
        %swap3A_123 = tpu.vector_load %arg18[%swap3A, %swap3A_122] {strides = array<i32>} : memref<128x128xf32, #tpu.memory_space<vmem>>, vector<1x16xf32>,
        %swap3A_124 = vector.shape_cast %swap3A_123 : vector<1x16xf32> to vector<16xf32>
        %swap3A_125 = vector.shape_cast %exp3A : vector<16xf32> to vector<1x16xf32>
        tpu.vector_store %arg18[%swap3A, %swap3A_122], %swap3A_125 {strides = array<i32>} : memref<128x128xf32, #tpu.memory_space<vmem>>, vector<1x16xf32>,
        %mul3A_126 = arith.mulf %exp3A, %add3A_121 : vector<16xf32>
        %swap3A_127 = arith.index_cast %add3A_96 : i32 to index
        %swap3A_128 = arith.constant 64 : index
        %swap3A_129 = tpu.vector_load %arg18[%swap3A_127, %swap3A_128] {strides = array<i32>} : memref<128x128xf32, #tpu.memory_space<vmem>>, vector<1x16xf32>,
        %swap3A_130 = vector.shape_cast %swap3A_129 : vector<1x16xf32> to vector<16xf32>
        %swap3A_131 = vector.shape_cast %mul3A_126 : vector<16xf32> to vector<1x16xf32>
        tpu.vector_store %arg18[%swap3A_127, %swap3A_128], %swap3A_131 {strides = array<i32>} : memref<128x128xf32, #tpu.memory_space<vmem>>, vector<1x16xf32>,
        %get3A_132 = arith.index_cast %add3A_96 : i32 to index
        %get3A_133 = arith.constant 80 : index
        %get3A_134 = tpu.vector_load %arg15[%get3A_132, %get3A_133] {strides = array<i32>} : memref<128x128xf32, #tpu.memory_space<vmem>>, vector<1x16xf32>,
        %get3A_135 = vector.shape_cast %get3A_134 : vector<1x16xf32> to vector<16xf32>
        %get3A_136 = arith.index_cast %add3A_96 : i32 to index
        %get3A_137 = arith.constant 80 : index
        %get3A_138 = tpu.vector_load %arg17[%get3A_136, %get3A_137] {strides = array<i32>} : memref<128x128xf32, #tpu.memory_space<vmem>>, vector<1x16xf32>,
        %get3A_139 = vector.shape_cast %get3A_138 : vector<1x16xf32> to vector<16xf32>
        %add3A_140 = arith.addf %get3A_135, %get3A_139 : vector<16xf32>
        %get3A_141 = arith.index_cast %add3A_96 : i32 to index
        %get3A_142 = arith.constant 80 : index
        %get3A_143 = tpu.vector_load %arg16[%get3A_141, %get3A_142] {strides = array<i32>} : memref<128x128xf32, #tpu.memory_space<vmem>>, vector<1x16xf32>,
        %get3A_144 = vector.shape_cast %get3A_143 : vector<1x16xf32> to vector<16xf32>
        %add3A_145 = arith.addf %add3A_140, %get3A_144 : vector<16xf32>
        %mul3A_146 = arith.constant 0.00999999977 : f32
        %mul3A_147 = vector.broadcast %mul3A_146 : f32 to vector<16xf32>
        %mul3A_148 = arith.mulf %add3A_145, %mul3A_147 : vector<16xf32>
        %max3A_149 = arith.maximumf %add3A_145, %mul3A_148 : vector<16xf32>
        %exp3A_150 = math.exp %max3A_149 : vector<16xf32>
        %get3A_151 = arith.index_cast %add3A_96 : i32 to index
        %get3A_152 = arith.constant 16 : index
        %get3A_153 = tpu.vector_load %arg15[%get3A_151, %get3A_152] {strides = array<i32>} : memref<128x128xf32, #tpu.memory_space<vmem>>, vector<1x16xf32>,
        %get3A_154 = vector.shape_cast %get3A_153 : vector<1x16xf32> to vector<16xf32>
        %get3A_155 = arith.index_cast %add3A_96 : i32 to index
        %get3A_156 = arith.constant 16 : index
        %get3A_157 = tpu.vector_load %arg17[%get3A_155, %get3A_156] {strides = array<i32>} : memref<128x128xf32, #tpu.memory_space<vmem>>, vector<1x16xf32>,
        %get3A_158 = vector.shape_cast %get3A_157 : vector<1x16xf32> to vector<16xf32>
        %add3A_159 = arith.addf %get3A_154, %get3A_158 : vector<16xf32>
        %swap3A_160 = arith.index_cast %add3A_96 : i32 to index
        %swap3A_161 = arith.constant 16 : index
        %swap3A_162 = tpu.vector_load %arg18[%swap3A_160, %swap3A_161] {strides = array<i32>} : memref<128x128xf32, #tpu.memory_space<vmem>>, vector<1x16xf32>,
        %swap3A_163 = vector.shape_cast %swap3A_162 : vector<1x16xf32> to vector<16xf32>
        %swap3A_164 = vector.shape_cast %exp3A_150 : vector<16xf32> to vector<1x16xf32>
        tpu.vector_store %arg18[%swap3A_160, %swap3A_161], %swap3A_164 {strides = array<i32>} : memref<128x128xf32, #tpu.memory_space<vmem>>, vector<1x16xf32>,
        %mul3A_165 = arith.mulf %exp3A_150, %add3A_159 : vector<16xf32>
        %swap3A_166 = arith.index_cast %add3A_96 : i32 to index
        %swap3A_167 = arith.constant 80 : index
        %swap3A_168 = tpu.vector_load %arg18[%swap3A_166, %swap3A_167] {strides = array<i32>} : memref<128x128xf32, #tpu.memory_space<vmem>>, vector<1x16xf32>,
        %swap3A_169 = vector.shape_cast %swap3A_168 : vector<1x16xf32> to vector<16xf32>
        %swap3A_170 = vector.shape_cast %mul3A_165 : vector<16xf32> to vector<1x16xf32>
        tpu.vector_store %arg18[%swap3A_166, %swap3A_167], %swap3A_170 {strides = array<i32>} : memref<128x128xf32, #tpu.memory_space<vmem>>, vector<1x16xf32>,
        %get3A_171 = arith.index_cast %add3A_96 : i32 to index
        %get3A_172 = arith.constant 96 : index
        %get3A_173 = tpu.vector_load %arg15[%get3A_171, %get3A_172] {strides = array<i32>} : memref<128x128xf32, #tpu.memory_space<vmem>>, vector<1x16xf32>,
        %get3A_174 = vector.shape_cast %get3A_173 : vector<1x16xf32> to vector<16xf32>
        %get3A_175 = arith.index_cast %add3A_96 : i32 to index
        %get3A_176 = arith.constant 96 : index
        %get3A_177 = tpu.vector_load %arg17[%get3A_175, %get3A_176] {strides = array<i32>} : memref<128x128xf32, #tpu.memory_space<vmem>>, vector<1x16xf32>,
        %get3A_178 = vector.shape_cast %get3A_177 : vector<1x16xf32> to vector<16xf32>
        %add3A_179 = arith.addf %get3A_174, %get3A_178 : vector<16xf32>
        %get3A_180 = arith.index_cast %add3A_96 : i32 to index
        %get3A_181 = arith.constant 96 : index
        %get3A_182 = tpu.vector_load %arg16[%get3A_180, %get3A_181] {strides = array<i32>} : memref<128x128xf32, #tpu.memory_space<vmem>>, vector<1x16xf32>,
        %get3A_183 = vector.shape_cast %get3A_182 : vector<1x16xf32> to vector<16xf32>
        %add3A_184 = arith.addf %add3A_179, %get3A_183 : vector<16xf32>
        %mul3A_185 = arith.constant 0.00999999977 : f32
        %mul3A_186 = vector.broadcast %mul3A_185 : f32 to vector<16xf32>
        %mul3A_187 = arith.mulf %add3A_184, %mul3A_186 : vector<16xf32>
        %max3A_188 = arith.maximumf %add3A_184, %mul3A_187 : vector<16xf32>
        %exp3A_189 = math.exp %max3A_188 : vector<16xf32>
        %get3A_190 = arith.index_cast %add3A_96 : i32 to index
        %get3A_191 = arith.constant 32 : index
        %get3A_192 = tpu.vector_load %arg15[%get3A_190, %get3A_191] {strides = array<i32>} : memref<128x128xf32, #tpu.memory_space<vmem>>, vector<1x16xf32>,
        %get3A_193 = vector.shape_cast %get3A_192 : vector<1x16xf32> to vector<16xf32>
        %get3A_194 = arith.index_cast %add3A_96 : i32 to index
        %get3A_195 = arith.constant 32 : index
        %get3A_196 = tpu.vector_load %arg17[%get3A_194, %get3A_195] {strides = array<i32>} : memref<128x128xf32, #tpu.memory_space<vmem>>, vector<1x16xf32>,
        %get3A_197 = vector.shape_cast %get3A_196 : vector<1x16xf32> to vector<16xf32>
        %add3A_198 = arith.addf %get3A_193, %get3A_197 : vector<16xf32>
        %swap3A_199 = arith.index_cast %add3A_96 : i32 to index
        %swap3A_200 = arith.constant 32 : index
        %swap3A_201 = tpu.vector_load %arg18[%swap3A_199, %swap3A_200] {strides = array<i32>} : memref<128x128xf32, #tpu.memory_space<vmem>>, vector<1x16xf32>,
        %swap3A_202 = vector.shape_cast %swap3A_201 : vector<1x16xf32> to vector<16xf32>
        %swap3A_203 = vector.shape_cast %exp3A_189 : vector<16xf32> to vector<1x16xf32>
        tpu.vector_store %arg18[%swap3A_199, %swap3A_200], %swap3A_203 {strides = array<i32>} : memref<128x128xf32, #tpu.memory_space<vmem>>, vector<1x16xf32>,
        %mul3A_204 = arith.mulf %exp3A_189, %add3A_198 : vector<16xf32>
        %swap3A_205 = arith.index_cast %add3A_96 : i32 to index
        %swap3A_206 = arith.constant 96 : index
        %swap3A_207 = tpu.vector_load %arg18[%swap3A_205, %swap3A_206] {strides = array<i32>} : memref<128x128xf32, #tpu.memory_space<vmem>>, vector<1x16xf32>,
        %swap3A_208 = vector.shape_cast %swap3A_207 : vector<1x16xf32> to vector<16xf32>
        %swap3A_209 = vector.shape_cast %mul3A_204 : vector<16xf32> to vector<1x16xf32>
        tpu.vector_store %arg18[%swap3A_205, %swap3A_206], %swap3A_209 {strides = array<i32>} : memref<128x128xf32, #tpu.memory_space<vmem>>, vector<1x16xf32>,
        %get3A_210 = arith.index_cast %add3A_96 : i32 to index
        %get3A_211 = arith.constant 112 : index
        %get3A_212 = tpu.vector_load %arg15[%get3A_210, %get3A_211] {strides = array<i32>} : memref<128x128xf32, #tpu.memory_space<vmem>>, vector<1x16xf32>,
        %get3A_213 = vector.shape_cast %get3A_212 : vector<1x16xf32> to vector<16xf32>
        %get3A_214 = arith.index_cast %add3A_96 : i32 to index
        %get3A_215 = arith.constant 112 : index
        %get3A_216 = tpu.vector_load %arg17[%get3A_214, %get3A_215] {strides = array<i32>} : memref<128x128xf32, #tpu.memory_space<vmem>>, vector<1x16xf32>,
        %get3A_217 = vector.shape_cast %get3A_216 : vector<1x16xf32> to vector<16xf32>
        %add3A_218 = arith.addf %get3A_213, %get3A_217 : vector<16xf32>
        %get3A_219 = arith.index_cast %add3A_96 : i32 to index
        %get3A_220 = arith.constant 112 : index
        %get3A_221 = tpu.vector_load %arg16[%get3A_219, %get3A_220] {strides = array<i32>} : memref<128x128xf32, #tpu.memory_space<vmem>>, vector<1x16xf32>,
        %get3A_222 = vector.shape_cast %get3A_221 : vector<1x16xf32> to vector<16xf32>
        %add3A_223 = arith.addf %add3A_218, %get3A_222 : vector<16xf32>
        %mul3A_224 = arith.constant 0.00999999977 : f32
        %mul3A_225 = vector.broadcast %mul3A_224 : f32 to vector<16xf32>
        %mul3A_226 = arith.mulf %add3A_223, %mul3A_225 : vector<16xf32>
        %max3A_227 = arith.maximumf %add3A_223, %mul3A_226 : vector<16xf32>
        %exp3A_228 = math.exp %max3A_227 : vector<16xf32>
        %get3A_229 = arith.index_cast %add3A_96 : i32 to index
        %get3A_230 = arith.constant 48 : index
        %get3A_231 = tpu.vector_load %arg15[%get3A_229, %get3A_230] {strides = array<i32>} : memref<128x128xf32, #tpu.memory_space<vmem>>, vector<1x16xf32>,
        %get3A_232 = vector.shape_cast %get3A_231 : vector<1x16xf32> to vector<16xf32>
        %get3A_233 = arith.index_cast %add3A_96 : i32 to index
        %get3A_234 = arith.constant 48 : index
        %get3A_235 = tpu.vector_load %arg17[%get3A_233, %get3A_234] {strides = array<i32>} : memref<128x128xf32, #tpu.memory_space<vmem>>, vector<1x16xf32>,
        %get3A_236 = vector.shape_cast %get3A_235 : vector<1x16xf32> to vector<16xf32>
        %add3A_237 = arith.addf %get3A_232, %get3A_236 : vector<16xf32>
        %swap3A_238 = arith.index_cast %add3A_96 : i32 to index
        %swap3A_239 = arith.constant 48 : index
        %swap3A_240 = tpu.vector_load %arg18[%swap3A_238, %swap3A_239] {strides = array<i32>} : memref<128x128xf32, #tpu.memory_space<vmem>>, vector<1x16xf32>,
        %swap3A_241 = vector.shape_cast %swap3A_240 : vector<1x16xf32> to vector<16xf32>
        %swap3A_242 = vector.shape_cast %exp3A_228 : vector<16xf32> to vector<1x16xf32>
        tpu.vector_store %arg18[%swap3A_238, %swap3A_239], %swap3A_242 {strides = array<i32>} : memref<128x128xf32, #tpu.memory_space<vmem>>, vector<1x16xf32>,
        %mul3A_243 = arith.mulf %exp3A_228, %add3A_237 : vector<16xf32>
        %swap3A_244 = arith.index_cast %add3A_96 : i32 to index
        %swap3A_245 = arith.constant 112 : index
        %swap3A_246 = tpu.vector_load %arg18[%swap3A_244, %swap3A_245] {strides = array<i32>} : memref<128x128xf32, #tpu.memory_space<vmem>>, vector<1x16xf32>,
        %swap3A_247 = vector.shape_cast %swap3A_246 : vector<1x16xf32> to vector<16xf32>
        %swap3A_248 = vector.shape_cast %mul3A_243 : vector<16xf32> to vector<1x16xf32>
        tpu.vector_store %arg18[%swap3A_244, %swap3A_245], %swap3A_248 {strides = array<i32>} : memref<128x128xf32, #tpu.memory_space<vmem>>, vector<1x16xf32>,
      }
      %scan3A_91 = arith.constant 128 : i32
      "tpu.region"() ({
        %run_scoped3A_92 = tpu.sem_alloc : memref<!tpu.dma_semaphore, #tpu.memory_space<semaphore_mem>>
        %dma_start3A_93 = arith.constant 0 : i32
        %dma_start3A_94 = arith.constant 0 : i32
        %dma_start3A_95 = tpu.memref_slice %arg19[%dma_start3A_93, %dma_start3A_94] : memref<5248x128xf32, #tpu.memory_space<vmem_shared>> -> memref<5248x128xf32, #tpu.memory_space<vmem_shared>>
        tpu.enqueue_indirect_dma source(%arg18 : memref<128x128xf32, #tpu.memory_space<vmem>>) target(%dma_start3A_95 : memref<5248x128xf32, #tpu.memory_space<vmem_shared>>) offsets(%arg14 : memref<128xi32, #tpu.memory_space<vmem>>) semaphore(%run_scoped3A_92 : memref<!tpu.dma_semaphore, #tpu.memory_space<semaphore_mem>>) {add = true}
        %dma_wait3A_96 = arith.constant 0 : i32
        %dma_wait3A_97 = arith.constant 0 : i32
        %dma_wait3A_98 = tpu.memref_slice %arg19[%dma_wait3A_96, %dma_wait3A_97] : memref<5248x128xf32, #tpu.memory_space<vmem_shared>> -> memref<5248x128xf32, #tpu.memory_space<vmem_shared>>
        tpu.wait_indirect_dma semaphore(%run_scoped3A_92 : memref<!tpu.dma_semaphore, #tpu.memory_space<semaphore_mem>>) src(%arg18 : memref<128x128xf32, #tpu.memory_space<vmem>>) dst(%dma_wait3A_98 : memref<5248x128xf32, #tpu.memory_space<vmem_shared>>)
        tpu.yield
      }) : () -> ()
    }
    %scan3A_48 = arith.constant 79 : i32
    %barrier3A_49 = arith.constant 0 : index
    tpu.barrier barrier_id(%barrier3A_49)
    %mul3A_50 = arith.constant 328 : i32
    %mul3A_51 = arith.muli %arg1, %mul3A_50 : i32
    %mul3A_52 = arith.constant 328 : i32
    %mul3A_53 = arith.muli %arg1, %mul3A_52 : i32
    %run_scoped3A_54 = arith.constant 3 : i32
    "tpu.region"() ({
      %run_scoped3A_56 = tpu.sem_alloc : memref<!tpu.dma_semaphore, #tpu.memory_space<semaphore_mem>>
      %dma_start3A = arith.constant 0 : i32
      %dma_start3A_57 = tpu.memref_slice %arg10[%arg0, %run_scoped3A_54, %mul3A_53, %dma_start3A] : memref<2x4x5248x128xf32, #tpu.memory_space<hbm>> -> memref<1x1x328x128xf32, #tpu.memory_space<hbm>>
      %dma_start3A_58 = tpu.memref_squeeze %dma_start3A_57 : memref<1x1x328x128xf32, #tpu.memory_space<hbm>> -> memref<328x128xf32, #tpu.memory_space<hbm>>
      %dma_start3A_59 = arith.constant 0 : i32
      %dma_start3A_60 = tpu.memref_slice %arg19[%mul3A_51, %dma_start3A_59] : memref<5248x128xf32, #tpu.memory_space<vmem_shared>> -> memref<328x128xf32, #tpu.memory_space<vmem_shared>>
      tpu.enqueue_dma source(%dma_start3A_60 : memref<328x128xf32, #tpu.memory_space<vmem_shared>>) target(%dma_start3A_58 : memref<328x128xf32, #tpu.memory_space<hbm>>) target_semaphore(%run_scoped3A_56 : memref<!tpu.dma_semaphore, #tpu.memory_space<semaphore_mem>>)
      %dma_wait3A = arith.constant 0 : i32
      %dma_wait3A_61 = tpu.memref_slice %arg10[%arg0, %run_scoped3A_54, %mul3A_53, %dma_wait3A] : memref<2x4x5248x128xf32, #tpu.memory_space<hbm>> -> memref<1x1x328x128xf32, #tpu.memory_space<hbm>>
      %dma_wait3A_62 = tpu.memref_squeeze %dma_wait3A_61 : memref<1x1x328x128xf32, #tpu.memory_space<hbm>> -> memref<328x128xf32, #tpu.memory_space<hbm>>
      %dma_wait3A_63 = arith.constant 0 : i32
      %dma_wait3A_64 = tpu.memref_slice %arg19[%mul3A_51, %dma_wait3A_63] : memref<5248x128xf32, #tpu.memory_space<vmem_shared>> -> memref<328x128xf32, #tpu.memory_space<vmem_shared>>
      tpu.wait_dma2 semaphore(%run_scoped3A_56 : memref<!tpu.dma_semaphore, #tpu.memory_space<semaphore_mem>>) src(%dma_wait3A_64 : memref<328x128xf32, #tpu.memory_space<vmem_shared>>) dst(%dma_wait3A_62 : memref<328x128xf32, #tpu.memory_space<hbm>>)
      tpu.yield
    }) : () -> ()
    %barrier3A_55 = arith.constant 0 : index
    tpu.barrier barrier_id(%barrier3A_55)
    return
  }
}

module attributes {stable_mosaic.version = 14 : i64} {
  func.func @_pre_rel_body(%arg0: memref<200x256xf32, #tpu.memory_space<vmem>>, %arg1: memref<768x256xf32, #tpu.memory_space<vmem>>, %arg2: memref<256x256xf32, #tpu.memory_space<vmem>>, %arg3: memref<4x200x128xf32, #tpu.memory_space<vmem>>) attributes {dimension_semantics = [], scalar_prefetch = 0 : i64, scratch_operands = 0 : i64, tpu.core_type = #tpu.core_type<tc>} {
    %get3A = arith.constant 0 : index
    %get3A_0 = arith.constant 0 : index
    %get3A_1 = vector.load %arg0[%get3A, %get3A_0] : memref<200x256xf32, #tpu.memory_space<vmem>>, vector<200x256xf32>
    %get3A_2 = arith.constant 256 : index
    %get3A_3 = arith.constant 0 : index
    %get3A_4 = vector.load %arg1[%get3A_2, %get3A_3] : memref<768x256xf32, #tpu.memory_space<vmem>>, vector<256x256xf32>
    %dot_general3A = arith.constant dense<0.000000e+00> : vector<200x256xf32>
    %dot_general3A_5 = tpu.matmul %get3A_1, %get3A_4, %dot_general3A {dimension_numbers = #tpu.dot_dimension_numbers<[1], [0], [0], [1], [0, 0, 1, 1], [], []>, transpose_lhs_hint = false} : vector<200x256xf32>, vector<256x256xf32>, vector<200x256xf32> -> vector<200x256xf32>
    %get3A_6 = arith.constant 0 : index
    %get3A_7 = arith.constant 0 : index
    %get3A_8 = vector.load %arg2[%get3A_6, %get3A_7] : memref<256x256xf32, #tpu.memory_space<vmem>>, vector<256x256xf32>
    %dot_general3A_9 = arith.constant dense<0.000000e+00> : vector<200x256xf32>
    %dot_general3A_10 = tpu.matmul %dot_general3A_5, %get3A_8, %dot_general3A_9 {dimension_numbers = #tpu.dot_dimension_numbers<[1], [0], [0], [1], [0, 0, 1, 1], [], []>, transpose_lhs_hint = false} : vector<200x256xf32>, vector<256x256xf32>, vector<200x256xf32> -> vector<200x256xf32>
    %slice3A = vector.extract_strided_slice %dot_general3A_5 {offsets = [0, 0], sizes = [200, 64], strides = [1, 1]} : vector<200x256xf32> to vector<200x64xf32>
    %slice3A_11 = vector.extract_strided_slice %dot_general3A_10 {offsets = [0, 0], sizes = [200, 64], strides = [1, 1]} : vector<200x256xf32> to vector<200x64xf32>
    %concatenate3A = tpu.concatenate %slice3A, %slice3A_11 in 1 : vector<200x64xf32>, vector<200x64xf32> -> vector<200x128xf32>
    %swap3A = arith.constant 0 : index
    %swap3A_12 = arith.constant 0 : index
    %swap3A_13 = arith.constant 0 : index
    %swap3A_14 = vector.load %arg3[%swap3A, %swap3A_12, %swap3A_13] : memref<4x200x128xf32, #tpu.memory_space<vmem>>, vector<1x200x128xf32>
    %swap3A_15 = vector.shape_cast %swap3A_14 : vector<1x200x128xf32> to vector<200x128xf32>
    %swap3A_16 = vector.shape_cast %concatenate3A : vector<200x128xf32> to vector<1x200x128xf32>
    tpu.vector_store %arg3[%swap3A, %swap3A_12, %swap3A_13], %swap3A_16 {strides = array<i32>} : memref<4x200x128xf32, #tpu.memory_space<vmem>>, vector<1x200x128xf32>,
    %slice3A_17 = vector.extract_strided_slice %dot_general3A_5 {offsets = [0, 64], sizes = [200, 64], strides = [1, 1]} : vector<200x256xf32> to vector<200x64xf32>
    %slice3A_18 = vector.extract_strided_slice %dot_general3A_10 {offsets = [0, 64], sizes = [200, 64], strides = [1, 1]} : vector<200x256xf32> to vector<200x64xf32>
    %concatenate3A_19 = tpu.concatenate %slice3A_17, %slice3A_18 in 1 : vector<200x64xf32>, vector<200x64xf32> -> vector<200x128xf32>
    %swap3A_20 = arith.constant 1 : index
    %swap3A_21 = arith.constant 0 : index
    %swap3A_22 = arith.constant 0 : index
    %swap3A_23 = vector.load %arg3[%swap3A_20, %swap3A_21, %swap3A_22] : memref<4x200x128xf32, #tpu.memory_space<vmem>>, vector<1x200x128xf32>
    %swap3A_24 = vector.shape_cast %swap3A_23 : vector<1x200x128xf32> to vector<200x128xf32>
    %swap3A_25 = vector.shape_cast %concatenate3A_19 : vector<200x128xf32> to vector<1x200x128xf32>
    tpu.vector_store %arg3[%swap3A_20, %swap3A_21, %swap3A_22], %swap3A_25 {strides = array<i32>} : memref<4x200x128xf32, #tpu.memory_space<vmem>>, vector<1x200x128xf32>,
    %slice3A_26 = vector.extract_strided_slice %dot_general3A_5 {offsets = [0, 128], sizes = [200, 64], strides = [1, 1]} : vector<200x256xf32> to vector<200x64xf32>
    %slice3A_27 = vector.extract_strided_slice %dot_general3A_10 {offsets = [0, 128], sizes = [200, 64], strides = [1, 1]} : vector<200x256xf32> to vector<200x64xf32>
    %concatenate3A_28 = tpu.concatenate %slice3A_26, %slice3A_27 in 1 : vector<200x64xf32>, vector<200x64xf32> -> vector<200x128xf32>
    %swap3A_29 = arith.constant 2 : index
    %swap3A_30 = arith.constant 0 : index
    %swap3A_31 = arith.constant 0 : index
    %swap3A_32 = vector.load %arg3[%swap3A_29, %swap3A_30, %swap3A_31] : memref<4x200x128xf32, #tpu.memory_space<vmem>>, vector<1x200x128xf32>
    %swap3A_33 = vector.shape_cast %swap3A_32 : vector<1x200x128xf32> to vector<200x128xf32>
    %swap3A_34 = vector.shape_cast %concatenate3A_28 : vector<200x128xf32> to vector<1x200x128xf32>
    tpu.vector_store %arg3[%swap3A_29, %swap3A_30, %swap3A_31], %swap3A_34 {strides = array<i32>} : memref<4x200x128xf32, #tpu.memory_space<vmem>>, vector<1x200x128xf32>,
    %slice3A_35 = vector.extract_strided_slice %dot_general3A_5 {offsets = [0, 192], sizes = [200, 64], strides = [1, 1]} : vector<200x256xf32> to vector<200x64xf32>
    %slice3A_36 = vector.extract_strided_slice %dot_general3A_10 {offsets = [0, 192], sizes = [200, 64], strides = [1, 1]} : vector<200x256xf32> to vector<200x64xf32>
    %concatenate3A_37 = tpu.concatenate %slice3A_35, %slice3A_36 in 1 : vector<200x64xf32>, vector<200x64xf32> -> vector<200x128xf32>
    %swap3A_38 = arith.constant 3 : index
    %swap3A_39 = arith.constant 0 : index
    %swap3A_40 = arith.constant 0 : index
    %swap3A_41 = vector.load %arg3[%swap3A_38, %swap3A_39, %swap3A_40] : memref<4x200x128xf32, #tpu.memory_space<vmem>>, vector<1x200x128xf32>
    %swap3A_42 = vector.shape_cast %swap3A_41 : vector<1x200x128xf32> to vector<200x128xf32>
    %swap3A_43 = vector.shape_cast %concatenate3A_37 : vector<200x128xf32> to vector<1x200x128xf32>
    tpu.vector_store %arg3[%swap3A_38, %swap3A_39, %swap3A_40], %swap3A_43 {strides = array<i32>} : memref<4x200x128xf32, #tpu.memory_space<vmem>>, vector<1x200x128xf32>,
    return
  }
}

module attributes {stable_mosaic.version = 14 : i64} {
  func.func @_pre_node_body(%arg0: i32, %arg1: memref<1000x256xf32, #tpu.memory_space<vmem>>, %arg2: memref<768x256xf32, #tpu.memory_space<vmem>>, %arg3: memref<256x256xf32, #tpu.memory_space<vmem>>, %arg4: memref<256x256xf32, #tpu.memory_space<vmem>>, %arg5: memref<256x256xf32, #tpu.memory_space<vmem>>, %arg6: memref<4x1000x128xf32, #tpu.memory_space<vmem>>, %arg7: memref<4x1000x128xf32, #tpu.memory_space<vmem>>, %arg8: memref<1000x256xf32, #tpu.memory_space<vmem>>, %arg9: memref<1000x256xf32, #tpu.memory_space<vmem>>, %arg10: memref<1000x256xf32, #tpu.memory_space<vmem>>) attributes {dimension_semantics = [#tpu.dimension_semantics<arbitrary>], iteration_bounds = array<i64: 10>, scalar_prefetch = 0 : i64, scratch_operands = 0 : i64, tpu.core_type = #tpu.core_type<tc>, window_params = [{transform_indices = @transform_0, window_bounds = array<i64: 1000, 256>}, {pipeline_mode = #tpu.pipeline_mode<synchronous>, transform_indices = @transform_1, window_bounds = array<i64: 768, 256>}, {pipeline_mode = #tpu.pipeline_mode<synchronous>, transform_indices = @transform_2, window_bounds = array<i64: 256, 256>}, {pipeline_mode = #tpu.pipeline_mode<synchronous>, transform_indices = @transform_3, window_bounds = array<i64: 256, 256>}, {pipeline_mode = #tpu.pipeline_mode<synchronous>, transform_indices = @transform_4, window_bounds = array<i64: 256, 256>}, {transform_indices = @transform_5, window_bounds = array<i64: 4, 1000, 128>}, {transform_indices = @transform_6, window_bounds = array<i64: 4, 1000, 128>}, {transform_indices = @transform_7, window_bounds = array<i64: 1000, 256>}, {transform_indices = @transform_8, window_bounds = array<i64: 1000, 256>}, {transform_indices = @transform_9, window_bounds = array<i64: 1000, 256>}]} {
    %get3A = arith.constant 0 : index
    %get3A_0 = arith.constant 0 : index
    %get3A_1 = vector.load %arg1[%get3A, %get3A_0] : memref<1000x256xf32, #tpu.memory_space<vmem>>, vector<1000x256xf32>
    %get3A_2 = arith.constant 0 : index
    %get3A_3 = arith.constant 0 : index
    %get3A_4 = vector.load %arg3[%get3A_2, %get3A_3] : memref<256x256xf32, #tpu.memory_space<vmem>>, vector<256x256xf32>
    %get3A_5 = arith.constant 0 : index
    %get3A_6 = arith.constant 0 : index
    %get3A_7 = vector.load %arg2[%get3A_5, %get3A_6] : memref<768x256xf32, #tpu.memory_space<vmem>>, vector<256x256xf32>
    %dot_general3A = arith.constant dense<0.000000e+00> : vector<1000x256xf32>
    %dot_general3A_8 = tpu.matmul %get3A_1, %get3A_7, %dot_general3A {dimension_numbers = #tpu.dot_dimension_numbers<[1], [0], [0], [1], [0, 0, 1, 1], [], []>, transpose_lhs_hint = false} : vector<1000x256xf32>, vector<256x256xf32>, vector<1000x256xf32> -> vector<1000x256xf32>
    %get3A_9 = arith.constant 512 : index
    %get3A_10 = arith.constant 0 : index
    %get3A_11 = vector.load %arg2[%get3A_9, %get3A_10] : memref<768x256xf32, #tpu.memory_space<vmem>>, vector<256x256xf32>
    %dot_general3A_12 = arith.constant dense<0.000000e+00> : vector<1000x256xf32>
    %dot_general3A_13 = tpu.matmul %get3A_1, %get3A_11, %dot_general3A_12 {dimension_numbers = #tpu.dot_dimension_numbers<[1], [0], [0], [1], [0, 0, 1, 1], [], []>, transpose_lhs_hint = false} : vector<1000x256xf32>, vector<256x256xf32>, vector<1000x256xf32> -> vector<1000x256xf32>
    %dot_general3A_14 = arith.constant dense<0.000000e+00> : vector<1000x256xf32>
    %dot_general3A_15 = tpu.matmul %dot_general3A_8, %get3A_4, %dot_general3A_14 {dimension_numbers = #tpu.dot_dimension_numbers<[1], [0], [0], [1], [0, 0, 1, 1], [], []>, transpose_lhs_hint = false} : vector<1000x256xf32>, vector<256x256xf32>, vector<1000x256xf32> -> vector<1000x256xf32>
    %dot_general3A_16 = arith.constant dense<0.000000e+00> : vector<1000x256xf32>
    %dot_general3A_17 = tpu.matmul %dot_general3A_13, %get3A_4, %dot_general3A_16 {dimension_numbers = #tpu.dot_dimension_numbers<[1], [0], [0], [1], [0, 0, 1, 1], [], []>, transpose_lhs_hint = false} : vector<1000x256xf32>, vector<256x256xf32>, vector<1000x256xf32> -> vector<1000x256xf32>
    %swap3A = arith.constant 0 : index
    %swap3A_18 = arith.constant 0 : index
    %swap3A_19 = vector.load %arg8[%swap3A, %swap3A_18] : memref<1000x256xf32, #tpu.memory_space<vmem>>, vector<1000x256xf32>
    tpu.vector_store %arg8[%swap3A, %swap3A_18], %dot_general3A_13 {strides = array<i32>} : memref<1000x256xf32, #tpu.memory_space<vmem>>, vector<1000x256xf32>,
    %get3A_20 = arith.constant 0 : index
    %get3A_21 = arith.constant 0 : index
    %get3A_22 = vector.load %arg4[%get3A_20, %get3A_21] : memref<256x256xf32, #tpu.memory_space<vmem>>, vector<256x256xf32>
    %dot_general3A_23 = arith.constant dense<0.000000e+00> : vector<1000x256xf32>
    %dot_general3A_24 = tpu.matmul %get3A_1, %get3A_22, %dot_general3A_23 {dimension_numbers = #tpu.dot_dimension_numbers<[1], [0], [0], [1], [0, 0, 1, 1], [], []>, transpose_lhs_hint = false} : vector<1000x256xf32>, vector<256x256xf32>, vector<1000x256xf32> -> vector<1000x256xf32>
    %swap3A_25 = arith.constant 0 : index
    %swap3A_26 = arith.constant 0 : index
    %swap3A_27 = vector.load %arg9[%swap3A_25, %swap3A_26] : memref<1000x256xf32, #tpu.memory_space<vmem>>, vector<1000x256xf32>
    tpu.vector_store %arg9[%swap3A_25, %swap3A_26], %dot_general3A_24 {strides = array<i32>} : memref<1000x256xf32, #tpu.memory_space<vmem>>, vector<1000x256xf32>,
    %get3A_28 = arith.constant 0 : index
    %get3A_29 = arith.constant 0 : index
    %get3A_30 = vector.load %arg5[%get3A_28, %get3A_29] : memref<256x256xf32, #tpu.memory_space<vmem>>, vector<256x256xf32>
    %dot_general3A_31 = arith.constant dense<0.000000e+00> : vector<1000x256xf32>
    %dot_general3A_32 = tpu.matmul %get3A_1, %get3A_30, %dot_general3A_31 {dimension_numbers = #tpu.dot_dimension_numbers<[1], [0], [0], [1], [0, 0, 1, 1], [], []>, transpose_lhs_hint = false} : vector<1000x256xf32>, vector<256x256xf32>, vector<1000x256xf32> -> vector<1000x256xf32>
    %swap3A_33 = arith.constant 0 : index
    %swap3A_34 = arith.constant 0 : index
    %swap3A_35 = vector.load %arg10[%swap3A_33, %swap3A_34] : memref<1000x256xf32, #tpu.memory_space<vmem>>, vector<1000x256xf32>
    tpu.vector_store %arg10[%swap3A_33, %swap3A_34], %dot_general3A_32 {strides = array<i32>} : memref<1000x256xf32, #tpu.memory_space<vmem>>, vector<1000x256xf32>,
    %slice3A = vector.extract_strided_slice %dot_general3A_8 {offsets = [0, 0], sizes = [1000, 64], strides = [1, 1]} : vector<1000x256xf32> to vector<1000x64xf32>
    %slice3A_36 = vector.extract_strided_slice %dot_general3A_15 {offsets = [0, 0], sizes = [1000, 64], strides = [1, 1]} : vector<1000x256xf32> to vector<1000x64xf32>
    %concatenate3A = tpu.concatenate %slice3A, %slice3A_36 in 1 : vector<1000x64xf32>, vector<1000x64xf32> -> vector<1000x128xf32>
    %swap3A_37 = arith.constant 0 : index
    %swap3A_38 = arith.constant 0 : index
    %swap3A_39 = arith.constant 0 : index
    %swap3A_40 = vector.load %arg6[%swap3A_37, %swap3A_38, %swap3A_39] : memref<4x1000x128xf32, #tpu.memory_space<vmem>>, vector<1x1000x128xf32>
    %swap3A_41 = vector.shape_cast %swap3A_40 : vector<1x1000x128xf32> to vector<1000x128xf32>
    %swap3A_42 = vector.shape_cast %concatenate3A : vector<1000x128xf32> to vector<1x1000x128xf32>
    tpu.vector_store %arg6[%swap3A_37, %swap3A_38, %swap3A_39], %swap3A_42 {strides = array<i32>} : memref<4x1000x128xf32, #tpu.memory_space<vmem>>, vector<1x1000x128xf32>,
    %slice3A_43 = vector.extract_strided_slice %dot_general3A_13 {offsets = [0, 0], sizes = [1000, 64], strides = [1, 1]} : vector<1000x256xf32> to vector<1000x64xf32>
    %slice3A_44 = vector.extract_strided_slice %dot_general3A_17 {offsets = [0, 0], sizes = [1000, 64], strides = [1, 1]} : vector<1000x256xf32> to vector<1000x64xf32>
    %concatenate3A_45 = tpu.concatenate %slice3A_43, %slice3A_44 in 1 : vector<1000x64xf32>, vector<1000x64xf32> -> vector<1000x128xf32>
    %swap3A_46 = arith.constant 0 : index
    %swap3A_47 = arith.constant 0 : index
    %swap3A_48 = arith.constant 0 : index
    %swap3A_49 = vector.load %arg7[%swap3A_46, %swap3A_47, %swap3A_48] : memref<4x1000x128xf32, #tpu.memory_space<vmem>>, vector<1x1000x128xf32>
    %swap3A_50 = vector.shape_cast %swap3A_49 : vector<1x1000x128xf32> to vector<1000x128xf32>
    %swap3A_51 = vector.shape_cast %concatenate3A_45 : vector<1000x128xf32> to vector<1x1000x128xf32>
    tpu.vector_store %arg7[%swap3A_46, %swap3A_47, %swap3A_48], %swap3A_51 {strides = array<i32>} : memref<4x1000x128xf32, #tpu.memory_space<vmem>>, vector<1x1000x128xf32>,
    %slice3A_52 = vector.extract_strided_slice %dot_general3A_8 {offsets = [0, 64], sizes = [1000, 64], strides = [1, 1]} : vector<1000x256xf32> to vector<1000x64xf32>
    %slice3A_53 = vector.extract_strided_slice %dot_general3A_15 {offsets = [0, 64], sizes = [1000, 64], strides = [1, 1]} : vector<1000x256xf32> to vector<1000x64xf32>
    %concatenate3A_54 = tpu.concatenate %slice3A_52, %slice3A_53 in 1 : vector<1000x64xf32>, vector<1000x64xf32> -> vector<1000x128xf32>
    %swap3A_55 = arith.constant 1 : index
    %swap3A_56 = arith.constant 0 : index
    %swap3A_57 = arith.constant 0 : index
    %swap3A_58 = vector.load %arg6[%swap3A_55, %swap3A_56, %swap3A_57] : memref<4x1000x128xf32, #tpu.memory_space<vmem>>, vector<1x1000x128xf32>
    %swap3A_59 = vector.shape_cast %swap3A_58 : vector<1x1000x128xf32> to vector<1000x128xf32>
    %swap3A_60 = vector.shape_cast %concatenate3A_54 : vector<1000x128xf32> to vector<1x1000x128xf32>
    tpu.vector_store %arg6[%swap3A_55, %swap3A_56, %swap3A_57], %swap3A_60 {strides = array<i32>} : memref<4x1000x128xf32, #tpu.memory_space<vmem>>, vector<1x1000x128xf32>,
    %slice3A_61 = vector.extract_strided_slice %dot_general3A_13 {offsets = [0, 64], sizes = [1000, 64], strides = [1, 1]} : vector<1000x256xf32> to vector<1000x64xf32>
    %slice3A_62 = vector.extract_strided_slice %dot_general3A_17 {offsets = [0, 64], sizes = [1000, 64], strides = [1, 1]} : vector<1000x256xf32> to vector<1000x64xf32>
    %concatenate3A_63 = tpu.concatenate %slice3A_61, %slice3A_62 in 1 : vector<1000x64xf32>, vector<1000x64xf32> -> vector<1000x128xf32>
    %swap3A_64 = arith.constant 1 : index
    %swap3A_65 = arith.constant 0 : index
    %swap3A_66 = arith.constant 0 : index
    %swap3A_67 = vector.load %arg7[%swap3A_64, %swap3A_65, %swap3A_66] : memref<4x1000x128xf32, #tpu.memory_space<vmem>>, vector<1x1000x128xf32>
    %swap3A_68 = vector.shape_cast %swap3A_67 : vector<1x1000x128xf32> to vector<1000x128xf32>
    %swap3A_69 = vector.shape_cast %concatenate3A_63 : vector<1000x128xf32> to vector<1x1000x128xf32>
    tpu.vector_store %arg7[%swap3A_64, %swap3A_65, %swap3A_66], %swap3A_69 {strides = array<i32>} : memref<4x1000x128xf32, #tpu.memory_space<vmem>>, vector<1x1000x128xf32>,
    %slice3A_70 = vector.extract_strided_slice %dot_general3A_8 {offsets = [0, 128], sizes = [1000, 64], strides = [1, 1]} : vector<1000x256xf32> to vector<1000x64xf32>
    %slice3A_71 = vector.extract_strided_slice %dot_general3A_15 {offsets = [0, 128], sizes = [1000, 64], strides = [1, 1]} : vector<1000x256xf32> to vector<1000x64xf32>
    %concatenate3A_72 = tpu.concatenate %slice3A_70, %slice3A_71 in 1 : vector<1000x64xf32>, vector<1000x64xf32> -> vector<1000x128xf32>
    %swap3A_73 = arith.constant 2 : index
    %swap3A_74 = arith.constant 0 : index
    %swap3A_75 = arith.constant 0 : index
    %swap3A_76 = vector.load %arg6[%swap3A_73, %swap3A_74, %swap3A_75] : memref<4x1000x128xf32, #tpu.memory_space<vmem>>, vector<1x1000x128xf32>
    %swap3A_77 = vector.shape_cast %swap3A_76 : vector<1x1000x128xf32> to vector<1000x128xf32>
    %swap3A_78 = vector.shape_cast %concatenate3A_72 : vector<1000x128xf32> to vector<1x1000x128xf32>
    tpu.vector_store %arg6[%swap3A_73, %swap3A_74, %swap3A_75], %swap3A_78 {strides = array<i32>} : memref<4x1000x128xf32, #tpu.memory_space<vmem>>, vector<1x1000x128xf32>,
    %slice3A_79 = vector.extract_strided_slice %dot_general3A_13 {offsets = [0, 128], sizes = [1000, 64], strides = [1, 1]} : vector<1000x256xf32> to vector<1000x64xf32>
    %slice3A_80 = vector.extract_strided_slice %dot_general3A_17 {offsets = [0, 128], sizes = [1000, 64], strides = [1, 1]} : vector<1000x256xf32> to vector<1000x64xf32>
    %concatenate3A_81 = tpu.concatenate %slice3A_79, %slice3A_80 in 1 : vector<1000x64xf32>, vector<1000x64xf32> -> vector<1000x128xf32>
    %swap3A_82 = arith.constant 2 : index
    %swap3A_83 = arith.constant 0 : index
    %swap3A_84 = arith.constant 0 : index
    %swap3A_85 = vector.load %arg7[%swap3A_82, %swap3A_83, %swap3A_84] : memref<4x1000x128xf32, #tpu.memory_space<vmem>>, vector<1x1000x128xf32>
    %swap3A_86 = vector.shape_cast %swap3A_85 : vector<1x1000x128xf32> to vector<1000x128xf32>
    %swap3A_87 = vector.shape_cast %concatenate3A_81 : vector<1000x128xf32> to vector<1x1000x128xf32>
    tpu.vector_store %arg7[%swap3A_82, %swap3A_83, %swap3A_84], %swap3A_87 {strides = array<i32>} : memref<4x1000x128xf32, #tpu.memory_space<vmem>>, vector<1x1000x128xf32>,
    %slice3A_88 = vector.extract_strided_slice %dot_general3A_8 {offsets = [0, 192], sizes = [1000, 64], strides = [1, 1]} : vector<1000x256xf32> to vector<1000x64xf32>
    %slice3A_89 = vector.extract_strided_slice %dot_general3A_15 {offsets = [0, 192], sizes = [1000, 64], strides = [1, 1]} : vector<1000x256xf32> to vector<1000x64xf32>
    %concatenate3A_90 = tpu.concatenate %slice3A_88, %slice3A_89 in 1 : vector<1000x64xf32>, vector<1000x64xf32> -> vector<1000x128xf32>
    %swap3A_91 = arith.constant 3 : index
    %swap3A_92 = arith.constant 0 : index
    %swap3A_93 = arith.constant 0 : index
    %swap3A_94 = vector.load %arg6[%swap3A_91, %swap3A_92, %swap3A_93] : memref<4x1000x128xf32, #tpu.memory_space<vmem>>, vector<1x1000x128xf32>
    %swap3A_95 = vector.shape_cast %swap3A_94 : vector<1x1000x128xf32> to vector<1000x128xf32>
    %swap3A_96 = vector.shape_cast %concatenate3A_90 : vector<1000x128xf32> to vector<1x1000x128xf32>
    tpu.vector_store %arg6[%swap3A_91, %swap3A_92, %swap3A_93], %swap3A_96 {strides = array<i32>} : memref<4x1000x128xf32, #tpu.memory_space<vmem>>, vector<1x1000x128xf32>,
    %slice3A_97 = vector.extract_strided_slice %dot_general3A_13 {offsets = [0, 192], sizes = [1000, 64], strides = [1, 1]} : vector<1000x256xf32> to vector<1000x64xf32>
    %slice3A_98 = vector.extract_strided_slice %dot_general3A_17 {offsets = [0, 192], sizes = [1000, 64], strides = [1, 1]} : vector<1000x256xf32> to vector<1000x64xf32>
    %concatenate3A_99 = tpu.concatenate %slice3A_97, %slice3A_98 in 1 : vector<1000x64xf32>, vector<1000x64xf32> -> vector<1000x128xf32>
    %swap3A_100 = arith.constant 3 : index
    %swap3A_101 = arith.constant 0 : index
    %swap3A_102 = arith.constant 0 : index
    %swap3A_103 = vector.load %arg7[%swap3A_100, %swap3A_101, %swap3A_102] : memref<4x1000x128xf32, #tpu.memory_space<vmem>>, vector<1x1000x128xf32>
    %swap3A_104 = vector.shape_cast %swap3A_103 : vector<1x1000x128xf32> to vector<1000x128xf32>
    %swap3A_105 = vector.shape_cast %concatenate3A_99 : vector<1000x128xf32> to vector<1x1000x128xf32>
    tpu.vector_store %arg7[%swap3A_100, %swap3A_101, %swap3A_102], %swap3A_105 {strides = array<i32>} : memref<4x1000x128xf32, #tpu.memory_space<vmem>>, vector<1x1000x128xf32>,
    return
  }
  func.func @transform_0(%arg0: i32) -> (i32, i32) {
    %c0_i32 = arith.constant 0 : i32
    %c0_i32_0 = arith.constant 0 : i32
    return %arg0, %c0_i32 : i32, i32
  }
  func.func @transform_1(%arg0: i32) -> (i32, i32) {
    %c0_i32 = arith.constant 0 : i32
    %c0_i32_0 = arith.constant 0 : i32
    %c0_i32_1 = arith.constant 0 : i32
    return %c0_i32, %c0_i32_0 : i32, i32
  }
  func.func @transform_2(%arg0: i32) -> (i32, i32) {
    %c0_i32 = arith.constant 0 : i32
    %c0_i32_0 = arith.constant 0 : i32
    %c0_i32_1 = arith.constant 0 : i32
    return %c0_i32, %c0_i32_0 : i32, i32
  }
  func.func @transform_3(%arg0: i32) -> (i32, i32) {
    %c0_i32 = arith.constant 0 : i32
    %c0_i32_0 = arith.constant 0 : i32
    %c0_i32_1 = arith.constant 0 : i32
    return %c0_i32, %c0_i32_0 : i32, i32
  }
  func.func @transform_4(%arg0: i32) -> (i32, i32) {
    %c0_i32 = arith.constant 0 : i32
    %c0_i32_0 = arith.constant 0 : i32
    %c0_i32_1 = arith.constant 0 : i32
    return %c0_i32, %c0_i32_0 : i32, i32
  }
  func.func @transform_5(%arg0: i32) -> (i32, i32, i32) {
    %c0_i32 = arith.constant 0 : i32
    %c0_i32_0 = arith.constant 0 : i32
    %c0_i32_1 = arith.constant 0 : i32
    return %c0_i32, %arg0, %c0_i32_0 : i32, i32, i32
  }
  func.func @transform_6(%arg0: i32) -> (i32, i32, i32) {
    %c0_i32 = arith.constant 0 : i32
    %c0_i32_0 = arith.constant 0 : i32
    %c0_i32_1 = arith.constant 0 : i32
    return %c0_i32, %arg0, %c0_i32_0 : i32, i32, i32
  }
  func.func @transform_7(%arg0: i32) -> (i32, i32) {
    %c0_i32 = arith.constant 0 : i32
    %c0_i32_0 = arith.constant 0 : i32
    return %arg0, %c0_i32 : i32, i32
  }
  func.func @transform_8(%arg0: i32) -> (i32, i32) {
    %c0_i32 = arith.constant 0 : i32
    %c0_i32_0 = arith.constant 0 : i32
    return %arg0, %c0_i32 : i32, i32
  }
  func.func @transform_9(%arg0: i32) -> (i32, i32) {
    %c0_i32 = arith.constant 0 : i32
    %c0_i32_0 = arith.constant 0 : i32
    return %arg0, %c0_i32 : i32, i32
  }
}

module attributes {stable_mosaic.version = 14 : i64} {
  func.func @_combine_body(%arg0: i32, %arg1: memref<4x1000x128xf32, #tpu.memory_space<vmem>>, %arg2: memref<1000x256xf32, #tpu.memory_space<vmem>>, %arg3: memref<1000x256xf32, #tpu.memory_space<vmem>>, %arg4: memref<1000x256xf32, #tpu.memory_space<vmem>>, %arg5: memref<1000x1xf32, #tpu.memory_space<vmem>>, %arg6: memref<1000x256xf32, #tpu.memory_space<vmem>>) attributes {dimension_semantics = [#tpu.dimension_semantics<arbitrary>], iteration_bounds = array<i64: 10>, scalar_prefetch = 0 : i64, scratch_operands = 0 : i64, tpu.core_type = #tpu.core_type<tc>, window_params = [{transform_indices = @transform_0, window_bounds = array<i64: 4, 1000, 128>}, {transform_indices = @transform_1, window_bounds = array<i64: 1000, 256>}, {transform_indices = @transform_2, window_bounds = array<i64: 1000, 256>}, {transform_indices = @transform_3, window_bounds = array<i64: 1000, 256>}, {transform_indices = @transform_4, window_bounds = array<i64: 1000, 1>}, {transform_indices = @transform_5, window_bounds = array<i64: 1000, 256>}]} {
    %get3A = arith.constant 0 : index
    %get3A_0 = arith.constant 0 : index
    %get3A_1 = arith.constant 0 : index
    %get3A_2 = vector.load %arg1[%get3A, %get3A_0, %get3A_1] : memref<4x1000x128xf32, #tpu.memory_space<vmem>>, vector<4x1000x128xf32>
    %slice3A = vector.extract_strided_slice %get3A_2 {offsets = [0, 0, 0], sizes = [1, 1000, 64], strides = [1, 1, 1]} : vector<4x1000x128xf32> to vector<1x1000x64xf32>
    %squeeze3A = vector.shape_cast %slice3A : vector<1x1000x64xf32> to vector<1000x64xf32>
    %slice3A_3 = vector.extract_strided_slice %get3A_2 {offsets = [1, 0, 0], sizes = [1, 1000, 64], strides = [1, 1, 1]} : vector<4x1000x128xf32> to vector<1x1000x64xf32>
    %squeeze3A_4 = vector.shape_cast %slice3A_3 : vector<1x1000x64xf32> to vector<1000x64xf32>
    %slice3A_5 = vector.extract_strided_slice %get3A_2 {offsets = [2, 0, 0], sizes = [1, 1000, 64], strides = [1, 1, 1]} : vector<4x1000x128xf32> to vector<1x1000x64xf32>
    %squeeze3A_6 = vector.shape_cast %slice3A_5 : vector<1x1000x64xf32> to vector<1000x64xf32>
    %slice3A_7 = vector.extract_strided_slice %get3A_2 {offsets = [3, 0, 0], sizes = [1, 1000, 64], strides = [1, 1, 1]} : vector<4x1000x128xf32> to vector<1x1000x64xf32>
    %squeeze3A_8 = vector.shape_cast %slice3A_7 : vector<1x1000x64xf32> to vector<1000x64xf32>
    %concatenate3A = tpu.concatenate %squeeze3A, %squeeze3A_4, %squeeze3A_6, %squeeze3A_8 in 1 : vector<1000x64xf32>, vector<1000x64xf32>, vector<1000x64xf32>, vector<1000x64xf32> -> vector<1000x256xf32>
    %slice3A_9 = vector.extract_strided_slice %get3A_2 {offsets = [0, 0, 64], sizes = [1, 1000, 64], strides = [1, 1, 1]} : vector<4x1000x128xf32> to vector<1x1000x64xf32>
    %squeeze3A_10 = vector.shape_cast %slice3A_9 : vector<1x1000x64xf32> to vector<1000x64xf32>
    %slice3A_11 = vector.extract_strided_slice %get3A_2 {offsets = [1, 0, 64], sizes = [1, 1000, 64], strides = [1, 1, 1]} : vector<4x1000x128xf32> to vector<1x1000x64xf32>
    %squeeze3A_12 = vector.shape_cast %slice3A_11 : vector<1x1000x64xf32> to vector<1000x64xf32>
    %slice3A_13 = vector.extract_strided_slice %get3A_2 {offsets = [2, 0, 64], sizes = [1, 1000, 64], strides = [1, 1, 1]} : vector<4x1000x128xf32> to vector<1x1000x64xf32>
    %squeeze3A_14 = vector.shape_cast %slice3A_13 : vector<1x1000x64xf32> to vector<1000x64xf32>
    %slice3A_15 = vector.extract_strided_slice %get3A_2 {offsets = [3, 0, 64], sizes = [1, 1000, 64], strides = [1, 1, 1]} : vector<4x1000x128xf32> to vector<1x1000x64xf32>
    %squeeze3A_16 = vector.shape_cast %slice3A_15 : vector<1x1000x64xf32> to vector<1000x64xf32>
    %concatenate3A_17 = tpu.concatenate %squeeze3A_10, %squeeze3A_12, %squeeze3A_14, %squeeze3A_16 in 1 : vector<1000x64xf32>, vector<1000x64xf32>, vector<1000x64xf32>, vector<1000x64xf32> -> vector<1000x256xf32>
    %get3A_18 = arith.constant 0 : index
    %get3A_19 = arith.constant 0 : index
    %get3A_20 = vector.load %arg2[%get3A_18, %get3A_19] : memref<1000x256xf32, #tpu.memory_space<vmem>>, vector<1000x256xf32>
    %mul3A = arith.mulf %get3A_20, %concatenate3A : vector<1000x256xf32>
    %add3A = arith.addf %concatenate3A_17, %mul3A : vector<1000x256xf32>
    %add3A_21 = arith.constant 1.000000e-16 : f32
    %add3A_22 = vector.broadcast %add3A_21 : f32 to vector<1000x256xf32>
    %add3A_23 = arith.addf %concatenate3A, %add3A_22 : vector<1000x256xf32>
    %div3A = arith.divf %add3A, %add3A_23 : vector<1000x256xf32>
    %get3A_24 = arith.constant 0 : index
    %get3A_25 = arith.constant 0 : index
    %get3A_26 = vector.load %arg5[%get3A_24, %get3A_25] : memref<1000x1xf32, #tpu.memory_space<vmem>>, vector<1000x1xf32>
    %mul3A_27 = vector.broadcast %get3A_26 : vector<1000x1xf32> to vector<1000x256xf32>
    %mul3A_28 = arith.mulf %div3A, %mul3A_27 : vector<1000x256xf32>
    %slice3A_29 = vector.extract_strided_slice %concatenate3A {offsets = [0, 0], sizes = [1000, 1], strides = [1, 1]} : vector<1000x256xf32> to vector<1000x1xf32>
    %gt3A = arith.constant 0.000000e+00 : f32
    %gt3A_30 = vector.broadcast %gt3A : f32 to vector<1000x1xf32>
    %gt3A_31 = arith.cmpf ogt, %slice3A_29, %gt3A_30 : vector<1000x1xf32>
    %get3A_32 = arith.constant 0 : index
    %get3A_33 = arith.constant 0 : index
    %get3A_34 = vector.load %arg3[%get3A_32, %get3A_33] : memref<1000x256xf32, #tpu.memory_space<vmem>>, vector<1000x256xf32>
    %get3A_35 = arith.constant 0 : index
    %get3A_36 = arith.constant 0 : index
    %get3A_37 = vector.load %arg4[%get3A_35, %get3A_36] : memref<1000x256xf32, #tpu.memory_space<vmem>>, vector<1000x256xf32>
    %broadcast_in_dim3A = vector.shape_cast %gt3A_31 : vector<1000x1xi1> to vector<1000x1xi1>
    %broadcast_in_dim3A_38 = vector.broadcast %broadcast_in_dim3A : vector<1000x1xi1> to vector<1000x256xi1>
    %select_n3A = arith.select %broadcast_in_dim3A_38, %get3A_34, %get3A_37 : vector<1000x256xi1>, vector<1000x256xf32>
    %add3A_39 = arith.addf %mul3A_28, %select_n3A : vector<1000x256xf32>
    %swap3A = arith.constant 0 : index
    %swap3A_40 = arith.constant 0 : index
    %swap3A_41 = vector.load %arg6[%swap3A, %swap3A_40] : memref<1000x256xf32, #tpu.memory_space<vmem>>, vector<1000x256xf32>
    tpu.vector_store %arg6[%swap3A, %swap3A_40], %add3A_39 {strides = array<i32>} : memref<1000x256xf32, #tpu.memory_space<vmem>>, vector<1000x256xf32>,
    return
  }
  func.func @transform_0(%arg0: i32) -> (i32, i32, i32) {
    %c0_i32 = arith.constant 0 : i32
    %c0_i32_0 = arith.constant 0 : i32
    %c0_i32_1 = arith.constant 0 : i32
    return %c0_i32, %arg0, %c0_i32_0 : i32, i32, i32
  }
  func.func @transform_1(%arg0: i32) -> (i32, i32) {
    %c0_i32 = arith.constant 0 : i32
    %c0_i32_0 = arith.constant 0 : i32
    return %arg0, %c0_i32 : i32, i32
  }
  func.func @transform_2(%arg0: i32) -> (i32, i32) {
    %c0_i32 = arith.constant 0 : i32
    %c0_i32_0 = arith.constant 0 : i32
    return %arg0, %c0_i32 : i32, i32
  }
  func.func @transform_3(%arg0: i32) -> (i32, i32) {
    %c0_i32 = arith.constant 0 : i32
    %c0_i32_0 = arith.constant 0 : i32
    return %arg0, %c0_i32 : i32, i32
  }
  func.func @transform_4(%arg0: i32) -> (i32, i32) {
    %c0_i32 = arith.constant 0 : i32
    %c0_i32_0 = arith.constant 0 : i32
    return %arg0, %c0_i32 : i32, i32
  }
  func.func @transform_5(%arg0: i32) -> (i32, i32) {
    %c0_i32 = arith.constant 0 : i32
    %c0_i32_0 = arith.constant 0 : i32
    return %arg0, %c0_i32 : i32, i32
  }
}

</mosaic_0001>

<sc_bundles>
// kernel: kernel.6.cloned.1.call-start
scs
__scs_entry_jumppad:
0x0: {  	(pc) =	sbr.rel $0x88, $3  }
0x1: {  	(tag) =	ssettag $0x0;
	lr =	simm.s32 $0x1  }
0x2: {  	[smem:$0x3F98] =	sst lr;
	_ =	strace $0xD0000000  }
0x3: {  	_ = 	snop  }
0x4: {  	_ = 	snop  }
0x5: {  	_ = 	snop  }
0x6: {  	_ = 	snop  }
0x7: {  	_ = 	snop  }
__scs_overlays_trampoline_lowered:
0x8: {  	[smem:$0x3FA7] =	sst s0  }
0x9: {  	[smem:$0x3FA8] =	sst s1  }
0xa: {  	[smem:$0x3FA9] =	sst s2  }
0xb: {  	[smem:$0x3FAA] =	sst s3  }
0xc: {  	[smem:$0x3FAB] =	sst s4  }
0xd: {  	[smem:$0x3FAC] =	sst s5  }
0xe: {  	[smem:$0x3FAD] =	sst s6  }
0xf: {  	[smem:$0x3FAE] =	sst s7  }
0x10: {  	[smem:$0x3FAF] =	sst s8  }
0x11: {  	[smem:$0x3FB0] =	sst s9;
	s0 =	simm.s32 @!p0 $0x0  }
0x12: {  	s1 =	sld [smem:$0x3F96];
	s0 =	simm.s32 @p0 $0x1  }
0x13: {  	[smem:$0x3FB1] =	sst s0;
	s0 =	simm.s32 @!p1 $0x0  }
0x14: {  	s2 =	sld [smem:$0x3F95];
	s0 =	simm.s32 @p1 $0x1  }
0x15: {  	[smem:$0x3FB2] =	sst s0;
	s0 =	simm.s32 @!p2 $0x0  }
0x16: {  	s3 =	sld [smem:$0x3FDB];
	s0 =	simm.s32 @p2 $0x1  }
0x17: {  	s4 =	simm.s32 $0x1BF5;
	[smem:$0x3FB4] =	sst s0  }
0x18: {  	s0 =	sld [smem:$0x3F97];
	_ =	swait.ge [sflag:s4], $0x0  }
0x19: {  	s7 =	sld [smem:$0x3F98]  }
0x1a: {  	s8 =	sadd.s32 $0xFFFFE003, lr  }
0x1b: {  	s9 =	sadd.s32 $0xFFFFFEF7, lr;
	s5 =	simm.s32 $0xFFFFFFFF;
	p2 =	slt.u32 s8, $0xFFFFF086  }
0x1c: {  	p1 =	slt.u32 s9, $0xF7A;
	s5 =	simm.s32 @!p2 $0x0  }
0x1d: {  	s5 =	simm.s32 @p1 $0x1;
	p0 =	seq.s32 s7, s2  }
0x1e: {  	s7 =	smul.u32 @!p0 $0xF7A, s2;
	p2 =	seq.s32 @!p0 s5, $0x0  }
0x1f: {  	s9 =	smul.u32 $0xF7A, s1;
	s8 =	simm.s32 @!p0 $0x1BF5;
	p2 =	por !p2, p0  }
0x20: {  	[sflag:s8] =	ssyncset.s32 @!p0 $0xFFFFF086;
	s6 =	sadd.s32 @!p0 s3, s7;
	s7 =	simm.s32 @!p0 $0x108  }
0x21: {  	s3 =	sadd.s32 s3, s9;
	s6 =	sadd.s32 @!p0 $0x88, s6;
	s7 =	simm.s32 @p2 $0x1082  }
0x22: {  	[simem:s7], [sflag:s8] =	dma.local @!p0 [hbm:s6], $0xF7A  }
0x23: {  	s9 =	sor.u32 $0xD0000000, s2;
	s6 =	simm.s32 $0x108;
	_ =	swait.ge @!p0 [sflag:s8], $0x0  }
0x24: {  	s3 =	sadd.s32 $0x88, s3;
	s6 =	simm.s32 @!p1 $0x1082;
	[sflag:s4] =	ssyncset.s32 $0xFFFFF086  }
0x25: {  	[simem:s6], [sflag:s4] =	dma.local [hbm:s3], $0xF7A  }
0x26: {  	[smem:$0x3F98] =	sst s1;
	(tag) =	ssettag s2;
	_ =	strace s9  }
0x27: {  	s1 =	sld [smem:$0x3FA8]  }
0x28: {  	s2 =	sld [smem:$0x3FA9]  }
0x29: {  	s4 =	sld [smem:$0x3FAB]  }
0x2a: {  	p0 =	seq.s32 s5, $0x0;
	s5 =	sld [smem:$0x3FAC]  }
0x2b: {  	s6 =	sld [smem:$0x3FAD]  }
0x2c: {  	s7 =	sld [smem:$0x3FAE]  }
0x2d: {  	s3 =	simm.s32 $0x108;
	s8 =	sld [smem:$0x3FAF]  }
0x2e: {  	s3 =	simm.s32 @!p0 $0x1082;
	s9 =	sld [smem:$0x3FB0]  }
0x2f: {  	lr =	sadd.s32 s0, s3;
	s0 =	sld [smem:$0x3FA7]  }
0x30: {  	s3 =	sld [smem:$0x3FAA]  }
0x31: {  	[smem:$0x3FB3] =	sst s10  }
0x32: {  	s10 =	sld [smem:$0x3FB1];
	_ =	sdelay $0x3  }
0x33: {  	p0 =	seq.s32 s10, $0x1;
	s10 =	sld [smem:$0x3FB3];
	_ =	sdelay $0x3  }
0x34: {  	[smem:$0x3FB3] =	sst s10  }
0x35: {  	s10 =	sld [smem:$0x3FB2];
	_ =	sdelay $0x3  }
0x36: {  	p1 =	seq.s32 s10, $0x1;
	s10 =	sld [smem:$0x3FB3];
	_ =	sdelay $0x3  }
0x37: {  	[smem:$0x3FB3] =	sst s10  }
0x38: {  	s10 =	sld [smem:$0x3FB4]  }
0x39: {  	_ = 	snop;
	(pc) =	sbr.ind lr, $3  }
0x3a: {  	_ = 	snop  }
0x3b: {  	_ = 	snop  }
0x3c: {  	p2 =	seq.s32 s10, $0x1;
	s10 =	sld [smem:$0x3FB3]  }
0x3d: {  	_ =	shalt  }
0x3e: {  	_ =	shalt  }
0x3f: {  	_ =	shalt  }
0x40: {  	_ =	shalt  }
0x41: {  	_ =	shalt  }
0x42: {  	_ =	shalt  }
0x43: {  	_ =	shalt  }
0x44: {  	_ =	shalt  }
0x45: {  	_ =	shalt  }
0x46: {  	_ =	shalt  }
0x47: {  	_ =	shalt  }
0x48: {  	_ =	shalt  }
0x49: {  	_ =	shalt  }
0x4a: {  	_ =	shalt  }
0x4b: {  	_ =	shalt  }
0x4c: {  	_ =	shalt  }
0x4d: {  	_ =	shalt  }
0x4e: {  	_ =	shalt  }
0x4f: {  	_ =	shalt  }
0x50: {  	_ =	shalt  }
0x51: {  	_ =	shalt  }
0x52: {  	_ =	shalt  }
0x53: {  	_ =	shalt  }
0x54: {  	_ =	shalt  }
0x55: {  	_ =	shalt  }
0x56: {  	_ =	shalt  }
0x57: {  	_ =	shalt  }
0x58: {  	_ =	shalt  }
0x59: {  	_ =	shalt  }
0x5a: {  	_ =	shalt  }
0x5b: {  	_ =	shalt  }
0x5c: {  	_ =	shalt  }
0x5d: {  	_ =	shalt  }
0x5e: {  	_ =	shalt  }
0x5f: {  	_ =	shalt  }
0x60: {  	_ =	shalt  }
0x61: {  	_ =	shalt  }
0x62: {  	_ =	shalt  }
0x63: {  	_ =	shalt  }
0x64: {  	_ =	shalt  }
0x65: {  	_ =	shalt  }
0x66: {  	_ =	shalt  }
0x67: {  	_ =	shalt  }
0x68: {  	_ =	shalt  }
0x69: {  	_ =	shalt  }
0x6a: {  	_ =	shalt  }
0x6b: {  	_ =	shalt  }
0x6c: {  	_ =	shalt  }
0x6d: {  	_ =	shalt  }
0x6e: {  	_ =	shalt  }
0x6f: {  	_ =	shalt  }
0x70: {  	_ =	shalt  }
0x71: {  	_ =	shalt  }
0x72: {  	_ =	shalt  }
0x73: {  	_ =	shalt  }
0x74: {  	_ =	shalt  }
0x75: {  	_ =	shalt  }
0x76: {  	_ =	shalt  }
0x77: {  	_ =	shalt  }
0x78: {  	_ =	shalt  }
0x79: {  	_ =	shalt  }
0x7a: {  	_ =	shalt  }
0x7b: {  	_ =	shalt  }
0x7c: {  	_ =	shalt  }
0x7d: {  	_ =	shalt  }
0x7e: {  	_ =	shalt  }
0x7f: {  	_ =	shalt  }
0x80: {  	_ =	shalt  }
0x81: {  	_ =	shalt  }
0x82: {  	_ =	shalt  }
0x83: {  	_ =	shalt  }
0x84: {  	_ =	shalt  }
0x85: {  	_ =	shalt  }
0x86: {  	_ =	shalt  }
0x87: {  	_ =	shalt  }
.Lfunc_end0:
.L_simem_size_0:
called_computation_lowered:
.L_overlay_start_0:
0x88: {  	s2 =	sld [smem:$0x3FD9]  }
0x89: {  	s3 =	sld [smem:$0x3FFE];
	_ =	sdelay $0x1  }
0x8a: {  	s1 =	srdreg.scid  }
0x8b: {  	s0 =	sand.u32 $0x1, s1  }
0x8c: {  	s17 =	sshll.u32 s0, $0xA;
	s2 =	sadd.s32 s3, s2  }
0x8d: {  	s2 =	sadd.s32 s2, s17  }
0x8e: {  	[smem:$0x3FBF] =	sst s2  }
0x8f: {  	_ = 	snop  }
0x90: {  	s2 =	sld [smem:$0x3FD0];
	(tm) =	ssettm $0x1  }
0x91: {  	s18 =	sld [smem:$0x3FFB];
	_ =	sdelay $0x3  }
0x92: {  	_ =	strace s18  }
0x93: {  	s3 =	sld [smem:$0x3FFC];
	_ =	sdelay $0x3  }
0x94: {  	_ =	strace s3  }
0x95: {  	s3 =	sld [smem:$0x3FFD];
	_ =	sdelay $0x3  }
0x96: {  	_ =	strace s3  }
0x97: {  	_ =	strace $0x8FFFFFFF  }
0x98: {  	s19 =	sld [smem:$0x3FDB];
	_ =	sdelay $0x1  }
0x99: {  	s4 =	simm.s32 $_scs_section_size  }
0x9a: {  	s5 =	simm.s32 $_size__tile_overlayer_lowered;
	s6 =	simm.s32 $_tile_overlayer_lowered  }
0x9b: {  	s22 =	simm.s32 $0x1BFF;
	s21 =	sshll.u32 s6, $0x1;
	s3 =	sadd.s32 s4, s19  }
0x9c: {  	s7 =	simm.s32 $0x0;
	s20 =	sshll.u32 s5, $0x1;
	s5 =	sadd.s32 s21, s3  }
0x9d: {  	[timem:s7], [sflag:s22] =	dma.local [hbm:s5], s20  }
0x9e: {  	_ =	swait.ge [sflag:s22], s20  }
0x9f: {  	s4 =	ssub.s32 $0x0, s20;
	[sflag:s22] =	ssyncset.done $0x0  }
0xa0: {  	[sflag:s22] =	ssyncadd.s32 s4;
	_ =	sdelay $0x1  }
0xa1: {  	s23 =	simm.s32 $0x1B8B  }
0xa2: {  	_ =	swait.ge [sflag:s23], $0x1  }
0xa3: {  	[sflag:s23] =	ssyncset.done $0x0  }
0xa4: {  	s25 =	simm.s32 $0x1B8E;
	s24 =	sld [smem:$0x3FFE];
	[sflag:s23] =	ssyncadd.s32 $0xFFFFFFFF  }
0xa5: {  	s26 =	simm.s32 $execute0_lowered;
	[smem:$0x3FD2] =	sst s25  }
0xa6: {  	s5 =	sshll.u32 s26, $0x1;
	_ =	strace $0x80000046;
	[dreg:$0x1] =	wrdreg $0xFFFFFFFF  }
0xa7: {  	s28 =	simm.s32 $_size_execute0_lowered;
	s3 =	sadd.s32 s3, s5;
	[dreg:$0x0] =	wrdreg $0x0  }
0xa8: {  	s5 =	sshll.u32 s28, $0x1;
	[dreg:$0x2] =	wrdreg s3  }
0xa9: {  	[dreg:$0x3] =	wrdreg s5  }
0xaa: {  	[dreg:$0x4] =	wrdreg $0xC0  }
0xab: {  	_ =	task [dreg:s7], $0x5FFFF  }
0xac: {  	[dreg:$0x1] =	wrdreg $0xFFFFFFFF  }
0xad: {  	[dreg:$0x0] =	wrdreg $0x60  }
0xae: {  	[dreg:$0x2] =	wrdreg s24  }
0xaf: {  	[dreg:$0x3] =	wrdreg s2  }
0xb0: {  	[dreg:$0x4] =	wrdreg $0x102000  }
0xb1: {  	[dreg:$0x5] =	wrdreg $0x9  }
0xb2: {  	_ =	task.clear_ibuf [dreg:s7], $0x6FFFF;
	_ =	strace $0x90000046  }
0xb3: {  	s29 =	simm.s32 $0x9;
	_ =	strace $0x80000048  }
0xb4: {  	_ =	swait.ge [sflag:s29], $0x1  }
0xb5: {  	[sflag:s29] =	ssyncadd.s32 $0xFFFFFFFF  }
0xb6: {  	_ =	strace $0x90000048  }
0xb7: {  	_ =	sfence  }
0xb8: {  	s30 =	sld [smem:$0x0];
	_ =	sdelay $0x2  }
0xb9: {  	s31 =	sshll.u32 s1, $0xD;
	s1 =	sshrl.u32 s1, $0x2  }
0xba: {  	s3 =	sand.u32 $0x4000, s31;
	s1 =	sadd.s32 s1, s30  }
0xbb: {  	s0 =	sor.u32 s3, s0;
	s1 =	sshll.u32 s1, $0x11  }
0xbc: {  	s0 =	sor.u32 s1, s0  }
0xbd: {  	s0 =	sadd.s32 $0x8F2B, s0  }
0xbe: {  	[sflag:s0] =	ssyncadd.remote.s32 $0x1  }
0xbf: {  	_ =	sfence.sel $0xFFFF  }
0xc0: {  	[dreg:$0x0] =	wrdreg $0xFFFFFFFF;
	(pc) =	sbr.abs _section_cstart, $3  }
0xc1: {  	[dreg:$0x1] =	wrdreg $0xFFFFFFFF  }
0xc2: {  	_ =	task.clear_ibuf [dreg:s7], $0x2FFFF;
	_ =	strace $0x9FFFFFFF  }
0xc3: {  	(tm) =	ssettm $0x7FFFFFFF  }
tec
execute0_lowered:
.L_overlay_start_1:
0x0: {  	(tag) =	ssettag $0x1  }
0x1: {  	s0 =	rddreg [dreg:$0x0]  }
0x2: {  	s1 =	rddreg [dreg:$0x1]  }
0x3: {  	s2 =	rddreg [dreg:$0x2];
	s3 =	simm.s32 $0x0;
	s4 =	srdreg.scid  }
0x4: {  	s28 =	simm.s32 $0x4200;
	s29 =	simm.s32 $0x8200;
	s30 =	simm.s32 $0x1  }
0x5: {  	s31 =	simm.s32 $0x2;
	[smem:$0x7FF] =	sst s3;
	s11 =	sand.u32 $0x1, s4  }
0x6: {  	s5 =	sadd.s32 $0x35C00, s0;
	s4 =	stileid.u32;
	s6 =	sadd.s32 $0xD2000, s0  }
0x7: {  	s7 =	sadd.s32 $0x32A00, s0;
	s8 =	sadd.s32 $0x1400, s0;
	s9 =	sadd.s32 $0x15000, s0  }
0x8: {  	s10 =	sadd.s32 $0x28C00, s0;
	s15 =	sadd.s32 $0x20A800, s0;
	s12 =	smul.u32 $0x290000, s11  }
0x9: {  	_ =	strace $0x80000047;
	s13 =	smul.u32 $0xA400, s4;
	s18 =	ssub.s32 $0x2, s11  }
0xa: {  	s14 =	smul.u32 $0x29000, s4;
	[dreg:$0x4] =	wrdreg s15;
	s21 =	sshll.u32 s4, $0x6  }
0xb: {  	s22 =	sshll.u32 s11, $0x4;
	s15 =	sshll.u32 s4, $0x7;
	s19 =	sshrl.u32 s18, $0x1  }
0xc: {  	s16 =	sshll.u32 s11, $0x7;
	s12 =	sadd.s32 s13, s12;
	s17 =	ssub.s32 s18, s19  }
0xd: {  	s20 =	sshrl.u32 s14, $0x2;
	s13 =	sadd.s32 s10, s22;
	s12 =	sshrl.u32 s12, $0x3  }
0xe: {  	s22 =	simm.s32 $0x4;
	s26 =	smax.u32 s17, $0x1;
	s0 =	sadd.s32 s12, s0  }
0xf: {  	s14 =	sadd.s32 s20, s2;
	[dreg:$0x9] =	wrdreg s26;
	s23 =	sadd.s32 $0x20BE00, s0  }
0x10: {  	s12 =	sor.u32 $0x1C04, s21;
	s24 =	sadd.s32 $0x220600, s0;
	[dreg:$0x5] =	wrdreg s23  }
0x11: {  	s21 =	sshrl.u32 s14, $0x3;
	s25 =	sadd.s32 $0x234E00, s0;
	[dreg:$0x6] =	wrdreg s24  }
0x12: {  	s26 =	simm.s32 $0x200;
	s0 =	sadd.s32 $0x249600, s0;
	[dreg:$0x7] =	wrdreg s25  }
0x13: {  	s14 =	simm.s32 $0xC200;
	[dreg:$0x8] =	wrdreg s0;
	s23 =	simm.s32 $0x80  }
0x14: {  	s24 =	simm.s32 $0x100;
	s25 =	simm.s32 $0x180;
	s0 =	simm.s32 $0x3  }
.LBB2_1:
0x15: {  	s11 =	rddreg [dreg:$0x4]  }
0x16: {  	[spmem:s21], [sflag:s12] =	dma.local [hbm:s11], $0x1480  }
0x17: {  	_ =	swait.ge [sflag:s22], $0x1480  }
0x18: {  	[sflag:s22] =	ssyncset.done $0x0  }
0x19: {  	[sflag:s22] =	ssyncadd.s32 $0xFFFFEB80  }
0x1a: {  	s17 =	simm.s32 $0x0;
	[bflag:$0x0] =	sbarrier.arrive $0xFFFF  }
.LBB2_2:
0x1b: {  	s11 =	sshll.u32 s17, $0x4  }
0x1c: {  	s11 =	sor.u32 s4, s11  }
0x1d: {  	s18 =	sshll.u32 s11, $0x4  }
0x1e: {  	s20 =	simm.s32 $0x0;
	s19 =	sadd.s32 s1, s18  }
0x1f: {  	[tilespmem:s20], [sflag:$0x4] =	stream.linear.gather [hbm4b:s19+s20], $0x80, $0x38;
	[tilespmem:$0x1A600] =	vst v63  }
0x20: {  	_ =	swait.ge [sflag:s22], $0x80  }
0x21: {  	[sflag:s22] =	ssyncset.done $0x0  }
0x22: {  	s19 =	sadd.s32 s8, s18;
	[sflag:s22] =	ssyncadd.s32 $0xFFFFFF80  }
0x23: {  	[tilespmem:s23], [sflag:$0x4] =	stream.linear.gather [hbm4b:s19+s20], $0x80, $0x38;
	[tilespmem:$0x1A600] =	vst v63  }
0x24: {  	_ =	swait.ge [sflag:s22], $0x80  }
0x25: {  	[sflag:s22] =	ssyncset.done $0x0  }
0x26: {  	s18 =	sadd.s32 s9, s18;
	[sflag:s22] =	ssyncadd.s32 $0xFFFFFF80  }
0x27: {  	[tilespmem:s24], [sflag:$0x4] =	stream.linear.gather [hbm4b:s18+s20], $0x80, $0x38;
	[tilespmem:$0x1A600] =	vst v63  }
0x28: {  	_ =	swait.ge [sflag:s22], $0x80  }
0x29: {  	s11 =	sshll.u32 s11, $0x5;
	[sflag:s22] =	ssyncset.done $0x0  }
0x2a: {  	s11 =	sadd.s32 s11, s13;
	[sflag:s22] =	ssyncadd.s32 $0xFFFFFF80  }
0x2b: {  	[tilespmem:s25], [sflag:$0x4] =	stream.linear.gather [hbm4b:s11+s20], $0x80, $0x38;
	[tilespmem:$0x1A600] =	vst v63  }
0x2c: {  	_ =	swait.ge [sflag:s22], $0x80  }
0x2d: {  	[sflag:s22] =	ssyncset.done $0x0  }
0x2e: {  	[sflag:s22] =	ssyncadd.s32 $0xFFFFFF80  }
0x2f: {  	[tilespmem:s26], [sflag:$0x1] =	stream.indirect.gather [hbm4b:s5+s23], $0x80, s20, s23, $0xb8;
	[tilespmem:$0x1A600] =	vst v63  }
0x30: {  	_ = 	snop  }
0x31: {  	[tilespmem:s28], [sflag:$0x2] =	stream.indirect.gather [hbm4b:s6+s23], $0x80, s23, s23, $0xb8;
	[tilespmem:$0x1A600] =	vst v63  }
0x32: {  	_ = 	snop  }
0x33: {  	[tilespmem:s29], [sflag:$0x3] =	stream.indirect.gather [hbm4b:s7+s23], $0x80, s24, s23, $0xb8;
	[tilespmem:$0x1A600] =	vst v63  }
0x34: {  	_ =	swait.ge [sflag:s30], $0x4000  }
0x35: {  	[sflag:s30] =	ssyncset.done $0x0  }
0x36: {  	[sflag:s30] =	ssyncadd.s32 $0xFFFFC000  }
0x37: {  	_ =	swait.ge [sflag:s31], $0x4000  }
0x38: {  	[sflag:s31] =	ssyncset.done $0x0  }
0x39: {  	[sflag:s31] =	ssyncadd.s32 $0xFFFFC000  }
0x3a: {  	_ =	swait.ge [sflag:s0], $0x4000  }
0x3b: {  	[sflag:s0] =	ssyncset.done $0x0  }
0x3c: {  	s18 =	simm.s32 $0x0;
	[sflag:s0] =	ssyncadd.s32 $0xFFFFC000  }
0x3d: {  	v0 =	vld [tilespmem:s18+$0x270]  }
0x3e: {  	v1 =	vld [tilespmem:s18+$0x8270]  }
0x3f: {  	v2 =	vld [tilespmem:s18+$0x240]  }
0x40: {  	v3 =	vld [tilespmem:s18+$0x4270]  }
0x41: {  	v4 =	vld [tilespmem:s18+$0x8240]  }
0x42: {  	v5 =	vld [tilespmem:s18+$0x250]  }
0x43: {  	v6 =	vld [tilespmem:s18+$0x8250];
	v0 =	vadd.f32 v1, v0  }
0x44: {  	v7 =	vld [tilespmem:s18+$0x260]  }
0x45: {  	v8 =	vld [tilespmem:s18+$0x8260];
	v0 =	vadd.f32 v3, v0  }
0x46: {  	v1 =	vld [tilespmem:s18+$0x4240]  }
0x47: {  	v9 =	vld [tilespmem:s18+$0x4250];
	v10 =	vmul.f32 $9.999999770e-03, v0  }
0x48: {  	v3 =	vld [tilespmem:s18+$0x4260]  }
0x49: {  	v11 =	vld [tilespmem:s18+$0x8200];
	v2 =	vadd.f32 v4, v2;
	v0 =	vmax.f32 v0, v10  }
0x4a: {  	v12 =	vld [tilespmem:s18+$0x210];
	v5 =	vadd.f32 v6, v5;
	v0 =	vmul.f32 $1.442695020e+00, v0  }
0x4b: {  	v4 =	vld [tilespmem:s18+$0x200];
	v6 =	vadd.f32 v8, v7;
	v1 =	vadd.f32 v1, v2  }
0x4c: {  	v8 =	vadd.f32 v9, v5;
	v9 =	vld [tilespmem:s18+$0x8210];
	(erf) = vpow2.f32 v0  }
0x4d: {  	v5 =	vld [tilespmem:s18+$0x230];
	v7 =	vmul.f32 $9.999999770e-03, v1;
	v10 =	vadd.f32 v3, v6  }
0x4e: {  	v2 =	vld [tilespmem:s18+$0x220];
	v3 =	vmul.f32 $9.999999770e-03, v8  }
0x4f: {  	v6 =	vld [tilespmem:s18+$0x8230];
	v1 =	vmax.f32 v1, v7;
	v13 =	vmul.f32 $9.999999770e-03, v10  }
0x50: {  	s19 =	simm.s32 $0x80;
	v0 =	vadd.f32 v11, v4;
	v7 =	vmul.f32 $1.442695020e+00, v1;
	v1 =	vmax.f32 v8, v3;
	v3 =	vld [tilespmem:s18+$0x8220]  }
0x51: {  	s20 =	simm.s32 $0x400;
	v4 =	vld [tilespmem:s19+$0x270];
	v8 =	vmul.f32 $1.442695020e+00, v1;
	v1 =	vadd.f32 v9, v12;
	v9 =	vmax.f32 v10, v13  }
.LBB2_3:
0x52: {  	p0 =	sne.s32 s20, $0xFE00;
	v10 =	vld [tilespmem:s19+$0x8270];
	v9 =	vmul.f32 $1.442695020e+00, v9;
	(erf) = vpow2.f32 v7  }
0x53: {  	v7 =	vld [tilespmem:s19+$0x240];
	(erf) = vpow2.f32 v8  }
0x54: {  	v8 =	vld [tilespmem:s19+$0x4270];
	v5 =	vadd.f32 v6, v5;
	(erf) = vpow2.f32 v9  }
0x55: {  	v6 =	vld [tilespmem:s19+$0x8240];
	v2 =	vadd.f32 v3, v2;
	v3 =	vpop (erf)  }
0x56: {  	v9 =	vld [tilespmem:s19+$0x250];
	[tilespmem:s18+$0xC230] =	vst v3;
	v3 =	vmul.f32 v3, v5  }
0x57: {  	v5 =	vld [tilespmem:s19+$0x8250];
	v4 =	vadd.f32 v10, v4  }
0x58: {  	v10 =	vld [tilespmem:s19+$0x260];
	[tilespmem:s18+$0xC270] =	vst v3  }
0x59: {  	v3 =	vld [tilespmem:s19+$0x8260];
	v4 =	vadd.f32 v8, v4  }
0x5a: {  	v6 =	vadd.f32 v6, v7;
	v7 =	vld [tilespmem:s19+$0x4240]  }
0x5b: {  	v8 =	vld [tilespmem:s19+$0x4250];
	v14 =	vmul.f32 $9.999999770e-03, v4;
	v12 =	vpop (erf)  }
0x5c: {  	v5 =	vadd.f32 v5, v9;
	v9 =	vld [tilespmem:s19+$0x4260];
	[tilespmem:s18+$0xC200] =	vst v12;
	v0 =	vmul.f32 v12, v0;
	v12 =	vpop (erf)  }
0x5d: {  	v13 =	vld [tilespmem:s19+$0x200];
	v4 =	vmax.f32 v4, v14;
	[tilespmem:s18+$0xC210] =	vst v12;
	v1 =	vmul.f32 v12, v1;
	v11 =	vpop (erf)  }
0x5e: {  	v12 =	vld [tilespmem:s19+$0x8200];
	v3 =	vadd.f32 v3, v10;
	v4 =	vmul.f32 $1.442695020e+00, v4;
	[tilespmem:s18+$0xC240] =	vst v0;
	v0 =	vmul.f32 v11, v2  }
0x5f: {  	v6 =	vadd.f32 v7, v6;
	v10 =	vld [tilespmem:s19+$0x210];
	[tilespmem:s18+$0xC250] =	vst v1  }
0x60: {  	v1 =	vadd.f32 v8, v5;
	v14 =	vld [tilespmem:s19+$0x8210];
	(erf) = vpow2.f32 v4;
	[tilespmem:s18+$0xC260] =	vst v0  }
.Ltmp0:
0x61: {  	v0 =	vmul.f32 $9.999999770e-03, v6;
	v9 =	vadd.f32 v9, v3;
	v2 =	vld [tilespmem:s19+$0x220];
	[tilespmem:s18+$0xC220] =	vst v11;
	s18 =	smov.u32 s19;
	(pc) =	sbr.rel @p0 .LBB2_3-.Ltmp0, $4  }
0x62: {  	v3 =	vmul.f32 $9.999999770e-03, v1;
	v5 =	vld [tilespmem:s18+$0x230]  }
0x63: {  	v4 =	vmax.f32 v6, v0;
	v0 =	vadd.f32 v12, v13;
	v11 =	vmul.f32 $9.999999770e-03, v9;
	v6 =	vld [tilespmem:s18+$0x8230]  }
0x64: {  	s19 =	sshra.s32 s20, $0x2;
	v7 =	vmul.f32 $1.442695020e+00, v4;
	v1 =	vmax.f32 v1, v3;
	v3 =	vld [tilespmem:s18+$0x8220]  }
0x65: {  	s20 =	sadd.s32 $0x200, s20;
	v4 =	vld [tilespmem:s19+$0x270];
	v8 =	vmul.f32 $1.442695020e+00, v1;
	v1 =	vadd.f32 v14, v10;
	v9 =	vmax.f32 v9, v11  }
0x66: {  	v10 =	vld [tilespmem:s19+$0x8270]  }
0x67: {  	v11 =	vld [tilespmem:s19+$0x240]  }
0x68: {  	v12 =	vld [tilespmem:s19+$0x4270];
	(erf) = vpow2.f32 v7;
	v37 =	vmul.f32 $1.442695020e+00, v9;
	v5 =	vadd.f32 v6, v5  }
0x69: {  	v34 =	vld [tilespmem:s19+$0x8240];
	(erf) = vpow2.f32 v8;
	v35 =	vpop (erf)  }
0x6a: {  	v13 =	vld [tilespmem:s19+$0x250];
	(erf) = vpow2.f32 v37;
	[tilespmem:s18+$0xC230] =	vst v35;
	v5 =	vmul.f32 v35, v5  }
0x6b: {  	v36 =	vld [tilespmem:s19+$0x8250]  }
0x6c: {  	v38 =	vld [tilespmem:s19+$0x260];
	[tilespmem:s18+$0xC270] =	vst v5  }
0x6d: {  	v4 =	vadd.f32 v10, v4;
	v5 =	vld [tilespmem:s19+$0x8260]  }
0x6e: {  	v39 =	vld [tilespmem:s19+$0x4240]  }
0x6f: {  	v14 =	vld [tilespmem:s19+$0x4250];
	v4 =	vadd.f32 v12, v4;
	_ =	sdelay $0x1  }
0x70: {  	v41 =	vadd.f32 v34, v11;
	v16 =	vld [tilespmem:s19+$0x4260];
	v15 =	vpop (erf);
	v43 =	vmul.f32 $9.999999770e-03, v4  }
0x71: {  	v2 =	vadd.f32 v3, v2;
	v40 =	vpop (erf);
	v0 =	vmul.f32 v15, v0;
	v6 =	vadd.f32 v36, v13  }
0x72: {  	[tilespmem:s18+$0xC200] =	vst v15;
	v1 =	vmul.f32 v40, v1;
	v44 =	vpop (erf);
	v4 =	vmax.f32 v4, v43;
	v3 =	vadd.f32 v39, v41  }
0x73: {  	v17 =	vld [tilespmem:s19+$0x200];
	[tilespmem:s18+$0xC210] =	vst v40;
	v5 =	vadd.f32 v5, v38;
	v2 =	vmul.f32 v44, v2;
	v46 =	vadd.f32 v14, v6  }
0x74: {  	v42 =	vld [tilespmem:s19+$0x8200];
	[tilespmem:s18+$0xC240] =	vst v0;
	v4 =	vmul.f32 $1.442695020e+00, v4;
	v48 =	vmul.f32 $9.999999770e-03, v3  }
0x75: {  	v45 =	vld [tilespmem:s19+$0x210];
	[tilespmem:s18+$0xC250] =	vst v1;
	v5 =	vadd.f32 v16, v5;
	v49 =	vmul.f32 $9.999999770e-03, v46  }
0x76: {  	v47 =	vld [tilespmem:s19+$0x8210];
	[tilespmem:s18+$0xC260] =	vst v2;
	(erf) = vpow2.f32 v4;
	v3 =	vmax.f32 v3, v48  }
0x77: {  	v50 =	vld [tilespmem:s19+$0x220];
	[tilespmem:s18+$0xC220] =	vst v44;
	v51 =	vmul.f32 $9.999999770e-03, v5;
	v1 =	vmax.f32 v46, v49;
	v52 =	vmul.f32 $1.442695020e+00, v3  }
0x78: {  	v53 =	vld [tilespmem:s19+$0x230];
	v1 =	vmul.f32 $1.442695020e+00, v1  }
0x79: {  	v55 =	vld [tilespmem:s19+$0x8230];
	v54 =	vmax.f32 v5, v51;
	(erf) = vpow2.f32 v52  }
0x7a: {  	v3 =	vmul.f32 $1.442695020e+00, v54;
	(erf) = vpow2.f32 v1;
	_ =	sdelay $0x1  }
0x7b: {  	(erf) = vpow2.f32 v3;
	_ =	sdelay $0x1  }
0x7c: {  	v57 =	vadd.f32 v55, v53  }
0x7d: {  	v56 =	vld [tilespmem:s19+$0x8220];
	v58 =	vpop (erf)  }
0x7e: {  	v1 =	vmul.f32 v58, v57  }
0x7f: {  	v59 =	vadd.f32 v42, v17;
	[tilespmem:s19+$0xC230] =	vst v58  }
0x80: {  	[tilespmem:s19+$0xC270] =	vst v1;
	v61 =	vpop (erf)  }
0x81: {  	v60 =	vadd.f32 v47, v45;
	[tilespmem:s19+$0xC200] =	vst v61;
	v1 =	vmul.f32 v61, v59;
	v62 =	vpop (erf)  }
0x82: {  	v0 =	vadd.f32 v56, v50;
	[tilespmem:s19+$0xC210] =	vst v62  }
0x83: {  	v2 =	vmul.f32 v62, v60;
	v63 =	vpop (erf);
	[tilespmem:s19+$0xC240] =	vst v1  }
0x84: {  	s17 =	sadd.s32 $0x1, s17;
	v0 =	vmul.f32 v63, v0;
	[tilespmem:s19+$0xC220] =	vst v63  }
0x85: {  	p0 =	sne.s32 s17, $0x4F;
	[tilespmem:s19+$0xC250] =	vst v2  }
.Ltmp1:
0x86: {  	[tilespmem:s19+$0xC260] =	vst v0;
	(pc) =	sbr.rel @p0 .LBB2_2-.Ltmp1, $4  }
0x87: {  	[spmem:s2] =	stream.indirect.scatter.add.f32 [tilespmem:s14], [sflag:$0x4], $0x80, s25, s23, $0xb8;
	[tilespmem:$0x1A600] =	vst v63  }
0x88: {  	_ =	swait.ge [sflag:s22], $0x4000  }
0x89: {  	[sflag:s22] =	ssyncset.done $0x0  }
0x8a: {  	[sflag:s22] =	ssyncadd.s32 $0xFFFFC000  }
0x8b: {  	[bflag:$0x0] =	sbarrier.arrive $0xFFFF  }
0x8c: {  	s11 =	rddreg [dreg:$0x5]  }
0x8d: {  	[hbm:s11], [sflag:s12] =	dma.local [spmem:s21], $0x1480  }
0x8e: {  	_ =	swait.ge [sflag:s22], $0x1480  }
0x8f: {  	[sflag:s22] =	ssyncset.done $0x0  }
0x90: {  	[sflag:s22] =	ssyncadd.s32 $0xFFFFEB80  }
0x91: {  	[bflag:$0x0] =	sbarrier.arrive $0xFFFF  }
0x92: {  	s20 =	rddreg [dreg:$0x4]  }
0x93: {  	[spmem:s21], [sflag:s12] =	dma.local [hbm:s20], $0x1480  }
0x94: {  	_ =	swait.ge [sflag:s22], $0x1480  }
0x95: {  	[sflag:s22] =	ssyncset.done $0x0  }
0x96: {  	[sflag:s22] =	ssyncadd.s32 $0xFFFFEB80  }
0x97: {  	s17 =	simm.s32 $0x0;
	s18 =	simm.s32 $0x0;
	[bflag:$0x0] =	sbarrier.arrive $0xFFFF  }
.LBB2_6:
0x98: {  	s11 =	sshll.u32 s18, $0xB  }
0x99: {  	s11 =	sor.u32 s15, s11  }
0x9a: {  	s19 =	sshrl.u32 s11, $0x3  }
0x9b: {  	s19 =	sadd.s32 $0x4F00, s19  }
0x9c: {  	s20 =	sadd.s32 s1, s19  }
0x9d: {  	[tilespmem:s17], [sflag:$0x4] =	stream.linear.gather [hbm4b:s20+s17], $0x80, $0x38;
	[tilespmem:$0x1A600] =	vst v63  }
0x9e: {  	_ =	swait.ge [sflag:s22], $0x80  }
0x9f: {  	[sflag:s22] =	ssyncset.done $0x0  }
0xa0: {  	s20 =	sadd.s32 s8, s19;
	[sflag:s22] =	ssyncadd.s32 $0xFFFFFF80  }
0xa1: {  	[tilespmem:s23], [sflag:$0x4] =	stream.linear.gather [hbm4b:s20+s17], $0x80, $0x38;
	[tilespmem:$0x1A600] =	vst v63  }
0xa2: {  	_ =	swait.ge [sflag:s22], $0x80  }
0xa3: {  	[sflag:s22] =	ssyncset.done $0x0  }
0xa4: {  	s11 =	sshll.u32 s11, $0x1;
	s19 =	sadd.s32 s9, s19;
	[sflag:s22] =	ssyncadd.s32 $0xFFFFFF80  }
0xa5: {  	[tilespmem:s24], [sflag:$0x4] =	stream.linear.gather [hbm4b:s19+s17], $0x80, $0x38;
	[tilespmem:$0x1A600] =	vst v63  }
0xa6: {  	s11 =	sor.u32 s16, s11;
	_ =	swait.ge [sflag:s22], $0x80  }
0xa7: {  	s11 =	sshrl.u32 s11, $0x3;
	[sflag:s22] =	ssyncset.done $0x0  }
0xa8: {  	s11 =	sadd.s32 s10, s11;
	[sflag:s22] =	ssyncadd.s32 $0xFFFFFF80  }
0xa9: {  	[tilespmem:s25], [sflag:$0x4] =	stream.linear.gather [hbm4b:s11+s17], $0x80, $0x38;
	[tilespmem:$0x1A600] =	vst v63  }
0xaa: {  	_ =	swait.ge [sflag:s22], $0x80  }
0xab: {  	[sflag:s22] =	ssyncset.done $0x0  }
0xac: {  	[sflag:s22] =	ssyncadd.s32 $0xFFFFFF80  }
0xad: {  	[tilespmem:s26], [sflag:$0x1] =	stream.indirect.gather [hbm4b:s5+s23], $0x80, s17, s23, $0xb8;
	[tilespmem:$0x1A600] =	vst v63  }
0xae: {  	_ = 	snop  }
0xaf: {  	[tilespmem:s28], [sflag:$0x2] =	stream.indirect.gather [hbm4b:s6+s23], $0x80, s23, s23, $0xb8;
	[tilespmem:$0x1A600] =	vst v63  }
0xb0: {  	_ = 	snop  }
0xb1: {  	[tilespmem:s29], [sflag:$0x3] =	stream.indirect.gather [hbm4b:s7+s23], $0x80, s24, s23, $0xb8;
	[tilespmem:$0x1A600] =	vst v63  }
0xb2: {  	_ =	swait.ge [sflag:s30], $0x4000  }
0xb3: {  	[sflag:s30] =	ssyncset.done $0x0  }
0xb4: {  	[sflag:s30] =	ssyncadd.s32 $0xFFFFC000  }
0xb5: {  	_ =	swait.ge [sflag:s31], $0x4000  }
0xb6: {  	[sflag:s31] =	ssyncset.done $0x0  }
0xb7: {  	[sflag:s31] =	ssyncadd.s32 $0xFFFFC000  }
0xb8: {  	_ =	swait.ge [sflag:s0], $0x4000  }
0xb9: {  	[sflag:s0] =	ssyncset.done $0x0  }
0xba: {  	s19 =	simm.s32 $0x0;
	[sflag:s0] =	ssyncadd.s32 $0xFFFFC000  }
0xbb: {  	v0 =	vld [tilespmem:s19+$0x270]  }
0xbc: {  	v1 =	vld [tilespmem:s19+$0x8270]  }
0xbd: {  	v2 =	vld [tilespmem:s19+$0x240]  }
0xbe: {  	v3 =	vld [tilespmem:s19+$0x4270]  }
0xbf: {  	v4 =	vld [tilespmem:s19+$0x8240]  }
0xc0: {  	v5 =	vld [tilespmem:s19+$0x250]  }
0xc1: {  	v6 =	vld [tilespmem:s19+$0x8250];
	v0 =	vadd.f32 v1, v0  }
0xc2: {  	v7 =	vld [tilespmem:s19+$0x260]  }
0xc3: {  	v8 =	vld [tilespmem:s19+$0x8260];
	v0 =	vadd.f32 v3, v0  }
0xc4: {  	v1 =	vld [tilespmem:s19+$0x4240]  }
0xc5: {  	v9 =	vld [tilespmem:s19+$0x4250];
	v10 =	vmul.f32 $9.999999770e-03, v0  }
0xc6: {  	v3 =	vld [tilespmem:s19+$0x4260]  }
0xc7: {  	v11 =	vld [tilespmem:s19+$0x8200];
	v2 =	vadd.f32 v4, v2;
	v0 =	vmax.f32 v0, v10  }
0xc8: {  	v12 =	vld [tilespmem:s19+$0x210];
	v5 =	vadd.f32 v6, v5;
	v0 =	vmul.f32 $1.442695020e+00, v0  }
0xc9: {  	v4 =	vld [tilespmem:s19+$0x200];
	v6 =	vadd.f32 v8, v7;
	v1 =	vadd.f32 v1, v2  }
0xca: {  	v8 =	vadd.f32 v9, v5;
	v9 =	vld [tilespmem:s19+$0x8210];
	(erf) = vpow2.f32 v0  }
0xcb: {  	v5 =	vld [tilespmem:s19+$0x230];
	v7 =	vmul.f32 $9.999999770e-03, v1;
	v10 =	vadd.f32 v3, v6  }
0xcc: {  	v2 =	vld [tilespmem:s19+$0x220];
	v3 =	vmul.f32 $9.999999770e-03, v8  }
0xcd: {  	v6 =	vld [tilespmem:s19+$0x8230];
	v1 =	vmax.f32 v1, v7;
	v13 =	vmul.f32 $9.999999770e-03, v10  }
0xce: {  	s20 =	simm.s32 $0x80;
	v0 =	vadd.f32 v11, v4;
	v7 =	vmul.f32 $1.442695020e+00, v1;
	v1 =	vmax.f32 v8, v3;
	v3 =	vld [tilespmem:s19+$0x8220]  }
0xcf: {  	s11 =	simm.s32 $0x400;
	v4 =	vld [tilespmem:s20+$0x270];
	v8 =	vmul.f32 $1.442695020e+00, v1;
	v1 =	vadd.f32 v9, v12;
	v9 =	vmax.f32 v10, v13  }
.LBB2_7:
0xd0: {  	p0 =	sne.s32 s11, $0xFE00;
	v10 =	vld [tilespmem:s20+$0x8270];
	v9 =	vmul.f32 $1.442695020e+00, v9;
	(erf) = vpow2.f32 v7  }
0xd1: {  	v7 =	vld [tilespmem:s20+$0x240];
	(erf) = vpow2.f32 v8  }
0xd2: {  	v8 =	vld [tilespmem:s20+$0x4270];
	v5 =	vadd.f32 v6, v5;
	(erf) = vpow2.f32 v9  }
0xd3: {  	v6 =	vld [tilespmem:s20+$0x8240];
	v2 =	vadd.f32 v3, v2;
	v3 =	vpop (erf)  }
0xd4: {  	v9 =	vld [tilespmem:s20+$0x250];
	[tilespmem:s19+$0xC230] =	vst v3;
	v3 =	vmul.f32 v3, v5  }
0xd5: {  	v5 =	vld [tilespmem:s20+$0x8250];
	v4 =	vadd.f32 v10, v4  }
0xd6: {  	v10 =	vld [tilespmem:s20+$0x260];
	[tilespmem:s19+$0xC270] =	vst v3  }
0xd7: {  	v3 =	vld [tilespmem:s20+$0x8260];
	v4 =	vadd.f32 v8, v4  }
0xd8: {  	v6 =	vadd.f32 v6, v7;
	v7 =	vld [tilespmem:s20+$0x4240]  }
0xd9: {  	v8 =	vld [tilespmem:s20+$0x4250];
	v14 =	vmul.f32 $9.999999770e-03, v4;
	v12 =	vpop (erf)  }
0xda: {  	v5 =	vadd.f32 v5, v9;
	v9 =	vld [tilespmem:s20+$0x4260];
	[tilespmem:s19+$0xC200] =	vst v12;
	v0 =	vmul.f32 v12, v0;
	v12 =	vpop (erf)  }
0xdb: {  	v13 =	vld [tilespmem:s20+$0x200];
	v4 =	vmax.f32 v4, v14;
	[tilespmem:s19+$0xC210] =	vst v12;
	v1 =	vmul.f32 v12, v1;
	v11 =	vpop (erf)  }
0xdc: {  	v12 =	vld [tilespmem:s20+$0x8200];
	v3 =	vadd.f32 v3, v10;
	v4 =	vmul.f32 $1.442695020e+00, v4;
	[tilespmem:s19+$0xC240] =	vst v0;
	v0 =	vmul.f32 v11, v2  }
0xdd: {  	v6 =	vadd.f32 v7, v6;
	v10 =	vld [tilespmem:s20+$0x210];
	[tilespmem:s19+$0xC250] =	vst v1  }
0xde: {  	v1 =	vadd.f32 v8, v5;
	v14 =	vld [tilespmem:s20+$0x8210];
	(erf) = vpow2.f32 v4;
	[tilespmem:s19+$0xC260] =	vst v0  }
.Ltmp2:
0xdf: {  	v0 =	vmul.f32 $9.999999770e-03, v6;
	v9 =	vadd.f32 v9, v3;
	v2 =	vld [tilespmem:s20+$0x220];
	[tilespmem:s19+$0xC220] =	vst v11;
	s19 =	smov.u32 s20;
	(pc) =	sbr.rel @p0 .LBB2_7-.Ltmp2, $4  }
0xe0: {  	v3 =	vmul.f32 $9.999999770e-03, v1;
	v5 =	vld [tilespmem:s19+$0x230]  }
0xe1: {  	v4 =	vmax.f32 v6, v0;
	v0 =	vadd.f32 v12, v13;
	v11 =	vmul.f32 $9.999999770e-03, v9;
	v6 =	vld [tilespmem:s19+$0x8230]  }
0xe2: {  	s20 =	sshra.s32 s11, $0x2;
	v7 =	vmul.f32 $1.442695020e+00, v4;
	v1 =	vmax.f32 v1, v3;
	v3 =	vld [tilespmem:s19+$0x8220]  }
0xe3: {  	s11 =	sadd.s32 $0x200, s11;
	v4 =	vld [tilespmem:s20+$0x270];
	v8 =	vmul.f32 $1.442695020e+00, v1;
	v1 =	vadd.f32 v14, v10;
	v9 =	vmax.f32 v9, v11  }
0xe4: {  	v10 =	vld [tilespmem:s20+$0x8270]  }
0xe5: {  	v11 =	vld [tilespmem:s20+$0x240]  }
0xe6: {  	v12 =	vld [tilespmem:s20+$0x4270];
	(erf) = vpow2.f32 v7;
	v37 =	vmul.f32 $1.442695020e+00, v9;
	v5 =	vadd.f32 v6, v5  }
0xe7: {  	v34 =	vld [tilespmem:s20+$0x8240];
	(erf) = vpow2.f32 v8;
	v35 =	vpop (erf)  }
0xe8: {  	v13 =	vld [tilespmem:s20+$0x250];
	(erf) = vpow2.f32 v37;
	[tilespmem:s19+$0xC230] =	vst v35;
	v5 =	vmul.f32 v35, v5  }
0xe9: {  	v36 =	vld [tilespmem:s20+$0x8250]  }
0xea: {  	v38 =	vld [tilespmem:s20+$0x260];
	[tilespmem:s19+$0xC270] =	vst v5  }
0xeb: {  	v4 =	vadd.f32 v10, v4;
	v5 =	vld [tilespmem:s20+$0x8260]  }
0xec: {  	v39 =	vld [tilespmem:s20+$0x4240]  }
0xed: {  	v14 =	vld [tilespmem:s20+$0x4250];
	v4 =	vadd.f32 v12, v4;
	_ =	sdelay $0x1  }
0xee: {  	v41 =	vadd.f32 v34, v11;
	v16 =	vld [tilespmem:s20+$0x4260];
	v15 =	vpop (erf);
	v43 =	vmul.f32 $9.999999770e-03, v4  }
0xef: {  	v2 =	vadd.f32 v3, v2;
	v40 =	vpop (erf);
	v0 =	vmul.f32 v15, v0;
	v6 =	vadd.f32 v36, v13  }
0xf0: {  	[tilespmem:s19+$0xC200] =	vst v15;
	v1 =	vmul.f32 v40, v1;
	v44 =	vpop (erf);
	v4 =	vmax.f32 v4, v43;
	v3 =	vadd.f32 v39, v41  }
0xf1: {  	v17 =	vld [tilespmem:s20+$0x200];
	[tilespmem:s19+$0xC210] =	vst v40;
	v5 =	vadd.f32 v5, v38;
	v2 =	vmul.f32 v44, v2;
	v46 =	vadd.f32 v14, v6  }
0xf2: {  	v42 =	vld [tilespmem:s20+$0x8200];
	[tilespmem:s19+$0xC240] =	vst v0;
	v4 =	vmul.f32 $1.442695020e+00, v4;
	v48 =	vmul.f32 $9.999999770e-03, v3  }
0xf3: {  	v45 =	vld [tilespmem:s20+$0x210];
	[tilespmem:s19+$0xC250] =	vst v1;
	v5 =	vadd.f32 v16, v5;
	v49 =	vmul.f32 $9.999999770e-03, v46  }
0xf4: {  	v47 =	vld [tilespmem:s20+$0x8210];
	[tilespmem:s19+$0xC260] =	vst v2;
	(erf) = vpow2.f32 v4;
	v3 =	vmax.f32 v3, v48  }
0xf5: {  	v50 =	vld [tilespmem:s20+$0x220];
	[tilespmem:s19+$0xC220] =	vst v44;
	v51 =	vmul.f32 $9.999999770e-03, v5;
	v1 =	vmax.f32 v46, v49;
	v52 =	vmul.f32 $1.442695020e+00, v3  }
0xf6: {  	v53 =	vld [tilespmem:s20+$0x230];
	v1 =	vmul.f32 $1.442695020e+00, v1  }
0xf7: {  	v55 =	vld [tilespmem:s20+$0x8230];
	v54 =	vmax.f32 v5, v51;
	(erf) = vpow2.f32 v52  }
0xf8: {  	v3 =	vmul.f32 $1.442695020e+00, v54;
	(erf) = vpow2.f32 v1;
	_ =	sdelay $0x1  }
0xf9: {  	(erf) = vpow2.f32 v3;
	_ =	sdelay $0x1  }
0xfa: {  	v57 =	vadd.f32 v55, v53  }
0xfb: {  	v56 =	vld [tilespmem:s20+$0x8220];
	v58 =	vpop (erf)  }
0xfc: {  	v1 =	vmul.f32 v58, v57  }
0xfd: {  	v59 =	vadd.f32 v42, v17;
	[tilespmem:s20+$0xC230] =	vst v58  }
0xfe: {  	[tilespmem:s20+$0xC270] =	vst v1;
	v61 =	vpop (erf)  }
0xff: {  	v60 =	vadd.f32 v47, v45;
	[tilespmem:s20+$0xC200] =	vst v61;
	v1 =	vmul.f32 v61, v59;
	v62 =	vpop (erf)  }
0x100: {  	v0 =	vadd.f32 v56, v50;
	[tilespmem:s20+$0xC210] =	vst v62  }
0x101: {  	v2 =	vmul.f32 v62, v60;
	v63 =	vpop (erf);
	[tilespmem:s20+$0xC240] =	vst v1  }
0x102: {  	s18 =	sadd.s32 $0x1, s18;
	v0 =	vmul.f32 v63, v0;
	[tilespmem:s20+$0xC220] =	vst v63  }
0x103: {  	p0 =	sne.s32 s18, $0x4F;
	[tilespmem:s20+$0xC250] =	vst v2  }
.Ltmp3:
0x104: {  	[tilespmem:s20+$0xC260] =	vst v0;
	(pc) =	sbr.rel @p0 .LBB2_6-.Ltmp3, $4  }
0x105: {  	[spmem:s2] =	stream.indirect.scatter.add.f32 [tilespmem:s14], [sflag:$0x4], $0x80, s25, s23, $0xb8;
	[tilespmem:$0x1A600] =	vst v63  }
0x106: {  	_ =	swait.ge [sflag:s22], $0x4000  }
0x107: {  	[sflag:s22] =	ssyncset.done $0x0  }
0x108: {  	[sflag:s22] =	ssyncadd.s32 $0xFFFFC000  }
0x109: {  	[bflag:$0x0] =	sbarrier.arrive $0xFFFF  }
0x10a: {  	s11 =	rddreg [dreg:$0x6]  }
0x10b: {  	[hbm:s11], [sflag:s12] =	dma.local [spmem:s21], $0x1480  }
0x10c: {  	_ =	swait.ge [sflag:s22], $0x1480  }
0x10d: {  	[sflag:s22] =	ssyncset.done $0x0  }
0x10e: {  	[sflag:s22] =	ssyncadd.s32 $0xFFFFEB80  }
0x10f: {  	[bflag:$0x0] =	sbarrier.arrive $0xFFFF  }
0x110: {  	s20 =	rddreg [dreg:$0x4]  }
0x111: {  	[spmem:s21], [sflag:s12] =	dma.local [hbm:s20], $0x1480  }
0x112: {  	_ =	swait.ge [sflag:s22], $0x1480  }
0x113: {  	[sflag:s22] =	ssyncset.done $0x0  }
0x114: {  	[sflag:s22] =	ssyncadd.s32 $0xFFFFEB80  }
0x115: {  	s17 =	simm.s32 $0x0;
	s18 =	simm.s32 $0x0;
	[bflag:$0x0] =	sbarrier.arrive $0xFFFF  }
.LBB2_10:
0x116: {  	s11 =	sshll.u32 s18, $0xB  }
0x117: {  	s11 =	sor.u32 s15, s11  }
0x118: {  	s19 =	sshrl.u32 s11, $0x3  }
0x119: {  	s19 =	sadd.s32 $0x9E00, s19  }
0x11a: {  	s20 =	sadd.s32 s1, s19  }
0x11b: {  	[tilespmem:s17], [sflag:$0x4] =	stream.linear.gather [hbm4b:s20+s17], $0x80, $0x38;
	[tilespmem:$0x1A600] =	vst v63  }
0x11c: {  	_ =	swait.ge [sflag:s22], $0x80  }
0x11d: {  	[sflag:s22] =	ssyncset.done $0x0  }
0x11e: {  	s20 =	sadd.s32 s8, s19;
	[sflag:s22] =	ssyncadd.s32 $0xFFFFFF80  }
0x11f: {  	[tilespmem:s23], [sflag:$0x4] =	stream.linear.gather [hbm4b:s20+s17], $0x80, $0x38;
	[tilespmem:$0x1A600] =	vst v63  }
0x120: {  	_ =	swait.ge [sflag:s22], $0x80  }
0x121: {  	[sflag:s22] =	ssyncset.done $0x0  }
0x122: {  	s11 =	sshll.u32 s11, $0x1;
	s19 =	sadd.s32 s9, s19;
	[sflag:s22] =	ssyncadd.s32 $0xFFFFFF80  }
0x123: {  	[tilespmem:s24], [sflag:$0x4] =	stream.linear.gather [hbm4b:s19+s17], $0x80, $0x38;
	[tilespmem:$0x1A600] =	vst v63  }
0x124: {  	s11 =	sor.u32 s16, s11;
	_ =	swait.ge [sflag:s22], $0x80  }
0x125: {  	s11 =	sshrl.u32 s11, $0x3;
	[sflag:s22] =	ssyncset.done $0x0  }
0x126: {  	s11 =	sadd.s32 s10, s11;
	[sflag:s22] =	ssyncadd.s32 $0xFFFFFF80  }
0x127: {  	[tilespmem:s25], [sflag:$0x4] =	stream.linear.gather [hbm4b:s11+s17], $0x80, $0x38;
	[tilespmem:$0x1A600] =	vst v63  }
0x128: {  	_ =	swait.ge [sflag:s22], $0x80  }
0x129: {  	[sflag:s22] =	ssyncset.done $0x0  }
0x12a: {  	[sflag:s22] =	ssyncadd.s32 $0xFFFFFF80  }
0x12b: {  	[tilespmem:s26], [sflag:$0x1] =	stream.indirect.gather [hbm4b:s5+s23], $0x80, s17, s23, $0xb8;
	[tilespmem:$0x1A600] =	vst v63  }
0x12c: {  	_ = 	snop  }
0x12d: {  	[tilespmem:s28], [sflag:$0x2] =	stream.indirect.gather [hbm4b:s6+s23], $0x80, s23, s23, $0xb8;
	[tilespmem:$0x1A600] =	vst v63  }
0x12e: {  	_ = 	snop  }
0x12f: {  	[tilespmem:s29], [sflag:$0x3] =	stream.indirect.gather [hbm4b:s7+s23], $0x80, s24, s23, $0xb8;
	[tilespmem:$0x1A600] =	vst v63  }
0x130: {  	_ =	swait.ge [sflag:s30], $0x4000  }
0x131: {  	[sflag:s30] =	ssyncset.done $0x0  }
0x132: {  	[sflag:s30] =	ssyncadd.s32 $0xFFFFC000  }
0x133: {  	_ =	swait.ge [sflag:s31], $0x4000  }
0x134: {  	[sflag:s31] =	ssyncset.done $0x0  }
0x135: {  	[sflag:s31] =	ssyncadd.s32 $0xFFFFC000  }
0x136: {  	_ =	swait.ge [sflag:s0], $0x4000  }
0x137: {  	[sflag:s0] =	ssyncset.done $0x0  }
0x138: {  	s19 =	simm.s32 $0x0;
	[sflag:s0] =	ssyncadd.s32 $0xFFFFC000  }
0x139: {  	v0 =	vld [tilespmem:s19+$0x270]  }
0x13a: {  	v1 =	vld [tilespmem:s19+$0x8270]  }
0x13b: {  	v2 =	vld [tilespmem:s19+$0x240]  }
0x13c: {  	v3 =	vld [tilespmem:s19+$0x4270]  }
0x13d: {  	v4 =	vld [tilespmem:s19+$0x8240]  }
0x13e: {  	v5 =	vld [tilespmem:s19+$0x250]  }
0x13f: {  	v6 =	vld [tilespmem:s19+$0x8250];
	v0 =	vadd.f32 v1, v0  }
0x140: {  	v7 =	vld [tilespmem:s19+$0x260]  }
0x141: {  	v8 =	vld [tilespmem:s19+$0x8260];
	v0 =	vadd.f32 v3, v0  }
0x142: {  	v1 =	vld [tilespmem:s19+$0x4240]  }
0x143: {  	v9 =	vld [tilespmem:s19+$0x4250];
	v10 =	vmul.f32 $9.999999770e-03, v0  }
0x144: {  	v3 =	vld [tilespmem:s19+$0x4260]  }
0x145: {  	v11 =	vld [tilespmem:s19+$0x8200];
	v2 =	vadd.f32 v4, v2;
	v0 =	vmax.f32 v0, v10  }
0x146: {  	v12 =	vld [tilespmem:s19+$0x210];
	v5 =	vadd.f32 v6, v5;
	v0 =	vmul.f32 $1.442695020e+00, v0  }
0x147: {  	v4 =	vld [tilespmem:s19+$0x200];
	v6 =	vadd.f32 v8, v7;
	v1 =	vadd.f32 v1, v2  }
0x148: {  	v8 =	vadd.f32 v9, v5;
	v9 =	vld [tilespmem:s19+$0x8210];
	(erf) = vpow2.f32 v0  }
0x149: {  	v5 =	vld [tilespmem:s19+$0x230];
	v7 =	vmul.f32 $9.999999770e-03, v1;
	v10 =	vadd.f32 v3, v6  }
0x14a: {  	v2 =	vld [tilespmem:s19+$0x220];
	v3 =	vmul.f32 $9.999999770e-03, v8  }
0x14b: {  	v6 =	vld [tilespmem:s19+$0x8230];
	v1 =	vmax.f32 v1, v7;
	v13 =	vmul.f32 $9.999999770e-03, v10  }
0x14c: {  	s20 =	simm.s32 $0x80;
	v0 =	vadd.f32 v11, v4;
	v7 =	vmul.f32 $1.442695020e+00, v1;
	v1 =	vmax.f32 v8, v3;
	v3 =	vld [tilespmem:s19+$0x8220]  }
0x14d: {  	s11 =	simm.s32 $0x400;
	v4 =	vld [tilespmem:s20+$0x270];
	v8 =	vmul.f32 $1.442695020e+00, v1;
	v1 =	vadd.f32 v9, v12;
	v9 =	vmax.f32 v10, v13  }
.LBB2_11:
0x14e: {  	p0 =	sne.s32 s11, $0xFE00;
	v10 =	vld [tilespmem:s20+$0x8270];
	v9 =	vmul.f32 $1.442695020e+00, v9;
	(erf) = vpow2.f32 v7  }
0x14f: {  	v7 =	vld [tilespmem:s20+$0x240];
	(erf) = vpow2.f32 v8  }
0x150: {  	v8 =	vld [tilespmem:s20+$0x4270];
	v5 =	vadd.f32 v6, v5;
	(erf) = vpow2.f32 v9  }
0x151: {  	v6 =	vld [tilespmem:s20+$0x8240];
	v2 =	vadd.f32 v3, v2;
	v3 =	vpop (erf)  }
0x152: {  	v9 =	vld [tilespmem:s20+$0x250];
	[tilespmem:s19+$0xC230] =	vst v3;
	v3 =	vmul.f32 v3, v5  }
0x153: {  	v5 =	vld [tilespmem:s20+$0x8250];
	v4 =	vadd.f32 v10, v4  }
0x154: {  	v10 =	vld [tilespmem:s20+$0x260];
	[tilespmem:s19+$0xC270] =	vst v3  }
0x155: {  	v3 =	vld [tilespmem:s20+$0x8260];
	v4 =	vadd.f32 v8, v4  }
0x156: {  	v6 =	vadd.f32 v6, v7;
	v7 =	vld [tilespmem:s20+$0x4240]  }
0x157: {  	v8 =	vld [tilespmem:s20+$0x4250];
	v14 =	vmul.f32 $9.999999770e-03, v4;
	v12 =	vpop (erf)  }
0x158: {  	v5 =	vadd.f32 v5, v9;
	v9 =	vld [tilespmem:s20+$0x4260];
	[tilespmem:s19+$0xC200] =	vst v12;
	v0 =	vmul.f32 v12, v0;
	v12 =	vpop (erf)  }
0x159: {  	v13 =	vld [tilespmem:s20+$0x200];
	v4 =	vmax.f32 v4, v14;
	[tilespmem:s19+$0xC210] =	vst v12;
	v1 =	vmul.f32 v12, v1;
	v11 =	vpop (erf)  }
0x15a: {  	v12 =	vld [tilespmem:s20+$0x8200];
	v3 =	vadd.f32 v3, v10;
	v4 =	vmul.f32 $1.442695020e+00, v4;
	[tilespmem:s19+$0xC240] =	vst v0;
	v0 =	vmul.f32 v11, v2  }
0x15b: {  	v6 =	vadd.f32 v7, v6;
	v10 =	vld [tilespmem:s20+$0x210];
	[tilespmem:s19+$0xC250] =	vst v1  }
0x15c: {  	v1 =	vadd.f32 v8, v5;
	v14 =	vld [tilespmem:s20+$0x8210];
	(erf) = vpow2.f32 v4;
	[tilespmem:s19+$0xC260] =	vst v0  }
.Ltmp4:
0x15d: {  	v0 =	vmul.f32 $9.999999770e-03, v6;
	v9 =	vadd.f32 v9, v3;
	v2 =	vld [tilespmem:s20+$0x220];
	[tilespmem:s19+$0xC220] =	vst v11;
	s19 =	smov.u32 s20;
	(pc) =	sbr.rel @p0 .LBB2_11-.Ltmp4, $4  }
0x15e: {  	v3 =	vmul.f32 $9.999999770e-03, v1;
	v5 =	vld [tilespmem:s19+$0x230]  }
0x15f: {  	v4 =	vmax.f32 v6, v0;
	v0 =	vadd.f32 v12, v13;
	v11 =	vmul.f32 $9.999999770e-03, v9;
	v6 =	vld [tilespmem:s19+$0x8230]  }
0x160: {  	s20 =	sshra.s32 s11, $0x2;
	v7 =	vmul.f32 $1.442695020e+00, v4;
	v1 =	vmax.f32 v1, v3;
	v3 =	vld [tilespmem:s19+$0x8220]  }
0x161: {  	s11 =	sadd.s32 $0x200, s11;
	v4 =	vld [tilespmem:s20+$0x270];
	v8 =	vmul.f32 $1.442695020e+00, v1;
	v1 =	vadd.f32 v14, v10;
	v9 =	vmax.f32 v9, v11  }
0x162: {  	v10 =	vld [tilespmem:s20+$0x8270]  }
0x163: {  	v11 =	vld [tilespmem:s20+$0x240]  }
0x164: {  	v12 =	vld [tilespmem:s20+$0x4270];
	(erf) = vpow2.f32 v7;
	v37 =	vmul.f32 $1.442695020e+00, v9;
	v5 =	vadd.f32 v6, v5  }
0x165: {  	v34 =	vld [tilespmem:s20+$0x8240];
	(erf) = vpow2.f32 v8;
	v35 =	vpop (erf)  }
0x166: {  	v13 =	vld [tilespmem:s20+$0x250];
	(erf) = vpow2.f32 v37;
	[tilespmem:s19+$0xC230] =	vst v35;
	v5 =	vmul.f32 v35, v5  }
0x167: {  	v36 =	vld [tilespmem:s20+$0x8250]  }
0x168: {  	v38 =	vld [tilespmem:s20+$0x260];
	[tilespmem:s19+$0xC270] =	vst v5  }
0x169: {  	v4 =	vadd.f32 v10, v4;
	v5 =	vld [tilespmem:s20+$0x8260]  }
0x16a: {  	v39 =	vld [tilespmem:s20+$0x4240]  }
0x16b: {  	v14 =	vld [tilespmem:s20+$0x4250];
	v4 =	vadd.f32 v12, v4;
	_ =	sdelay $0x1  }
0x16c: {  	v41 =	vadd.f32 v34, v11;
	v16 =	vld [tilespmem:s20+$0x4260];
	v15 =	vpop (erf);
	v43 =	vmul.f32 $9.999999770e-03, v4  }
0x16d: {  	v2 =	vadd.f32 v3, v2;
	v40 =	vpop (erf);
	v0 =	vmul.f32 v15, v0;
	v6 =	vadd.f32 v36, v13  }
0x16e: {  	[tilespmem:s19+$0xC200] =	vst v15;
	v1 =	vmul.f32 v40, v1;
	v44 =	vpop (erf);
	v4 =	vmax.f32 v4, v43;
	v3 =	vadd.f32 v39, v41  }
0x16f: {  	v17 =	vld [tilespmem:s20+$0x200];
	[tilespmem:s19+$0xC210] =	vst v40;
	v5 =	vadd.f32 v5, v38;
	v2 =	vmul.f32 v44, v2;
	v46 =	vadd.f32 v14, v6  }
0x170: {  	v42 =	vld [tilespmem:s20+$0x8200];
	[tilespmem:s19+$0xC240] =	vst v0;
	v4 =	vmul.f32 $1.442695020e+00, v4;
	v48 =	vmul.f32 $9.999999770e-03, v3  }
0x171: {  	v45 =	vld [tilespmem:s20+$0x210];
	[tilespmem:s19+$0xC250] =	vst v1;
	v5 =	vadd.f32 v16, v5;
	v49 =	vmul.f32 $9.999999770e-03, v46  }
0x172: {  	v47 =	vld [tilespmem:s20+$0x8210];
	[tilespmem:s19+$0xC260] =	vst v2;
	(erf) = vpow2.f32 v4;
	v3 =	vmax.f32 v3, v48  }
0x173: {  	v50 =	vld [tilespmem:s20+$0x220];
	[tilespmem:s19+$0xC220] =	vst v44;
	v51 =	vmul.f32 $9.999999770e-03, v5;
	v1 =	vmax.f32 v46, v49;
	v52 =	vmul.f32 $1.442695020e+00, v3  }
0x174: {  	v53 =	vld [tilespmem:s20+$0x230];
	v1 =	vmul.f32 $1.442695020e+00, v1  }
0x175: {  	v55 =	vld [tilespmem:s20+$0x8230];
	v54 =	vmax.f32 v5, v51;
	(erf) = vpow2.f32 v52  }
0x176: {  	v3 =	vmul.f32 $1.442695020e+00, v54;
	(erf) = vpow2.f32 v1;
	_ =	sdelay $0x1  }
0x177: {  	(erf) = vpow2.f32 v3;
	_ =	sdelay $0x1  }
0x178: {  	v57 =	vadd.f32 v55, v53  }
0x179: {  	v56 =	vld [tilespmem:s20+$0x8220];
	v58 =	vpop (erf)  }
0x17a: {  	v1 =	vmul.f32 v58, v57  }
0x17b: {  	v59 =	vadd.f32 v42, v17;
	[tilespmem:s20+$0xC230] =	vst v58  }
0x17c: {  	[tilespmem:s20+$0xC270] =	vst v1;
	v61 =	vpop (erf)  }
0x17d: {  	v60 =	vadd.f32 v47, v45;
	[tilespmem:s20+$0xC200] =	vst v61;
	v1 =	vmul.f32 v61, v59;
	v62 =	vpop (erf)  }
0x17e: {  	v0 =	vadd.f32 v56, v50;
	[tilespmem:s20+$0xC210] =	vst v62  }
0x17f: {  	v2 =	vmul.f32 v62, v60;
	v63 =	vpop (erf);
	[tilespmem:s20+$0xC240] =	vst v1  }
0x180: {  	s18 =	sadd.s32 $0x1, s18;
	v0 =	vmul.f32 v63, v0;
	[tilespmem:s20+$0xC220] =	vst v63  }
0x181: {  	p0 =	sne.s32 s18, $0x4F;
	[tilespmem:s20+$0xC250] =	vst v2  }
.Ltmp5:
0x182: {  	[tilespmem:s20+$0xC260] =	vst v0;
	(pc) =	sbr.rel @p0 .LBB2_10-.Ltmp5, $4  }
0x183: {  	[spmem:s2] =	stream.indirect.scatter.add.f32 [tilespmem:s14], [sflag:$0x4], $0x80, s25, s23, $0xb8;
	[tilespmem:$0x1A600] =	vst v63  }
0x184: {  	_ =	swait.ge [sflag:s22], $0x4000  }
0x185: {  	[sflag:s22] =	ssyncset.done $0x0  }
0x186: {  	[sflag:s22] =	ssyncadd.s32 $0xFFFFC000  }
0x187: {  	[bflag:$0x0] =	sbarrier.arrive $0xFFFF  }
0x188: {  	s11 =	rddreg [dreg:$0x7]  }
0x189: {  	[hbm:s11], [sflag:s12] =	dma.local [spmem:s21], $0x1480  }
0x18a: {  	_ =	swait.ge [sflag:s22], $0x1480  }
0x18b: {  	[sflag:s22] =	ssyncset.done $0x0  }
0x18c: {  	[sflag:s22] =	ssyncadd.s32 $0xFFFFEB80  }
0x18d: {  	[bflag:$0x0] =	sbarrier.arrive $0xFFFF  }
0x18e: {  	s20 =	rddreg [dreg:$0x4]  }
0x18f: {  	[spmem:s21], [sflag:s12] =	dma.local [hbm:s20], $0x1480  }
0x190: {  	_ =	swait.ge [sflag:s22], $0x1480  }
0x191: {  	[sflag:s22] =	ssyncset.done $0x0  }
0x192: {  	[sflag:s22] =	ssyncadd.s32 $0xFFFFEB80  }
0x193: {  	s17 =	simm.s32 $0x0;
	s18 =	simm.s32 $0x0;
	[bflag:$0x0] =	sbarrier.arrive $0xFFFF  }
.LBB2_14:
0x194: {  	s11 =	sshll.u32 s18, $0xB  }
0x195: {  	s11 =	sor.u32 s15, s11  }
0x196: {  	s19 =	sshrl.u32 s11, $0x3  }
0x197: {  	s19 =	sadd.s32 $0xED00, s19  }
0x198: {  	s20 =	sadd.s32 s1, s19  }
0x199: {  	[tilespmem:s17], [sflag:$0x4] =	stream.linear.gather [hbm4b:s20+s17], $0x80, $0x38;
	[tilespmem:$0x1A600] =	vst v63  }
0x19a: {  	_ =	swait.ge [sflag:s22], $0x80  }
0x19b: {  	[sflag:s22] =	ssyncset.done $0x0  }
0x19c: {  	s20 =	sadd.s32 s8, s19;
	[sflag:s22] =	ssyncadd.s32 $0xFFFFFF80  }
0x19d: {  	[tilespmem:s23], [sflag:$0x4] =	stream.linear.gather [hbm4b:s20+s17], $0x80, $0x38;
	[tilespmem:$0x1A600] =	vst v63  }
0x19e: {  	_ =	swait.ge [sflag:s22], $0x80  }
0x19f: {  	[sflag:s22] =	ssyncset.done $0x0  }
0x1a0: {  	s11 =	sshll.u32 s11, $0x1;
	s19 =	sadd.s32 s9, s19;
	[sflag:s22] =	ssyncadd.s32 $0xFFFFFF80  }
0x1a1: {  	[tilespmem:s24], [sflag:$0x4] =	stream.linear.gather [hbm4b:s19+s17], $0x80, $0x38;
	[tilespmem:$0x1A600] =	vst v63  }
0x1a2: {  	s11 =	sor.u32 s16, s11;
	_ =	swait.ge [sflag:s22], $0x80  }
0x1a3: {  	s11 =	sshrl.u32 s11, $0x3;
	[sflag:s22] =	ssyncset.done $0x0  }
0x1a4: {  	s11 =	sadd.s32 s10, s11;
	[sflag:s22] =	ssyncadd.s32 $0xFFFFFF80  }
0x1a5: {  	[tilespmem:s25], [sflag:$0x4] =	stream.linear.gather [hbm4b:s11+s17], $0x80, $0x38;
	[tilespmem:$0x1A600] =	vst v63  }
0x1a6: {  	_ =	swait.ge [sflag:s22], $0x80  }
0x1a7: {  	[sflag:s22] =	ssyncset.done $0x0  }
0x1a8: {  	[sflag:s22] =	ssyncadd.s32 $0xFFFFFF80  }
0x1a9: {  	[tilespmem:s26], [sflag:$0x1] =	stream.indirect.gather [hbm4b:s5+s23], $0x80, s17, s23, $0xb8;
	[tilespmem:$0x1A600] =	vst v63  }
0x1aa: {  	_ = 	snop  }
0x1ab: {  	[tilespmem:s28], [sflag:$0x2] =	stream.indirect.gather [hbm4b:s6+s23], $0x80, s23, s23, $0xb8;
	[tilespmem:$0x1A600] =	vst v63  }
0x1ac: {  	_ = 	snop  }
0x1ad: {  	[tilespmem:s29], [sflag:$0x3] =	stream.indirect.gather [hbm4b:s7+s23], $0x80, s24, s23, $0xb8;
	[tilespmem:$0x1A600] =	vst v63  }
0x1ae: {  	_ =	swait.ge [sflag:s30], $0x4000  }
0x1af: {  	[sflag:s30] =	ssyncset.done $0x0  }
0x1b0: {  	[sflag:s30] =	ssyncadd.s32 $0xFFFFC000  }
0x1b1: {  	_ =	swait.ge [sflag:s31], $0x4000  }
0x1b2: {  	[sflag:s31] =	ssyncset.done $0x0  }
0x1b3: {  	[sflag:s31] =	ssyncadd.s32 $0xFFFFC000  }
0x1b4: {  	_ =	swait.ge [sflag:s0], $0x4000  }
0x1b5: {  	[sflag:s0] =	ssyncset.done $0x0  }
0x1b6: {  	s19 =	simm.s32 $0x0;
	[sflag:s0] =	ssyncadd.s32 $0xFFFFC000  }
0x1b7: {  	v0 =	vld [tilespmem:s19+$0x270]  }
0x1b8: {  	v1 =	vld [tilespmem:s19+$0x8270]  }
0x1b9: {  	v2 =	vld [tilespmem:s19+$0x240]  }
0x1ba: {  	v3 =	vld [tilespmem:s19+$0x4270]  }
0x1bb: {  	v4 =	vld [tilespmem:s19+$0x8240]  }
0x1bc: {  	v5 =	vld [tilespmem:s19+$0x250]  }
0x1bd: {  	v6 =	vld [tilespmem:s19+$0x8250];
	v0 =	vadd.f32 v1, v0  }
0x1be: {  	v7 =	vld [tilespmem:s19+$0x260]  }
0x1bf: {  	v8 =	vld [tilespmem:s19+$0x8260];
	v0 =	vadd.f32 v3, v0  }
0x1c0: {  	v1 =	vld [tilespmem:s19+$0x4240]  }
0x1c1: {  	v9 =	vld [tilespmem:s19+$0x4250];
	v10 =	vmul.f32 $9.999999770e-03, v0  }
0x1c2: {  	v3 =	vld [tilespmem:s19+$0x4260]  }
0x1c3: {  	v11 =	vld [tilespmem:s19+$0x8200];
	v2 =	vadd.f32 v4, v2;
	v0 =	vmax.f32 v0, v10  }
0x1c4: {  	v12 =	vld [tilespmem:s19+$0x210];
	v5 =	vadd.f32 v6, v5;
	v0 =	vmul.f32 $1.442695020e+00, v0  }
0x1c5: {  	v4 =	vld [tilespmem:s19+$0x200];
	v6 =	vadd.f32 v8, v7;
	v1 =	vadd.f32 v1, v2  }
0x1c6: {  	v8 =	vadd.f32 v9, v5;
	v9 =	vld [tilespmem:s19+$0x8210];
	(erf) = vpow2.f32 v0  }
0x1c7: {  	v5 =	vld [tilespmem:s19+$0x230];
	v7 =	vmul.f32 $9.999999770e-03, v1;
	v10 =	vadd.f32 v3, v6  }
0x1c8: {  	v2 =	vld [tilespmem:s19+$0x220];
	v3 =	vmul.f32 $9.999999770e-03, v8  }
0x1c9: {  	v6 =	vld [tilespmem:s19+$0x8230];
	v1 =	vmax.f32 v1, v7;
	v13 =	vmul.f32 $9.999999770e-03, v10  }
0x1ca: {  	s20 =	simm.s32 $0x80;
	v0 =	vadd.f32 v11, v4;
	v7 =	vmul.f32 $1.442695020e+00, v1;
	v1 =	vmax.f32 v8, v3;
	v3 =	vld [tilespmem:s19+$0x8220]  }
0x1cb: {  	s11 =	simm.s32 $0x400;
	v4 =	vld [tilespmem:s20+$0x270];
	v8 =	vmul.f32 $1.442695020e+00, v1;
	v1 =	vadd.f32 v9, v12;
	v9 =	vmax.f32 v10, v13  }
.LBB2_15:
0x1cc: {  	p0 =	sne.s32 s11, $0xFE00;
	v10 =	vld [tilespmem:s20+$0x8270];
	v9 =	vmul.f32 $1.442695020e+00, v9;
	(erf) = vpow2.f32 v7  }
0x1cd: {  	v7 =	vld [tilespmem:s20+$0x240];
	(erf) = vpow2.f32 v8  }
0x1ce: {  	v8 =	vld [tilespmem:s20+$0x4270];
	v5 =	vadd.f32 v6, v5;
	(erf) = vpow2.f32 v9  }
0x1cf: {  	v6 =	vld [tilespmem:s20+$0x8240];
	v2 =	vadd.f32 v3, v2;
	v3 =	vpop (erf)  }
0x1d0: {  	v9 =	vld [tilespmem:s20+$0x250];
	[tilespmem:s19+$0xC230] =	vst v3;
	v3 =	vmul.f32 v3, v5  }
0x1d1: {  	v5 =	vld [tilespmem:s20+$0x8250];
	v4 =	vadd.f32 v10, v4  }
0x1d2: {  	v10 =	vld [tilespmem:s20+$0x260];
	[tilespmem:s19+$0xC270] =	vst v3  }
0x1d3: {  	v3 =	vld [tilespmem:s20+$0x8260];
	v4 =	vadd.f32 v8, v4  }
0x1d4: {  	v6 =	vadd.f32 v6, v7;
	v7 =	vld [tilespmem:s20+$0x4240]  }
0x1d5: {  	v8 =	vld [tilespmem:s20+$0x4250];
	v14 =	vmul.f32 $9.999999770e-03, v4;
	v12 =	vpop (erf)  }
0x1d6: {  	v5 =	vadd.f32 v5, v9;
	v9 =	vld [tilespmem:s20+$0x4260];
	[tilespmem:s19+$0xC200] =	vst v12;
	v0 =	vmul.f32 v12, v0;
	v12 =	vpop (erf)  }
0x1d7: {  	v13 =	vld [tilespmem:s20+$0x200];
	v4 =	vmax.f32 v4, v14;
	[tilespmem:s19+$0xC210] =	vst v12;
	v1 =	vmul.f32 v12, v1;
	v11 =	vpop (erf)  }
0x1d8: {  	v12 =	vld [tilespmem:s20+$0x8200];
	v3 =	vadd.f32 v3, v10;
	v4 =	vmul.f32 $1.442695020e+00, v4;
	[tilespmem:s19+$0xC240] =	vst v0;
	v0 =	vmul.f32 v11, v2  }
0x1d9: {  	v6 =	vadd.f32 v7, v6;
	v10 =	vld [tilespmem:s20+$0x210];
	[tilespmem:s19+$0xC250] =	vst v1  }
0x1da: {  	v1 =	vadd.f32 v8, v5;
	v14 =	vld [tilespmem:s20+$0x8210];
	(erf) = vpow2.f32 v4;
	[tilespmem:s19+$0xC260] =	vst v0  }
.Ltmp6:
0x1db: {  	v0 =	vmul.f32 $9.999999770e-03, v6;
	v9 =	vadd.f32 v9, v3;
	v2 =	vld [tilespmem:s20+$0x220];
	[tilespmem:s19+$0xC220] =	vst v11;
	s19 =	smov.u32 s20;
	(pc) =	sbr.rel @p0 .LBB2_15-.Ltmp6, $4  }
0x1dc: {  	v3 =	vmul.f32 $9.999999770e-03, v1;
	v5 =	vld [tilespmem:s19+$0x230]  }
0x1dd: {  	v4 =	vmax.f32 v6, v0;
	v0 =	vadd.f32 v12, v13;
	v11 =	vmul.f32 $9.999999770e-03, v9;
	v6 =	vld [tilespmem:s19+$0x8230]  }
0x1de: {  	s20 =	sshra.s32 s11, $0x2;
	v7 =	vmul.f32 $1.442695020e+00, v4;
	v1 =	vmax.f32 v1, v3;
	v3 =	vld [tilespmem:s19+$0x8220]  }
0x1df: {  	s11 =	sadd.s32 $0x200, s11;
	v4 =	vld [tilespmem:s20+$0x270];
	v8 =	vmul.f32 $1.442695020e+00, v1;
	v1 =	vadd.f32 v14, v10;
	v9 =	vmax.f32 v9, v11  }
0x1e0: {  	v10 =	vld [tilespmem:s20+$0x8270]  }
0x1e1: {  	v11 =	vld [tilespmem:s20+$0x240]  }
0x1e2: {  	v12 =	vld [tilespmem:s20+$0x4270];
	(erf) = vpow2.f32 v7;
	v37 =	vmul.f32 $1.442695020e+00, v9;
	v5 =	vadd.f32 v6, v5  }
0x1e3: {  	v34 =	vld [tilespmem:s20+$0x8240];
	(erf) = vpow2.f32 v8;
	v35 =	vpop (erf)  }
0x1e4: {  	v13 =	vld [tilespmem:s20+$0x250];
	(erf) = vpow2.f32 v37;
	[tilespmem:s19+$0xC230] =	vst v35;
	v5 =	vmul.f32 v35, v5  }
0x1e5: {  	v36 =	vld [tilespmem:s20+$0x8250]  }
0x1e6: {  	v38 =	vld [tilespmem:s20+$0x260];
	[tilespmem:s19+$0xC270] =	vst v5  }
0x1e7: {  	v4 =	vadd.f32 v10, v4;
	v5 =	vld [tilespmem:s20+$0x8260]  }
0x1e8: {  	v39 =	vld [tilespmem:s20+$0x4240]  }
0x1e9: {  	v14 =	vld [tilespmem:s20+$0x4250];
	v4 =	vadd.f32 v12, v4;
	_ =	sdelay $0x1  }
0x1ea: {  	v41 =	vadd.f32 v34, v11;
	v16 =	vld [tilespmem:s20+$0x4260];
	v15 =	vpop (erf);
	v43 =	vmul.f32 $9.999999770e-03, v4  }
0x1eb: {  	v2 =	vadd.f32 v3, v2;
	v40 =	vpop (erf);
	v0 =	vmul.f32 v15, v0;
	v6 =	vadd.f32 v36, v13  }
0x1ec: {  	[tilespmem:s19+$0xC200] =	vst v15;
	v1 =	vmul.f32 v40, v1;
	v44 =	vpop (erf);
	v4 =	vmax.f32 v4, v43;
	v3 =	vadd.f32 v39, v41  }
0x1ed: {  	v17 =	vld [tilespmem:s20+$0x200];
	[tilespmem:s19+$0xC210] =	vst v40;
	v5 =	vadd.f32 v5, v38;
	v2 =	vmul.f32 v44, v2;
	v46 =	vadd.f32 v14, v6  }
0x1ee: {  	v42 =	vld [tilespmem:s20+$0x8200];
	[tilespmem:s19+$0xC240] =	vst v0;
	v4 =	vmul.f32 $1.442695020e+00, v4;
	v48 =	vmul.f32 $9.999999770e-03, v3  }
0x1ef: {  	v45 =	vld [tilespmem:s20+$0x210];
	[tilespmem:s19+$0xC250] =	vst v1;
	v5 =	vadd.f32 v16, v5;
	v49 =	vmul.f32 $9.999999770e-03, v46  }
0x1f0: {  	v47 =	vld [tilespmem:s20+$0x8210];
	[tilespmem:s19+$0xC260] =	vst v2;
	(erf) = vpow2.f32 v4;
	v3 =	vmax.f32 v3, v48  }
0x1f1: {  	v50 =	vld [tilespmem:s20+$0x220];
	[tilespmem:s19+$0xC220] =	vst v44;
	v51 =	vmul.f32 $9.999999770e-03, v5;
	v1 =	vmax.f32 v46, v49;
	v52 =	vmul.f32 $1.442695020e+00, v3  }
0x1f2: {  	v53 =	vld [tilespmem:s20+$0x230];
	v1 =	vmul.f32 $1.442695020e+00, v1  }
0x1f3: {  	v55 =	vld [tilespmem:s20+$0x8230];
	v54 =	vmax.f32 v5, v51;
	(erf) = vpow2.f32 v52  }
0x1f4: {  	v3 =	vmul.f32 $1.442695020e+00, v54;
	(erf) = vpow2.f32 v1;
	_ =	sdelay $0x1  }
0x1f5: {  	(erf) = vpow2.f32 v3;
	_ =	sdelay $0x1  }
0x1f6: {  	v57 =	vadd.f32 v55, v53  }
0x1f7: {  	v56 =	vld [tilespmem:s20+$0x8220];
	v58 =	vpop (erf)  }
0x1f8: {  	v1 =	vmul.f32 v58, v57  }
0x1f9: {  	v59 =	vadd.f32 v42, v17;
	[tilespmem:s20+$0xC230] =	vst v58  }
0x1fa: {  	[tilespmem:s20+$0xC270] =	vst v1;
	v61 =	vpop (erf)  }
0x1fb: {  	v60 =	vadd.f32 v47, v45;
	[tilespmem:s20+$0xC200] =	vst v61;
	v1 =	vmul.f32 v61, v59;
	v62 =	vpop (erf)  }
0x1fc: {  	v0 =	vadd.f32 v56, v50;
	[tilespmem:s20+$0xC210] =	vst v62  }
0x1fd: {  	v2 =	vmul.f32 v62, v60;
	v63 =	vpop (erf);
	[tilespmem:s20+$0xC240] =	vst v1  }
0x1fe: {  	s18 =	sadd.s32 $0x1, s18;
	v0 =	vmul.f32 v63, v0;
	[tilespmem:s20+$0xC220] =	vst v63  }
0x1ff: {  	p0 =	sne.s32 s18, $0x4F;
	[tilespmem:s20+$0xC250] =	vst v2  }
.Ltmp7:
0x200: {  	[tilespmem:s20+$0xC260] =	vst v0;
	(pc) =	sbr.rel @p0 .LBB2_14-.Ltmp7, $4  }
0x201: {  	[spmem:s2] =	stream.indirect.scatter.add.f32 [tilespmem:s14], [sflag:$0x4], $0x80, s25, s23, $0xb8;
	[tilespmem:$0x1A600] =	vst v63  }
0x202: {  	_ =	swait.ge [sflag:s22], $0x4000  }
0x203: {  	[sflag:s22] =	ssyncset.done $0x0  }
0x204: {  	[sflag:s22] =	ssyncadd.s32 $0xFFFFC000  }
0x205: {  	[bflag:$0x0] =	sbarrier.arrive $0xFFFF  }
0x206: {  	s11 =	rddreg [dreg:$0x8]  }
0x207: {  	[hbm:s11], [sflag:s12] =	dma.local [spmem:s21], $0x1480  }
0x208: {  	_ =	swait.ge [sflag:s22], $0x1480  }
0x209: {  	s3 =	sadd.s32 $0x1, s3;
	s20 =	rddreg [dreg:$0x9]  }
0x20a: {  	p0 =	sne.s32 s3, s20  }
.Ltmp8:
0x20b: {  	_ = 	snop;
	(pc) =	sbr.rel @p0 .LBB2_1-.Ltmp8, $3  }
0x20c: {  	[sflag:s22] =	ssyncset.done $0x0  }
0x20d: {  	[sflag:s22] =	ssyncadd.s32 $0xFFFFEB80  }
0x20e: {  	[bflag:$0x0] =	sbarrier.arrive $0xFFFF;
	_ =	sdelay $0x1  }
0x20f: {  	_ =	sfence.sel $0x180000  }
0x210: {  	[bflag:$0x0] =	sbarrier.arrive $0xFFFF  }
0x211: {  	_ =	strace $0x90000047  }
0x212: {  	[bflag:$0x2] =	sbarrier.arrive $0xFFFF  }
0x213: {  	p0 =	sne.s32 s4, $0x0;
	s0 =	rddreg [dreg:$0x3]  }
0x214: {  	s0 =	sadd.s32 @!p0 $0x100000, s0  }
0x215: {  	[sflag:s0] =	ssyncadd.tile.s32 @!p0 $0x1;
	_ =	shalt  }
.Lfunc_end2:
_tile_overlayer_lowered:
.L_overlay_start_2:
0x216: {  	(tag) =	ssettag $0x2  }
0x217: {  	s0 =	rddreg [dreg:$0x0];
	s2 =	stileid.u32  }
0x218: {  	s1 =	rddreg [dreg:$0x1];
	p0 =	sne.s32 s2, $0x0  }
0x219: {  	s3 =	rddreg [dreg:$0x2];
	[bflag:$0x3] =	sbarrier.arrive $0xFFFF;
	s2 =	simm.s32 @!p0 $0x1C04  }
0x21a: {  	[timem:s3], [sflag:s2] =	dma.local @!p0 [hbm:s0], s1  }
0x21b: {  	s0 =	simm.s32 @!p0 $0x4  }
0x21c: {  	_ =	swait.ge @!p0 [sflag:s0], s1  }
0x21d: {  	s1 =	ssub.s32 @!p0 $0x0, s1;
	[sflag:s0] =	ssyncset.done @!p0 $0x0  }
0x21e: {  	[sflag:s0] =	ssyncadd.s32 @!p0 s1  }
0x21f: {  	[bflag:$0x3] =	sbarrier.arrive $0xFFFF  }
0x220: {  	_ =	shalt  }

</sc_bundles>
